<compile_context>
chip_gen: v7x
topology: tpu7x:2x2x1
jax: 0.10.2.dev20260603
libtpu: 0.0.44.dev20260713+nightly
codegen_flags: <defaults>
</compile_context>

<pallas_src>
import functools

import jax
import jax.numpy as jnp
from jax import lax
from jax.experimental import pallas as pl
from jax.experimental.pallas import tpu as pltpu
from jax.experimental.pallas import tpu_sc as plsc

NS = 16
K = 128


def _mesh():
    return plsc.VectorSubcoreMesh(
        core_axis_name="c", subcore_axis_name="s", num_cores=1, num_subcores=NS
    )


CB = 40


@functools.lru_cache(maxsize=None)
def _make_aggregate_kernel(n, d, nbatch, gather):
    npad = n + 8
    rpt8 = (npad // NS) // 8 * 8
    zrem = npad - rpt8 * NS
    crem = n - rpt8 * NS

    scratch = [
        pltpu.VMEM((CB, K), jnp.int32),
        pltpu.VMEM((K, d), jnp.float32),
        pltpu.VMEM_SHARED((npad, d), jnp.float32),
    ]
    if gather:
        scratch.insert(1, pltpu.VMEM((CB, K), jnp.int32))
        scratch.insert(3, pltpu.VMEM((K, d), jnp.float32))
    scratch += [pltpu.SemaphoreType.DMA, pltpu.SemaphoreType.DMA]

    def zero_init(zeros_hbm, acc_sh, sid):
        row0 = sid * rpt8
        pltpu.sync_copy(zeros_hbm.at[pl.ds(row0, rpt8)], acc_sh.at[pl.ds(row0, rpt8)])

        @pl.when(sid == NS - 1)
        def _():
            pltpu.sync_copy(
                zeros_hbm.at[pl.ds(NS * rpt8, zrem)], acc_sh.at[pl.ds(NS * rpt8, zrem)]
            )

    def copy_out(acc_sh, out_hbm, sid):
        row0 = sid * rpt8
        pltpu.sync_copy(acc_sh.at[pl.ds(row0, rpt8)], out_hbm.at[pl.ds(row0, rpt8)])

        @pl.when(sid == NS - 1)
        def _():
            pltpu.sync_copy(
                acc_sh.at[pl.ds(NS * rpt8, crem)], out_hbm.at[pl.ds(NS * rpt8, crem)]
            )

    def body_gather(y_hbm, src_hbm, dst_hbm, zeros_hbm, out_hbm,
                    dst_v, src_v, m0, m1, acc_sh, sem0, sem1):
        sid = lax.axis_index("s")
        zero_init(zeros_hbm, acc_sh, sid)
        plsc.subcore_barrier()

        for b in range(nbatch):
            pltpu.sync_copy(src_hbm.at[sid, pl.ds(b * CB, CB)], src_v)
            pltpu.sync_copy(dst_hbm.at[sid, pl.ds(b * CB, CB)], dst_v)

            def loop(jj, carry):
                j0 = 2 * jj
                j1 = j0 + 1
                c0 = pltpu.async_copy(y_hbm.at[src_v.at[j0]], m0, sem0)
                c1 = pltpu.async_copy(y_hbm.at[src_v.at[j1]], m1, sem1)
                c0.wait()
                pltpu.sync_copy(m0, acc_sh.at[dst_v.at[j0]], add=True)
                c1.wait()
                pltpu.sync_copy(m1, acc_sh.at[dst_v.at[j1]], add=True)
                return carry

            lax.fori_loop(0, CB // 2, loop, 0)

        plsc.subcore_barrier()
        copy_out(acc_sh, out_hbm, sid)

    def body_ones(dst_hbm, zeros_hbm, out_hbm, dst_v, ones_v, acc_sh, sem0, sem1):
        sid = lax.axis_index("s")
        one = jnp.full((16,), 1.0, jnp.float32)

        def fill(i, carry):
            for q in range(d // 16):
                ones_v[i, pl.ds(q * 16, 16)] = one
            return carry

        lax.fori_loop(0, K, fill, 0)
        zero_init(zeros_hbm, acc_sh, sid)
        plsc.subcore_barrier()

        for b in range(nbatch):
            pltpu.sync_copy(dst_hbm.at[sid, pl.ds(b * CB, CB)], dst_v)

            def loop(jj, carry):
                j0 = 2 * jj
                c0 = pltpu.async_copy(ones_v, acc_sh.at[dst_v.at[j0]], sem0, add=True)
                c1 = pltpu.async_copy(ones_v, acc_sh.at[dst_v.at[j0 + 1]], sem1, add=True)
                c0.wait()
                c1.wait()
                return carry

            lax.fori_loop(0, CB // 2, loop, 0)

        plsc.subcore_barrier()
        copy_out(acc_sh, out_hbm, sid)

    return pl.kernel(
        body_gather if gather else body_ones,
        out_type=jax.ShapeDtypeStruct((n, d), jnp.float32),
        mesh=_mesh(),
        scratch_types=scratch,
    )


def _dinv_block(s_ones):
    return lax.rsqrt(s_ones[:, 0:1] + 1.0)


def _tc_prep(x, s_ones, block):
    n, d = x.shape

    def body(x_ref, so_ref, y_ref):
        y_ref[...] = x_ref[...] * _dinv_block(so_ref[...])

    spec = pl.BlockSpec((block, d), lambda i: (i, 0))
    return pl.pallas_call(
        body,
        grid=(n // block,),
        in_specs=[spec, spec],
        out_specs=spec,
        out_shape=jax.ShapeDtypeStruct((n, d), jnp.float32),
    )(x, s_ones)


def _tc_mid(s, y, s_ones, w, b, block):
    n, d = y.shape

    def body(s_ref, y_ref, so_ref, w_ref, b_ref, h_ref, yn_ref):
        dinv = _dinv_block(so_ref[...])
        agg = (s_ref[...] + y_ref[...]) * dinv
        h = jnp.dot(agg, w_ref[...], preferred_element_type=jnp.float32)
        h = h + b_ref[...]
        h_ref[...] = h
        yn_ref[...] = jnp.maximum(h, 0.0) * dinv

    spec = pl.BlockSpec((block, d), lambda i: (i, 0))
    return pl.pallas_call(
        body,
        grid=(n // block,),
        in_specs=[
            spec, spec, spec,
            pl.BlockSpec((d, d), lambda i: (0, 0)),
            pl.BlockSpec((1, d), lambda i: (0, 0)),
        ],
        out_specs=[spec, spec],
        out_shape=[
            jax.ShapeDtypeStruct((n, d), jnp.float32),
            jax.ShapeDtypeStruct((n, d), jnp.float32),
        ],
    )(s, y, s_ones, w, b.reshape(1, d))


def _tc_final(s, y, s_ones, w2, b2, wp1, bp1, wp2, bp2, block):
    n, d = y.shape

    def body(s_ref, y_ref, so_ref, w2_ref, b2_ref, wp1_ref, bp1_ref,
             wp2_ref, bp2_ref, h2_ref, out_ref):
        dinv = _dinv_block(so_ref[...])
        agg = (s_ref[...] + y_ref[...]) * dinv
        h2 = jnp.dot(agg, w2_ref[...], preferred_element_type=jnp.float32)
        h2 = h2 + b2_ref[...]
        h2_ref[...] = h2
        r = jnp.maximum(h2, 0.0)
        t = jnp.dot(r, wp1_ref[...], preferred_element_type=jnp.float32)
        t = t + bp1_ref[...]
        p = jnp.dot(t, wp2_ref[...], preferred_element_type=jnp.float32)
        p = p + bp2_ref[...]
        m = jnp.max(p, axis=1, keepdims=True)
        lse = jnp.log(jnp.sum(jnp.exp(p - m), axis=1, keepdims=True)) + m
        out_ref[...] = p - lse

    spec = pl.BlockSpec((block, d), lambda i: (i, 0))
    wspec = pl.BlockSpec((d, d), lambda i: (0, 0))
    bspec = pl.BlockSpec((1, d), lambda i: (0, 0))
    return pl.pallas_call(
        body,
        grid=(n // block,),
        in_specs=[spec, spec, spec, wspec, bspec, wspec, bspec, wspec, bspec],
        out_specs=[spec, spec],
        out_shape=[
            jax.ShapeDtypeStruct((n, d), jnp.float32),
            jax.ShapeDtypeStruct((n, d), jnp.float32),
        ],
    )(s, y, s_ones, w2, b2.reshape(1, d), wp1, bp1.reshape(1, d),
      wp2, bp2.reshape(1, d))


@jax.jit
def kernel(x, edge_index, batch, W1, b1, W2, b2, Wp1, bp1, Wp2, bp2):
    n, d = x.shape
    e = edge_index.shape[1]
    nbatch = -(-e // (NS * K * CB))
    chunks = nbatch * CB
    epad = chunks * NS * K - e
    pad_i = jnp.arange(epad, dtype=jnp.int32)
    src3 = jnp.concatenate([edge_index[0], pad_i % 64]).reshape(NS, chunks, K)
    dst3 = jnp.concatenate([edge_index[1], n + (pad_i % 8)]).reshape(NS, chunks, K)
    zeros = jnp.zeros((n + 8, d), jnp.float32)

    agg_ones = _make_aggregate_kernel(n, d, nbatch, False)
    agg = _make_aggregate_kernel(n, d, nbatch, True)

    block = 1000
    s_ones = agg_ones(dst3, zeros)
    y1 = _tc_prep(x, s_ones, block)
    s1 = agg(y1, src3, dst3, zeros)
    h1, y2 = _tc_mid(s1, y1, s_ones, W1, b1, block)
    s2 = agg(y2, src3, dst3, zeros)
    h2, out = _tc_final(s2, y2, s_ones, W2, b2, Wp1, bp1, Wp2, bp2, block)
    return (h1, h2, out)

# --- scband reference (transcript-rebuilt; emitter-appended) ---
"""Pipeline reference for scband-gcn-28965259444535 (READ-ONLY COPY).

The authoritative reference and input builder live on the scoring server;
editing this copy changes nothing except your own understanding.
"""

import jax, jax.numpy as jnp
import numpy as np

N = 10000
E = 320000
D = 128


def setup_inputs(seed: int = 0):
    key = jax.random.key(seed)
    ks = jax.random.split(key, 10)
    s = 0.05
    return {
        "x": jax.random.normal(ks[0], (N, D), dtype=jnp.float32),
        "edge_index": jax.random.randint(ks[1], (2, E), 0, N, dtype=jnp.int32),
        "batch": jnp.zeros((N,), dtype=jnp.int32),
        "W1": jax.random.normal(ks[2], (D, D), dtype=jnp.float32) * s,
        "b1": jnp.zeros((D,), dtype=jnp.float32),
        "W2": jax.random.normal(ks[3], (D, D), dtype=jnp.float32) * s,
        "b2": jnp.zeros((D,), dtype=jnp.float32),
        "Wp1": jax.random.normal(ks[4], (D, D), dtype=jnp.float32) * s,
        "bp1": jnp.zeros((D,), dtype=jnp.float32),
        "Wp2": jax.random.normal(ks[5], (D, D), dtype=jnp.float32) * s,
        "bp2": jnp.zeros((D,), dtype=jnp.float32),
    }


def _gcn_conv(x, edge_index, W, b):
    # Standard GCN conv: add self-loops, symmetric degree normalization,
    # scatter-add aggregation over edges, then linear transform.
    n = x.shape[0]
    loop = jnp.arange(n, dtype=edge_index.dtype)
    src = jnp.concatenate([edge_index[0], loop])
    dst = jnp.concatenate([edge_index[1], loop])
    deg = jnp.zeros((n,), dtype=x.dtype).at[dst].add(1.0)
    dinv = jax.lax.rsqrt(jnp.maximum(deg, 1.0))
    norm = dinv[src] * dinv[dst]
    msg = x[src] * norm[:, None]          # gather
    agg = jnp.zeros_like(x).at[dst].add(msg)  # scatter-add
    return agg @ W + b


def reference(x, edge_index, batch, W1, b1, W2, b2, Wp1, bp1, Wp2, bp2):
    # GConv1
    h = _gcn_conv(x, edge_index, W1, b1)
    embedding_1 = h
    h = jax.nn.relu(h)
    # dropout p=0.25 is identity in eval mode
    # GConv2
    h = _gcn_conv(h, edge_index, W2, b2)
    embedding_2 = h
    h = jax.nn.relu(h)
    # post_message_passing: Linear -> Dropout(eval: identity) -> Linear
    h = h @ Wp1 + bp1
    h = h @ Wp2 + bp2
    out = jax.nn.log_softmax(h, axis=1)
    return (embedding_1, embedding_2, out)

if __name__ == "__main__":
    import jax
    _d = setup_inputs()
    print(jax.jit(kernel)(*tuple(_d.values())))

</pallas_src>

<mosaic_0001>
#map = affine_map<(d0, d1) -> (0, 0)>
#map1 = affine_map<(d0, d1) -> (0, 0, 0)>
module attributes {stable_mosaic.version = 14 : i64} {
  func.func @body_gather(%arg0: i32, %arg1: i32, %arg2: memref<10000x128xf32, #tpu.memory_space<hbm>>, %arg3: memref<16x160x128xi32, #tpu.memory_space<hbm>>, %arg4: memref<16x160x128xi32, #tpu.memory_space<hbm>>, %arg5: memref<10008x128xf32, #tpu.memory_space<hbm>>, %arg6: memref<10000x128xf32, #tpu.memory_space<hbm>>, %arg7: memref<40x128xi32, #tpu.memory_space<vmem>>, %arg8: memref<40x128xi32, #tpu.memory_space<vmem>>, %arg9: memref<128x128xf32, #tpu.memory_space<vmem>>, %arg10: memref<128x128xf32, #tpu.memory_space<vmem>>, %arg11: memref<10008x128xf32, #tpu.memory_space<vmem_shared>>, %arg12: memref<!tpu.dma_semaphore, #tpu.memory_space<semaphore_mem>>, %arg13: memref<!tpu.dma_semaphore, #tpu.memory_space<semaphore_mem>>) attributes {dimension_semantics = [#tpu.dimension_semantics<core_parallel>, #tpu.dimension_semantics<subcore_parallel>], iteration_bounds = array<i64: 1, 16>, scalar_prefetch = 0 : i64, scratch_operands = 7 : i64, tpu.core_type = #tpu.core_type<sc_vector_subcore>, window_params = [{transform_indices = #map}, {transform_indices = #map1}, {transform_indices = #map1}, {transform_indices = #map}, {transform_indices = #map}]} {
    %mul3A = arith.constant 624 : i32
    %mul3A_0 = arith.muli %arg1, %mul3A : i32
    "tpu.region"() ({
      %run_scoped3A = tpu.sem_alloc : memref<!tpu.dma_semaphore, #tpu.memory_space<semaphore_mem>>
      %dma_start3A = arith.constant 0 : i32
      %dma_start3A_34 = tpu.memref_slice %arg11[%mul3A_0, %dma_start3A] : memref<10008x128xf32, #tpu.memory_space<vmem_shared>> -> memref<624x128xf32, #tpu.memory_space<vmem_shared>>
      %dma_start3A_35 = arith.constant 0 : i32
      %dma_start3A_36 = tpu.memref_slice %arg5[%mul3A_0, %dma_start3A_35] : memref<10008x128xf32, #tpu.memory_space<hbm>> -> memref<624x128xf32, #tpu.memory_space<hbm>>
      tpu.enqueue_dma source(%dma_start3A_36 : memref<624x128xf32, #tpu.memory_space<hbm>>) target(%dma_start3A_34 : memref<624x128xf32, #tpu.memory_space<vmem_shared>>) target_semaphore(%run_scoped3A : memref<!tpu.dma_semaphore, #tpu.memory_space<semaphore_mem>>)
      %dma_wait3A = arith.constant 0 : i32
      %dma_wait3A_37 = tpu.memref_slice %arg11[%mul3A_0, %dma_wait3A] : memref<10008x128xf32, #tpu.memory_space<vmem_shared>> -> memref<624x128xf32, #tpu.memory_space<vmem_shared>>
      %dma_wait3A_38 = arith.constant 0 : i32
      %dma_wait3A_39 = tpu.memref_slice %arg5[%mul3A_0, %dma_wait3A_38] : memref<10008x128xf32, #tpu.memory_space<hbm>> -> memref<624x128xf32, #tpu.memory_space<hbm>>
      tpu.wait_dma2 semaphore(%run_scoped3A : memref<!tpu.dma_semaphore, #tpu.memory_space<semaphore_mem>>) src(%dma_wait3A_39 : memref<624x128xf32, #tpu.memory_space<hbm>>) dst(%dma_wait3A_37 : memref<624x128xf32, #tpu.memory_space<vmem_shared>>)
      tpu.yield
    }) : () -> ()
    %eq3A = arith.constant 15 : i32
    %eq3A_1 = arith.cmpi eq, %arg1, %eq3A : i32
    %convert_element_type3A = arith.extui %eq3A_1 : i1 to i32
    %cond3A = arith.constant 0 : i32
    %cond3A_2 = arith.cmpi ne, %convert_element_type3A, %cond3A : i32
    scf.if %cond3A_2 {
      "tpu.region"() ({
        %run_scoped3A = tpu.sem_alloc : memref<!tpu.dma_semaphore, #tpu.memory_space<semaphore_mem>>
        %dma_start3A = arith.constant 9984 : i32
        %dma_start3A_34 = arith.constant 0 : i32
        %dma_start3A_35 = tpu.memref_slice %arg11[%dma_start3A, %dma_start3A_34] : memref<10008x128xf32, #tpu.memory_space<vmem_shared>> -> memref<24x128xf32, #tpu.memory_space<vmem_shared>>
        %dma_start3A_36 = arith.constant 9984 : i32
        %dma_start3A_37 = arith.constant 0 : i32
        %dma_start3A_38 = tpu.memref_slice %arg5[%dma_start3A_36, %dma_start3A_37] : memref<10008x128xf32, #tpu.memory_space<hbm>> -> memref<24x128xf32, #tpu.memory_space<hbm>>
        tpu.enqueue_dma source(%dma_start3A_38 : memref<24x128xf32, #tpu.memory_space<hbm>>) target(%dma_start3A_35 : memref<24x128xf32, #tpu.memory_space<vmem_shared>>) target_semaphore(%run_scoped3A : memref<!tpu.dma_semaphore, #tpu.memory_space<semaphore_mem>>)
        %dma_wait3A = arith.constant 9984 : i32
        %dma_wait3A_39 = arith.constant 0 : i32
        %dma_wait3A_40 = tpu.memref_slice %arg11[%dma_wait3A, %dma_wait3A_39] : memref<10008x128xf32, #tpu.memory_space<vmem_shared>> -> memref<24x128xf32, #tpu.memory_space<vmem_shared>>
        %dma_wait3A_41 = arith.constant 9984 : i32
        %dma_wait3A_42 = arith.constant 0 : i32
        %dma_wait3A_43 = tpu.memref_slice %arg5[%dma_wait3A_41, %dma_wait3A_42] : memref<10008x128xf32, #tpu.memory_space<hbm>> -> memref<24x128xf32, #tpu.memory_space<hbm>>
        tpu.wait_dma2 semaphore(%run_scoped3A : memref<!tpu.dma_semaphore, #tpu.memory_space<semaphore_mem>>) src(%dma_wait3A_43 : memref<24x128xf32, #tpu.memory_space<hbm>>) dst(%dma_wait3A_40 : memref<24x128xf32, #tpu.memory_space<vmem_shared>>)
        tpu.yield
      }) : () -> ()
    } else {
    }
    %barrier3A = arith.constant 0 : index
    tpu.barrier barrier_id(%barrier3A)
    "tpu.region"() ({
      %run_scoped3A = tpu.sem_alloc : memref<!tpu.dma_semaphore, #tpu.memory_space<semaphore_mem>>
      %dma_start3A = arith.constant 0 : i32
      %dma_start3A_34 = arith.constant 0 : i32
      %dma_start3A_35 = tpu.memref_slice %arg3[%arg1, %dma_start3A, %dma_start3A_34] : memref<16x160x128xi32, #tpu.memory_space<hbm>> -> memref<1x40x128xi32, #tpu.memory_space<hbm>>
      %dma_start3A_36 = tpu.memref_squeeze %dma_start3A_35 : memref<1x40x128xi32, #tpu.memory_space<hbm>> -> memref<40x128xi32, #tpu.memory_space<hbm>>
      %dma_start3A_37 = arith.constant 0 : i32
      %dma_start3A_38 = arith.constant 0 : i32
      %dma_start3A_39 = tpu.memref_slice %arg3[%arg1, %dma_start3A_37, %dma_start3A_38] : memref<16x160x128xi32, #tpu.memory_space<hbm>> -> memref<1x40x128xi32, #tpu.memory_space<hbm>>
      %dma_start3A_40 = tpu.memref_squeeze %dma_start3A_39 : memref<1x40x128xi32, #tpu.memory_space<hbm>> -> memref<40x128xi32, #tpu.memory_space<hbm>>
      tpu.enqueue_dma source(%dma_start3A_40 : memref<40x128xi32, #tpu.memory_space<hbm>>) target(%arg8 : memref<40x128xi32, #tpu.memory_space<vmem>>) target_semaphore(%run_scoped3A : memref<!tpu.dma_semaphore, #tpu.memory_space<semaphore_mem>>)
      %dma_wait3A = arith.constant 0 : i32
      %dma_wait3A_41 = arith.constant 0 : i32
      %dma_wait3A_42 = tpu.memref_slice %arg3[%arg1, %dma_wait3A, %dma_wait3A_41] : memref<16x160x128xi32, #tpu.memory_space<hbm>> -> memref<1x40x128xi32, #tpu.memory_space<hbm>>
      %dma_wait3A_43 = tpu.memref_squeeze %dma_wait3A_42 : memref<1x40x128xi32, #tpu.memory_space<hbm>> -> memref<40x128xi32, #tpu.memory_space<hbm>>
      %dma_wait3A_44 = arith.constant 0 : i32
      %dma_wait3A_45 = arith.constant 0 : i32
      %dma_wait3A_46 = tpu.memref_slice %arg3[%arg1, %dma_wait3A_44, %dma_wait3A_45] : memref<16x160x128xi32, #tpu.memory_space<hbm>> -> memref<1x40x128xi32, #tpu.memory_space<hbm>>
      %dma_wait3A_47 = tpu.memref_squeeze %dma_wait3A_46 : memref<1x40x128xi32, #tpu.memory_space<hbm>> -> memref<40x128xi32, #tpu.memory_space<hbm>>
      tpu.wait_dma2 semaphore(%run_scoped3A : memref<!tpu.dma_semaphore, #tpu.memory_space<semaphore_mem>>) src(%dma_wait3A_47 : memref<40x128xi32, #tpu.memory_space<hbm>>) dst(%arg8 : memref<40x128xi32, #tpu.memory_space<vmem>>)
      tpu.yield
    }) : () -> ()
    "tpu.region"() ({
      %run_scoped3A = tpu.sem_alloc : memref<!tpu.dma_semaphore, #tpu.memory_space<semaphore_mem>>
      %dma_start3A = arith.constant 0 : i32
      %dma_start3A_34 = arith.constant 0 : i32
      %dma_start3A_35 = tpu.memref_slice %arg4[%arg1, %dma_start3A, %dma_start3A_34] : memref<16x160x128xi32, #tpu.memory_space<hbm>> -> memref<1x40x128xi32, #tpu.memory_space<hbm>>
      %dma_start3A_36 = tpu.memref_squeeze %dma_start3A_35 : memref<1x40x128xi32, #tpu.memory_space<hbm>> -> memref<40x128xi32, #tpu.memory_space<hbm>>
      %dma_start3A_37 = arith.constant 0 : i32
      %dma_start3A_38 = arith.constant 0 : i32
      %dma_start3A_39 = tpu.memref_slice %arg4[%arg1, %dma_start3A_37, %dma_start3A_38] : memref<16x160x128xi32, #tpu.memory_space<hbm>> -> memref<1x40x128xi32, #tpu.memory_space<hbm>>
      %dma_start3A_40 = tpu.memref_squeeze %dma_start3A_39 : memref<1x40x128xi32, #tpu.memory_space<hbm>> -> memref<40x128xi32, #tpu.memory_space<hbm>>
      tpu.enqueue_dma source(%dma_start3A_40 : memref<40x128xi32, #tpu.memory_space<hbm>>) target(%arg7 : memref<40x128xi32, #tpu.memory_space<vmem>>) target_semaphore(%run_scoped3A : memref<!tpu.dma_semaphore, #tpu.memory_space<semaphore_mem>>)
      %dma_wait3A = arith.constant 0 : i32
      %dma_wait3A_41 = arith.constant 0 : i32
      %dma_wait3A_42 = tpu.memref_slice %arg4[%arg1, %dma_wait3A, %dma_wait3A_41] : memref<16x160x128xi32, #tpu.memory_space<hbm>> -> memref<1x40x128xi32, #tpu.memory_space<hbm>>
      %dma_wait3A_43 = tpu.memref_squeeze %dma_wait3A_42 : memref<1x40x128xi32, #tpu.memory_space<hbm>> -> memref<40x128xi32, #tpu.memory_space<hbm>>
      %dma_wait3A_44 = arith.constant 0 : i32
      %dma_wait3A_45 = arith.constant 0 : i32
      %dma_wait3A_46 = tpu.memref_slice %arg4[%arg1, %dma_wait3A_44, %dma_wait3A_45] : memref<16x160x128xi32, #tpu.memory_space<hbm>> -> memref<1x40x128xi32, #tpu.memory_space<hbm>>
      %dma_wait3A_47 = tpu.memref_squeeze %dma_wait3A_46 : memref<1x40x128xi32, #tpu.memory_space<hbm>> -> memref<40x128xi32, #tpu.memory_space<hbm>>
      tpu.wait_dma2 semaphore(%run_scoped3A : memref<!tpu.dma_semaphore, #tpu.memory_space<semaphore_mem>>) src(%dma_wait3A_47 : memref<40x128xi32, #tpu.memory_space<hbm>>) dst(%arg7 : memref<40x128xi32, #tpu.memory_space<vmem>>)
      tpu.yield
    }) : () -> ()
    %scan3A = arith.constant 0 : i32
    %scan3A_3 = arith.constant 0 : i32
    %scan3A_4 = arith.constant 20 : i32
    %scan3A_5 = arith.addi %scan3A_3, %scan3A_4 : i32
    %scan3A_6 = arith.constant 1 : i32
    scf.for %scan3A_34 = %scan3A_3 to %scan3A_5 step %scan3A_6  : i32 {
      %mul3A_35 = arith.constant 2 : i32
      %mul3A_36 = arith.muli %mul3A_35, %scan3A_34 : i32
      %add3A = arith.constant 1 : i32
      %add3A_37 = arith.addi %mul3A_36, %add3A : i32
      %dma_start3A = arith.constant 0 : i32
      %dma_start3A_38 = tpu.memref_slice %arg8[%mul3A_36, %dma_start3A] : memref<40x128xi32, #tpu.memory_space<vmem>> -> memref<1x128xi32, #tpu.memory_space<vmem>>
      %dma_start3A_39 = tpu.memref_squeeze %dma_start3A_38 : memref<1x128xi32, #tpu.memory_space<vmem>> -> memref<128xi32, #tpu.memory_space<vmem>>
      %dma_start3A_40 = arith.constant 0 : i32
      %dma_start3A_41 = arith.constant 0 : i32
      %dma_start3A_42 = tpu.memref_slice %arg2[%dma_start3A_40, %dma_start3A_41] : memref<10000x128xf32, #tpu.memory_space<hbm>> -> memref<10000x128xf32, #tpu.memory_space<hbm>>
      tpu.enqueue_indirect_dma source(%dma_start3A_42 : memref<10000x128xf32, #tpu.memory_space<hbm>>) target(%arg9 : memref<128x128xf32, #tpu.memory_space<vmem>>) offsets(%dma_start3A_39 : memref<128xi32, #tpu.memory_space<vmem>>) semaphore(%arg12 : memref<!tpu.dma_semaphore, #tpu.memory_space<semaphore_mem>>)
      %dma_start3A_43 = arith.constant 0 : i32
      %dma_start3A_44 = tpu.memref_slice %arg8[%add3A_37, %dma_start3A_43] : memref<40x128xi32, #tpu.memory_space<vmem>> -> memref<1x128xi32, #tpu.memory_space<vmem>>
      %dma_start3A_45 = tpu.memref_squeeze %dma_start3A_44 : memref<1x128xi32, #tpu.memory_space<vmem>> -> memref<128xi32, #tpu.memory_space<vmem>>
      %dma_start3A_46 = arith.constant 0 : i32
      %dma_start3A_47 = arith.constant 0 : i32
      %dma_start3A_48 = tpu.memref_slice %arg2[%dma_start3A_46, %dma_start3A_47] : memref<10000x128xf32, #tpu.memory_space<hbm>> -> memref<10000x128xf32, #tpu.memory_space<hbm>>
      tpu.enqueue_indirect_dma source(%dma_start3A_48 : memref<10000x128xf32, #tpu.memory_space<hbm>>) target(%arg10 : memref<128x128xf32, #tpu.memory_space<vmem>>) offsets(%dma_start3A_45 : memref<128xi32, #tpu.memory_space<vmem>>) semaphore(%arg13 : memref<!tpu.dma_semaphore, #tpu.memory_space<semaphore_mem>>)
      %dma_wait3A = arith.constant 0 : i32
      %dma_wait3A_49 = tpu.memref_slice %arg8[%mul3A_36, %dma_wait3A] : memref<40x128xi32, #tpu.memory_space<vmem>> -> memref<1x128xi32, #tpu.memory_space<vmem>>
      %dma_wait3A_50 = tpu.memref_squeeze %dma_wait3A_49 : memref<1x128xi32, #tpu.memory_space<vmem>> -> memref<128xi32, #tpu.memory_space<vmem>>
      %dma_wait3A_51 = arith.constant 0 : i32
      %dma_wait3A_52 = arith.constant 0 : i32
      %dma_wait3A_53 = tpu.memref_slice %arg2[%dma_wait3A_51, %dma_wait3A_52] : memref<10000x128xf32, #tpu.memory_space<hbm>> -> memref<10000x128xf32, #tpu.memory_space<hbm>>
      tpu.wait_indirect_dma semaphore(%arg12 : memref<!tpu.dma_semaphore, #tpu.memory_space<semaphore_mem>>) src(%dma_wait3A_53 : memref<10000x128xf32, #tpu.memory_space<hbm>>) dst(%arg9 : memref<128x128xf32, #tpu.memory_space<vmem>>)
      "tpu.region"() ({
        %run_scoped3A = tpu.sem_alloc : memref<!tpu.dma_semaphore, #tpu.memory_space<semaphore_mem>>
        %dma_start3A_60 = arith.constant 0 : i32
        %dma_start3A_61 = tpu.memref_slice %arg7[%mul3A_36, %dma_start3A_60] : memref<40x128xi32, #tpu.memory_space<vmem>> -> memref<1x128xi32, #tpu.memory_space<vmem>>
        %dma_start3A_62 = tpu.memref_squeeze %dma_start3A_61 : memref<1x128xi32, #tpu.memory_space<vmem>> -> memref<128xi32, #tpu.memory_space<vmem>>
        %dma_start3A_63 = arith.constant 0 : i32
        %dma_start3A_64 = arith.constant 0 : i32
        %dma_start3A_65 = tpu.memref_slice %arg11[%dma_start3A_63, %dma_start3A_64] : memref<10008x128xf32, #tpu.memory_space<vmem_shared>> -> memref<10008x128xf32, #tpu.memory_space<vmem_shared>>
        tpu.enqueue_indirect_dma source(%arg9 : memref<128x128xf32, #tpu.memory_space<vmem>>) target(%dma_start3A_65 : memref<10008x128xf32, #tpu.memory_space<vmem_shared>>) offsets(%dma_start3A_62 : memref<128xi32, #tpu.memory_space<vmem>>) semaphore(%run_scoped3A : memref<!tpu.dma_semaphore, #tpu.memory_space<semaphore_mem>>) {add = true}
        %dma_wait3A_66 = arith.constant 0 : i32
        %dma_wait3A_67 = tpu.memref_slice %arg7[%mul3A_36, %dma_wait3A_66] : memref<40x128xi32, #tpu.memory_space<vmem>> -> memref<1x128xi32, #tpu.memory_space<vmem>>
        %dma_wait3A_68 = tpu.memref_squeeze %dma_wait3A_67 : memref<1x128xi32, #tpu.memory_space<vmem>> -> memref<128xi32, #tpu.memory_space<vmem>>
        %dma_wait3A_69 = arith.constant 0 : i32
        %dma_wait3A_70 = arith.constant 0 : i32
        %dma_wait3A_71 = tpu.memref_slice %arg11[%dma_wait3A_69, %dma_wait3A_70] : memref<10008x128xf32, #tpu.memory_space<vmem_shared>> -> memref<10008x128xf32, #tpu.memory_space<vmem_shared>>
        tpu.wait_indirect_dma semaphore(%run_scoped3A : memref<!tpu.dma_semaphore, #tpu.memory_space<semaphore_mem>>) src(%arg9 : memref<128x128xf32, #tpu.memory_space<vmem>>) dst(%dma_wait3A_71 : memref<10008x128xf32, #tpu.memory_space<vmem_shared>>)
        tpu.yield
      }) : () -> ()
      %dma_wait3A_54 = arith.constant 0 : i32
      %dma_wait3A_55 = tpu.memref_slice %arg8[%add3A_37, %dma_wait3A_54] : memref<40x128xi32, #tpu.memory_space<vmem>> -> memref<1x128xi32, #tpu.memory_space<vmem>>
      %dma_wait3A_56 = tpu.memref_squeeze %dma_wait3A_55 : memref<1x128xi32, #tpu.memory_space<vmem>> -> memref<128xi32, #tpu.memory_space<vmem>>
      %dma_wait3A_57 = arith.constant 0 : i32
      %dma_wait3A_58 = arith.constant 0 : i32
      %dma_wait3A_59 = tpu.memref_slice %arg2[%dma_wait3A_57, %dma_wait3A_58] : memref<10000x128xf32, #tpu.memory_space<hbm>> -> memref<10000x128xf32, #tpu.memory_space<hbm>>
      tpu.wait_indirect_dma semaphore(%arg13 : memref<!tpu.dma_semaphore, #tpu.memory_space<semaphore_mem>>) src(%dma_wait3A_59 : memref<10000x128xf32, #tpu.memory_space<hbm>>) dst(%arg10 : memref<128x128xf32, #tpu.memory_space<vmem>>)
      "tpu.region"() ({
        %run_scoped3A = tpu.sem_alloc : memref<!tpu.dma_semaphore, #tpu.memory_space<semaphore_mem>>
        %dma_start3A_60 = arith.constant 0 : i32
        %dma_start3A_61 = tpu.memref_slice %arg7[%add3A_37, %dma_start3A_60] : memref<40x128xi32, #tpu.memory_space<vmem>> -> memref<1x128xi32, #tpu.memory_space<vmem>>
        %dma_start3A_62 = tpu.memref_squeeze %dma_start3A_61 : memref<1x128xi32, #tpu.memory_space<vmem>> -> memref<128xi32, #tpu.memory_space<vmem>>
        %dma_start3A_63 = arith.constant 0 : i32
        %dma_start3A_64 = arith.constant 0 : i32
        %dma_start3A_65 = tpu.memref_slice %arg11[%dma_start3A_63, %dma_start3A_64] : memref<10008x128xf32, #tpu.memory_space<vmem_shared>> -> memref<10008x128xf32, #tpu.memory_space<vmem_shared>>
        tpu.enqueue_indirect_dma source(%arg10 : memref<128x128xf32, #tpu.memory_space<vmem>>) target(%dma_start3A_65 : memref<10008x128xf32, #tpu.memory_space<vmem_shared>>) offsets(%dma_start3A_62 : memref<128xi32, #tpu.memory_space<vmem>>) semaphore(%run_scoped3A : memref<!tpu.dma_semaphore, #tpu.memory_space<semaphore_mem>>) {add = true}
        %dma_wait3A_66 = arith.constant 0 : i32
        %dma_wait3A_67 = tpu.memref_slice %arg7[%add3A_37, %dma_wait3A_66] : memref<40x128xi32, #tpu.memory_space<vmem>> -> memref<1x128xi32, #tpu.memory_space<vmem>>
        %dma_wait3A_68 = tpu.memref_squeeze %dma_wait3A_67 : memref<1x128xi32, #tpu.memory_space<vmem>> -> memref<128xi32, #tpu.memory_space<vmem>>
        %dma_wait3A_69 = arith.constant 0 : i32
        %dma_wait3A_70 = arith.constant 0 : i32
        %dma_wait3A_71 = tpu.memref_slice %arg11[%dma_wait3A_69, %dma_wait3A_70] : memref<10008x128xf32, #tpu.memory_space<vmem_shared>> -> memref<10008x128xf32, #tpu.memory_space<vmem_shared>>
        tpu.wait_indirect_dma semaphore(%run_scoped3A : memref<!tpu.dma_semaphore, #tpu.memory_space<semaphore_mem>>) src(%arg10 : memref<128x128xf32, #tpu.memory_space<vmem>>) dst(%dma_wait3A_71 : memref<10008x128xf32, #tpu.memory_space<vmem_shared>>)
        tpu.yield
      }) : () -> ()
    }
    %scan3A_7 = arith.constant 20 : i32
    "tpu.region"() ({
      %run_scoped3A = tpu.sem_alloc : memref<!tpu.dma_semaphore, #tpu.memory_space<semaphore_mem>>
      %dma_start3A = arith.constant 40 : i32
      %dma_start3A_34 = arith.constant 0 : i32
      %dma_start3A_35 = tpu.memref_slice %arg3[%arg1, %dma_start3A, %dma_start3A_34] : memref<16x160x128xi32, #tpu.memory_space<hbm>> -> memref<1x40x128xi32, #tpu.memory_space<hbm>>
      %dma_start3A_36 = tpu.memref_squeeze %dma_start3A_35 : memref<1x40x128xi32, #tpu.memory_space<hbm>> -> memref<40x128xi32, #tpu.memory_space<hbm>>
      %dma_start3A_37 = arith.constant 40 : i32
      %dma_start3A_38 = arith.constant 0 : i32
      %dma_start3A_39 = tpu.memref_slice %arg3[%arg1, %dma_start3A_37, %dma_start3A_38] : memref<16x160x128xi32, #tpu.memory_space<hbm>> -> memref<1x40x128xi32, #tpu.memory_space<hbm>>
      %dma_start3A_40 = tpu.memref_squeeze %dma_start3A_39 : memref<1x40x128xi32, #tpu.memory_space<hbm>> -> memref<40x128xi32, #tpu.memory_space<hbm>>
      tpu.enqueue_dma source(%dma_start3A_40 : memref<40x128xi32, #tpu.memory_space<hbm>>) target(%arg8 : memref<40x128xi32, #tpu.memory_space<vmem>>) target_semaphore(%run_scoped3A : memref<!tpu.dma_semaphore, #tpu.memory_space<semaphore_mem>>)
      %dma_wait3A = arith.constant 40 : i32
      %dma_wait3A_41 = arith.constant 0 : i32
      %dma_wait3A_42 = tpu.memref_slice %arg3[%arg1, %dma_wait3A, %dma_wait3A_41] : memref<16x160x128xi32, #tpu.memory_space<hbm>> -> memref<1x40x128xi32, #tpu.memory_space<hbm>>
      %dma_wait3A_43 = tpu.memref_squeeze %dma_wait3A_42 : memref<1x40x128xi32, #tpu.memory_space<hbm>> -> memref<40x128xi32, #tpu.memory_space<hbm>>
      %dma_wait3A_44 = arith.constant 40 : i32
      %dma_wait3A_45 = arith.constant 0 : i32
      %dma_wait3A_46 = tpu.memref_slice %arg3[%arg1, %dma_wait3A_44, %dma_wait3A_45] : memref<16x160x128xi32, #tpu.memory_space<hbm>> -> memref<1x40x128xi32, #tpu.memory_space<hbm>>
      %dma_wait3A_47 = tpu.memref_squeeze %dma_wait3A_46 : memref<1x40x128xi32, #tpu.memory_space<hbm>> -> memref<40x128xi32, #tpu.memory_space<hbm>>
      tpu.wait_dma2 semaphore(%run_scoped3A : memref<!tpu.dma_semaphore, #tpu.memory_space<semaphore_mem>>) src(%dma_wait3A_47 : memref<40x128xi32, #tpu.memory_space<hbm>>) dst(%arg8 : memref<40x128xi32, #tpu.memory_space<vmem>>)
      tpu.yield
    }) : () -> ()
    "tpu.region"() ({
      %run_scoped3A = tpu.sem_alloc : memref<!tpu.dma_semaphore, #tpu.memory_space<semaphore_mem>>
      %dma_start3A = arith.constant 40 : i32
      %dma_start3A_34 = arith.constant 0 : i32
      %dma_start3A_35 = tpu.memref_slice %arg4[%arg1, %dma_start3A, %dma_start3A_34] : memref<16x160x128xi32, #tpu.memory_space<hbm>> -> memref<1x40x128xi32, #tpu.memory_space<hbm>>
      %dma_start3A_36 = tpu.memref_squeeze %dma_start3A_35 : memref<1x40x128xi32, #tpu.memory_space<hbm>> -> memref<40x128xi32, #tpu.memory_space<hbm>>
      %dma_start3A_37 = arith.constant 40 : i32
      %dma_start3A_38 = arith.constant 0 : i32
      %dma_start3A_39 = tpu.memref_slice %arg4[%arg1, %dma_start3A_37, %dma_start3A_38] : memref<16x160x128xi32, #tpu.memory_space<hbm>> -> memref<1x40x128xi32, #tpu.memory_space<hbm>>
      %dma_start3A_40 = tpu.memref_squeeze %dma_start3A_39 : memref<1x40x128xi32, #tpu.memory_space<hbm>> -> memref<40x128xi32, #tpu.memory_space<hbm>>
      tpu.enqueue_dma source(%dma_start3A_40 : memref<40x128xi32, #tpu.memory_space<hbm>>) target(%arg7 : memref<40x128xi32, #tpu.memory_space<vmem>>) target_semaphore(%run_scoped3A : memref<!tpu.dma_semaphore, #tpu.memory_space<semaphore_mem>>)
      %dma_wait3A = arith.constant 40 : i32
      %dma_wait3A_41 = arith.constant 0 : i32
      %dma_wait3A_42 = tpu.memref_slice %arg4[%arg1, %dma_wait3A, %dma_wait3A_41] : memref<16x160x128xi32, #tpu.memory_space<hbm>> -> memref<1x40x128xi32, #tpu.memory_space<hbm>>
      %dma_wait3A_43 = tpu.memref_squeeze %dma_wait3A_42 : memref<1x40x128xi32, #tpu.memory_space<hbm>> -> memref<40x128xi32, #tpu.memory_space<hbm>>
      %dma_wait3A_44 = arith.constant 40 : i32
      %dma_wait3A_45 = arith.constant 0 : i32
      %dma_wait3A_46 = tpu.memref_slice %arg4[%arg1, %dma_wait3A_44, %dma_wait3A_45] : memref<16x160x128xi32, #tpu.memory_space<hbm>> -> memref<1x40x128xi32, #tpu.memory_space<hbm>>
      %dma_wait3A_47 = tpu.memref_squeeze %dma_wait3A_46 : memref<1x40x128xi32, #tpu.memory_space<hbm>> -> memref<40x128xi32, #tpu.memory_space<hbm>>
      tpu.wait_dma2 semaphore(%run_scoped3A : memref<!tpu.dma_semaphore, #tpu.memory_space<semaphore_mem>>) src(%dma_wait3A_47 : memref<40x128xi32, #tpu.memory_space<hbm>>) dst(%arg7 : memref<40x128xi32, #tpu.memory_space<vmem>>)
      tpu.yield
    }) : () -> ()
    %scan3A_8 = arith.constant 0 : i32
    %scan3A_9 = arith.constant 0 : i32
    %scan3A_10 = arith.constant 20 : i32
    %scan3A_11 = arith.addi %scan3A_9, %scan3A_10 : i32
    %scan3A_12 = arith.constant 1 : i32
    scf.for %scan3A_34 = %scan3A_9 to %scan3A_11 step %scan3A_12  : i32 {
      %mul3A_35 = arith.constant 2 : i32
      %mul3A_36 = arith.muli %mul3A_35, %scan3A_34 : i32
      %add3A = arith.constant 1 : i32
      %add3A_37 = arith.addi %mul3A_36, %add3A : i32
      %dma_start3A = arith.constant 0 : i32
      %dma_start3A_38 = tpu.memref_slice %arg8[%mul3A_36, %dma_start3A] : memref<40x128xi32, #tpu.memory_space<vmem>> -> memref<1x128xi32, #tpu.memory_space<vmem>>
      %dma_start3A_39 = tpu.memref_squeeze %dma_start3A_38 : memref<1x128xi32, #tpu.memory_space<vmem>> -> memref<128xi32, #tpu.memory_space<vmem>>
      %dma_start3A_40 = arith.constant 0 : i32
      %dma_start3A_41 = arith.constant 0 : i32
      %dma_start3A_42 = tpu.memref_slice %arg2[%dma_start3A_40, %dma_start3A_41] : memref<10000x128xf32, #tpu.memory_space<hbm>> -> memref<10000x128xf32, #tpu.memory_space<hbm>>
      tpu.enqueue_indirect_dma source(%dma_start3A_42 : memref<10000x128xf32, #tpu.memory_space<hbm>>) target(%arg9 : memref<128x128xf32, #tpu.memory_space<vmem>>) offsets(%dma_start3A_39 : memref<128xi32, #tpu.memory_space<vmem>>) semaphore(%arg12 : memref<!tpu.dma_semaphore, #tpu.memory_space<semaphore_mem>>)
      %dma_start3A_43 = arith.constant 0 : i32
      %dma_start3A_44 = tpu.memref_slice %arg8[%add3A_37, %dma_start3A_43] : memref<40x128xi32, #tpu.memory_space<vmem>> -> memref<1x128xi32, #tpu.memory_space<vmem>>
      %dma_start3A_45 = tpu.memref_squeeze %dma_start3A_44 : memref<1x128xi32, #tpu.memory_space<vmem>> -> memref<128xi32, #tpu.memory_space<vmem>>
      %dma_start3A_46 = arith.constant 0 : i32
      %dma_start3A_47 = arith.constant 0 : i32
      %dma_start3A_48 = tpu.memref_slice %arg2[%dma_start3A_46, %dma_start3A_47] : memref<10000x128xf32, #tpu.memory_space<hbm>> -> memref<10000x128xf32, #tpu.memory_space<hbm>>
      tpu.enqueue_indirect_dma source(%dma_start3A_48 : memref<10000x128xf32, #tpu.memory_space<hbm>>) target(%arg10 : memref<128x128xf32, #tpu.memory_space<vmem>>) offsets(%dma_start3A_45 : memref<128xi32, #tpu.memory_space<vmem>>) semaphore(%arg13 : memref<!tpu.dma_semaphore, #tpu.memory_space<semaphore_mem>>)
      %dma_wait3A = arith.constant 0 : i32
      %dma_wait3A_49 = tpu.memref_slice %arg8[%mul3A_36, %dma_wait3A] : memref<40x128xi32, #tpu.memory_space<vmem>> -> memref<1x128xi32, #tpu.memory_space<vmem>>
      %dma_wait3A_50 = tpu.memref_squeeze %dma_wait3A_49 : memref<1x128xi32, #tpu.memory_space<vmem>> -> memref<128xi32, #tpu.memory_space<vmem>>
      %dma_wait3A_51 = arith.constant 0 : i32
      %dma_wait3A_52 = arith.constant 0 : i32
      %dma_wait3A_53 = tpu.memref_slice %arg2[%dma_wait3A_51, %dma_wait3A_52] : memref<10000x128xf32, #tpu.memory_space<hbm>> -> memref<10000x128xf32, #tpu.memory_space<hbm>>
      tpu.wait_indirect_dma semaphore(%arg12 : memref<!tpu.dma_semaphore, #tpu.memory_space<semaphore_mem>>) src(%dma_wait3A_53 : memref<10000x128xf32, #tpu.memory_space<hbm>>) dst(%arg9 : memref<128x128xf32, #tpu.memory_space<vmem>>)
      "tpu.region"() ({
        %run_scoped3A = tpu.sem_alloc : memref<!tpu.dma_semaphore, #tpu.memory_space<semaphore_mem>>
        %dma_start3A_60 = arith.constant 0 : i32
        %dma_start3A_61 = tpu.memref_slice %arg7[%mul3A_36, %dma_start3A_60] : memref<40x128xi32, #tpu.memory_space<vmem>> -> memref<1x128xi32, #tpu.memory_space<vmem>>
        %dma_start3A_62 = tpu.memref_squeeze %dma_start3A_61 : memref<1x128xi32, #tpu.memory_space<vmem>> -> memref<128xi32, #tpu.memory_space<vmem>>
        %dma_start3A_63 = arith.constant 0 : i32
        %dma_start3A_64 = arith.constant 0 : i32
        %dma_start3A_65 = tpu.memref_slice %arg11[%dma_start3A_63, %dma_start3A_64] : memref<10008x128xf32, #tpu.memory_space<vmem_shared>> -> memref<10008x128xf32, #tpu.memory_space<vmem_shared>>
        tpu.enqueue_indirect_dma source(%arg9 : memref<128x128xf32, #tpu.memory_space<vmem>>) target(%dma_start3A_65 : memref<10008x128xf32, #tpu.memory_space<vmem_shared>>) offsets(%dma_start3A_62 : memref<128xi32, #tpu.memory_space<vmem>>) semaphore(%run_scoped3A : memref<!tpu.dma_semaphore, #tpu.memory_space<semaphore_mem>>) {add = true}
        %dma_wait3A_66 = arith.constant 0 : i32
        %dma_wait3A_67 = tpu.memref_slice %arg7[%mul3A_36, %dma_wait3A_66] : memref<40x128xi32, #tpu.memory_space<vmem>> -> memref<1x128xi32, #tpu.memory_space<vmem>>
        %dma_wait3A_68 = tpu.memref_squeeze %dma_wait3A_67 : memref<1x128xi32, #tpu.memory_space<vmem>> -> memref<128xi32, #tpu.memory_space<vmem>>
        %dma_wait3A_69 = arith.constant 0 : i32
        %dma_wait3A_70 = arith.constant 0 : i32
        %dma_wait3A_71 = tpu.memref_slice %arg11[%dma_wait3A_69, %dma_wait3A_70] : memref<10008x128xf32, #tpu.memory_space<vmem_shared>> -> memref<10008x128xf32, #tpu.memory_space<vmem_shared>>
        tpu.wait_indirect_dma semaphore(%run_scoped3A : memref<!tpu.dma_semaphore, #tpu.memory_space<semaphore_mem>>) src(%arg9 : memref<128x128xf32, #tpu.memory_space<vmem>>) dst(%dma_wait3A_71 : memref<10008x128xf32, #tpu.memory_space<vmem_shared>>)
        tpu.yield
      }) : () -> ()
      %dma_wait3A_54 = arith.constant 0 : i32
      %dma_wait3A_55 = tpu.memref_slice %arg8[%add3A_37, %dma_wait3A_54] : memref<40x128xi32, #tpu.memory_space<vmem>> -> memref<1x128xi32, #tpu.memory_space<vmem>>
      %dma_wait3A_56 = tpu.memref_squeeze %dma_wait3A_55 : memref<1x128xi32, #tpu.memory_space<vmem>> -> memref<128xi32, #tpu.memory_space<vmem>>
      %dma_wait3A_57 = arith.constant 0 : i32
      %dma_wait3A_58 = arith.constant 0 : i32
      %dma_wait3A_59 = tpu.memref_slice %arg2[%dma_wait3A_57, %dma_wait3A_58] : memref<10000x128xf32, #tpu.memory_space<hbm>> -> memref<10000x128xf32, #tpu.memory_space<hbm>>
      tpu.wait_indirect_dma semaphore(%arg13 : memref<!tpu.dma_semaphore, #tpu.memory_space<semaphore_mem>>) src(%dma_wait3A_59 : memref<10000x128xf32, #tpu.memory_space<hbm>>) dst(%arg10 : memref<128x128xf32, #tpu.memory_space<vmem>>)
      "tpu.region"() ({
        %run_scoped3A = tpu.sem_alloc : memref<!tpu.dma_semaphore, #tpu.memory_space<semaphore_mem>>
        %dma_start3A_60 = arith.constant 0 : i32
        %dma_start3A_61 = tpu.memref_slice %arg7[%add3A_37, %dma_start3A_60] : memref<40x128xi32, #tpu.memory_space<vmem>> -> memref<1x128xi32, #tpu.memory_space<vmem>>
        %dma_start3A_62 = tpu.memref_squeeze %dma_start3A_61 : memref<1x128xi32, #tpu.memory_space<vmem>> -> memref<128xi32, #tpu.memory_space<vmem>>
        %dma_start3A_63 = arith.constant 0 : i32
        %dma_start3A_64 = arith.constant 0 : i32
        %dma_start3A_65 = tpu.memref_slice %arg11[%dma_start3A_63, %dma_start3A_64] : memref<10008x128xf32, #tpu.memory_space<vmem_shared>> -> memref<10008x128xf32, #tpu.memory_space<vmem_shared>>
        tpu.enqueue_indirect_dma source(%arg10 : memref<128x128xf32, #tpu.memory_space<vmem>>) target(%dma_start3A_65 : memref<10008x128xf32, #tpu.memory_space<vmem_shared>>) offsets(%dma_start3A_62 : memref<128xi32, #tpu.memory_space<vmem>>) semaphore(%run_scoped3A : memref<!tpu.dma_semaphore, #tpu.memory_space<semaphore_mem>>) {add = true}
        %dma_wait3A_66 = arith.constant 0 : i32
        %dma_wait3A_67 = tpu.memref_slice %arg7[%add3A_37, %dma_wait3A_66] : memref<40x128xi32, #tpu.memory_space<vmem>> -> memref<1x128xi32, #tpu.memory_space<vmem>>
        %dma_wait3A_68 = tpu.memref_squeeze %dma_wait3A_67 : memref<1x128xi32, #tpu.memory_space<vmem>> -> memref<128xi32, #tpu.memory_space<vmem>>
        %dma_wait3A_69 = arith.constant 0 : i32
        %dma_wait3A_70 = arith.constant 0 : i32
        %dma_wait3A_71 = tpu.memref_slice %arg11[%dma_wait3A_69, %dma_wait3A_70] : memref<10008x128xf32, #tpu.memory_space<vmem_shared>> -> memref<10008x128xf32, #tpu.memory_space<vmem_shared>>
        tpu.wait_indirect_dma semaphore(%run_scoped3A : memref<!tpu.dma_semaphore, #tpu.memory_space<semaphore_mem>>) src(%arg10 : memref<128x128xf32, #tpu.memory_space<vmem>>) dst(%dma_wait3A_71 : memref<10008x128xf32, #tpu.memory_space<vmem_shared>>)
        tpu.yield
      }) : () -> ()
    }
    %scan3A_13 = arith.constant 20 : i32
    "tpu.region"() ({
      %run_scoped3A = tpu.sem_alloc : memref<!tpu.dma_semaphore, #tpu.memory_space<semaphore_mem>>
      %dma_start3A = arith.constant 80 : i32
      %dma_start3A_34 = arith.constant 0 : i32
      %dma_start3A_35 = tpu.memref_slice %arg3[%arg1, %dma_start3A, %dma_start3A_34] : memref<16x160x128xi32, #tpu.memory_space<hbm>> -> memref<1x40x128xi32, #tpu.memory_space<hbm>>
      %dma_start3A_36 = tpu.memref_squeeze %dma_start3A_35 : memref<1x40x128xi32, #tpu.memory_space<hbm>> -> memref<40x128xi32, #tpu.memory_space<hbm>>
      %dma_start3A_37 = arith.constant 80 : i32
      %dma_start3A_38 = arith.constant 0 : i32
      %dma_start3A_39 = tpu.memref_slice %arg3[%arg1, %dma_start3A_37, %dma_start3A_38] : memref<16x160x128xi32, #tpu.memory_space<hbm>> -> memref<1x40x128xi32, #tpu.memory_space<hbm>>
      %dma_start3A_40 = tpu.memref_squeeze %dma_start3A_39 : memref<1x40x128xi32, #tpu.memory_space<hbm>> -> memref<40x128xi32, #tpu.memory_space<hbm>>
      tpu.enqueue_dma source(%dma_start3A_40 : memref<40x128xi32, #tpu.memory_space<hbm>>) target(%arg8 : memref<40x128xi32, #tpu.memory_space<vmem>>) target_semaphore(%run_scoped3A : memref<!tpu.dma_semaphore, #tpu.memory_space<semaphore_mem>>)
      %dma_wait3A = arith.constant 80 : i32
      %dma_wait3A_41 = arith.constant 0 : i32
      %dma_wait3A_42 = tpu.memref_slice %arg3[%arg1, %dma_wait3A, %dma_wait3A_41] : memref<16x160x128xi32, #tpu.memory_space<hbm>> -> memref<1x40x128xi32, #tpu.memory_space<hbm>>
      %dma_wait3A_43 = tpu.memref_squeeze %dma_wait3A_42 : memref<1x40x128xi32, #tpu.memory_space<hbm>> -> memref<40x128xi32, #tpu.memory_space<hbm>>
      %dma_wait3A_44 = arith.constant 80 : i32
      %dma_wait3A_45 = arith.constant 0 : i32
      %dma_wait3A_46 = tpu.memref_slice %arg3[%arg1, %dma_wait3A_44, %dma_wait3A_45] : memref<16x160x128xi32, #tpu.memory_space<hbm>> -> memref<1x40x128xi32, #tpu.memory_space<hbm>>
      %dma_wait3A_47 = tpu.memref_squeeze %dma_wait3A_46 : memref<1x40x128xi32, #tpu.memory_space<hbm>> -> memref<40x128xi32, #tpu.memory_space<hbm>>
      tpu.wait_dma2 semaphore(%run_scoped3A : memref<!tpu.dma_semaphore, #tpu.memory_space<semaphore_mem>>) src(%dma_wait3A_47 : memref<40x128xi32, #tpu.memory_space<hbm>>) dst(%arg8 : memref<40x128xi32, #tpu.memory_space<vmem>>)
      tpu.yield
    }) : () -> ()
    "tpu.region"() ({
      %run_scoped3A = tpu.sem_alloc : memref<!tpu.dma_semaphore, #tpu.memory_space<semaphore_mem>>
      %dma_start3A = arith.constant 80 : i32
      %dma_start3A_34 = arith.constant 0 : i32
      %dma_start3A_35 = tpu.memref_slice %arg4[%arg1, %dma_start3A, %dma_start3A_34] : memref<16x160x128xi32, #tpu.memory_space<hbm>> -> memref<1x40x128xi32, #tpu.memory_space<hbm>>
      %dma_start3A_36 = tpu.memref_squeeze %dma_start3A_35 : memref<1x40x128xi32, #tpu.memory_space<hbm>> -> memref<40x128xi32, #tpu.memory_space<hbm>>
      %dma_start3A_37 = arith.constant 80 : i32
      %dma_start3A_38 = arith.constant 0 : i32
      %dma_start3A_39 = tpu.memref_slice %arg4[%arg1, %dma_start3A_37, %dma_start3A_38] : memref<16x160x128xi32, #tpu.memory_space<hbm>> -> memref<1x40x128xi32, #tpu.memory_space<hbm>>
      %dma_start3A_40 = tpu.memref_squeeze %dma_start3A_39 : memref<1x40x128xi32, #tpu.memory_space<hbm>> -> memref<40x128xi32, #tpu.memory_space<hbm>>
      tpu.enqueue_dma source(%dma_start3A_40 : memref<40x128xi32, #tpu.memory_space<hbm>>) target(%arg7 : memref<40x128xi32, #tpu.memory_space<vmem>>) target_semaphore(%run_scoped3A : memref<!tpu.dma_semaphore, #tpu.memory_space<semaphore_mem>>)
      %dma_wait3A = arith.constant 80 : i32
      %dma_wait3A_41 = arith.constant 0 : i32
      %dma_wait3A_42 = tpu.memref_slice %arg4[%arg1, %dma_wait3A, %dma_wait3A_41] : memref<16x160x128xi32, #tpu.memory_space<hbm>> -> memref<1x40x128xi32, #tpu.memory_space<hbm>>
      %dma_wait3A_43 = tpu.memref_squeeze %dma_wait3A_42 : memref<1x40x128xi32, #tpu.memory_space<hbm>> -> memref<40x128xi32, #tpu.memory_space<hbm>>
      %dma_wait3A_44 = arith.constant 80 : i32
      %dma_wait3A_45 = arith.constant 0 : i32
      %dma_wait3A_46 = tpu.memref_slice %arg4[%arg1, %dma_wait3A_44, %dma_wait3A_45] : memref<16x160x128xi32, #tpu.memory_space<hbm>> -> memref<1x40x128xi32, #tpu.memory_space<hbm>>
      %dma_wait3A_47 = tpu.memref_squeeze %dma_wait3A_46 : memref<1x40x128xi32, #tpu.memory_space<hbm>> -> memref<40x128xi32, #tpu.memory_space<hbm>>
      tpu.wait_dma2 semaphore(%run_scoped3A : memref<!tpu.dma_semaphore, #tpu.memory_space<semaphore_mem>>) src(%dma_wait3A_47 : memref<40x128xi32, #tpu.memory_space<hbm>>) dst(%arg7 : memref<40x128xi32, #tpu.memory_space<vmem>>)
      tpu.yield
    }) : () -> ()
    %scan3A_14 = arith.constant 0 : i32
    %scan3A_15 = arith.constant 0 : i32
    %scan3A_16 = arith.constant 20 : i32
    %scan3A_17 = arith.addi %scan3A_15, %scan3A_16 : i32
    %scan3A_18 = arith.constant 1 : i32
    scf.for %scan3A_34 = %scan3A_15 to %scan3A_17 step %scan3A_18  : i32 {
      %mul3A_35 = arith.constant 2 : i32
      %mul3A_36 = arith.muli %mul3A_35, %scan3A_34 : i32
      %add3A = arith.constant 1 : i32
      %add3A_37 = arith.addi %mul3A_36, %add3A : i32
      %dma_start3A = arith.constant 0 : i32
      %dma_start3A_38 = tpu.memref_slice %arg8[%mul3A_36, %dma_start3A] : memref<40x128xi32, #tpu.memory_space<vmem>> -> memref<1x128xi32, #tpu.memory_space<vmem>>
      %dma_start3A_39 = tpu.memref_squeeze %dma_start3A_38 : memref<1x128xi32, #tpu.memory_space<vmem>> -> memref<128xi32, #tpu.memory_space<vmem>>
      %dma_start3A_40 = arith.constant 0 : i32
      %dma_start3A_41 = arith.constant 0 : i32
      %dma_start3A_42 = tpu.memref_slice %arg2[%dma_start3A_40, %dma_start3A_41] : memref<10000x128xf32, #tpu.memory_space<hbm>> -> memref<10000x128xf32, #tpu.memory_space<hbm>>
      tpu.enqueue_indirect_dma source(%dma_start3A_42 : memref<10000x128xf32, #tpu.memory_space<hbm>>) target(%arg9 : memref<128x128xf32, #tpu.memory_space<vmem>>) offsets(%dma_start3A_39 : memref<128xi32, #tpu.memory_space<vmem>>) semaphore(%arg12 : memref<!tpu.dma_semaphore, #tpu.memory_space<semaphore_mem>>)
      %dma_start3A_43 = arith.constant 0 : i32
      %dma_start3A_44 = tpu.memref_slice %arg8[%add3A_37, %dma_start3A_43] : memref<40x128xi32, #tpu.memory_space<vmem>> -> memref<1x128xi32, #tpu.memory_space<vmem>>
      %dma_start3A_45 = tpu.memref_squeeze %dma_start3A_44 : memref<1x128xi32, #tpu.memory_space<vmem>> -> memref<128xi32, #tpu.memory_space<vmem>>
      %dma_start3A_46 = arith.constant 0 : i32
      %dma_start3A_47 = arith.constant 0 : i32
      %dma_start3A_48 = tpu.memref_slice %arg2[%dma_start3A_46, %dma_start3A_47] : memref<10000x128xf32, #tpu.memory_space<hbm>> -> memref<10000x128xf32, #tpu.memory_space<hbm>>
      tpu.enqueue_indirect_dma source(%dma_start3A_48 : memref<10000x128xf32, #tpu.memory_space<hbm>>) target(%arg10 : memref<128x128xf32, #tpu.memory_space<vmem>>) offsets(%dma_start3A_45 : memref<128xi32, #tpu.memory_space<vmem>>) semaphore(%arg13 : memref<!tpu.dma_semaphore, #tpu.memory_space<semaphore_mem>>)
      %dma_wait3A = arith.constant 0 : i32
      %dma_wait3A_49 = tpu.memref_slice %arg8[%mul3A_36, %dma_wait3A] : memref<40x128xi32, #tpu.memory_space<vmem>> -> memref<1x128xi32, #tpu.memory_space<vmem>>
      %dma_wait3A_50 = tpu.memref_squeeze %dma_wait3A_49 : memref<1x128xi32, #tpu.memory_space<vmem>> -> memref<128xi32, #tpu.memory_space<vmem>>
      %dma_wait3A_51 = arith.constant 0 : i32
      %dma_wait3A_52 = arith.constant 0 : i32
      %dma_wait3A_53 = tpu.memref_slice %arg2[%dma_wait3A_51, %dma_wait3A_52] : memref<10000x128xf32, #tpu.memory_space<hbm>> -> memref<10000x128xf32, #tpu.memory_space<hbm>>
      tpu.wait_indirect_dma semaphore(%arg12 : memref<!tpu.dma_semaphore, #tpu.memory_space<semaphore_mem>>) src(%dma_wait3A_53 : memref<10000x128xf32, #tpu.memory_space<hbm>>) dst(%arg9 : memref<128x128xf32, #tpu.memory_space<vmem>>)
      "tpu.region"() ({
        %run_scoped3A = tpu.sem_alloc : memref<!tpu.dma_semaphore, #tpu.memory_space<semaphore_mem>>
        %dma_start3A_60 = arith.constant 0 : i32
        %dma_start3A_61 = tpu.memref_slice %arg7[%mul3A_36, %dma_start3A_60] : memref<40x128xi32, #tpu.memory_space<vmem>> -> memref<1x128xi32, #tpu.memory_space<vmem>>
        %dma_start3A_62 = tpu.memref_squeeze %dma_start3A_61 : memref<1x128xi32, #tpu.memory_space<vmem>> -> memref<128xi32, #tpu.memory_space<vmem>>
        %dma_start3A_63 = arith.constant 0 : i32
        %dma_start3A_64 = arith.constant 0 : i32
        %dma_start3A_65 = tpu.memref_slice %arg11[%dma_start3A_63, %dma_start3A_64] : memref<10008x128xf32, #tpu.memory_space<vmem_shared>> -> memref<10008x128xf32, #tpu.memory_space<vmem_shared>>
        tpu.enqueue_indirect_dma source(%arg9 : memref<128x128xf32, #tpu.memory_space<vmem>>) target(%dma_start3A_65 : memref<10008x128xf32, #tpu.memory_space<vmem_shared>>) offsets(%dma_start3A_62 : memref<128xi32, #tpu.memory_space<vmem>>) semaphore(%run_scoped3A : memref<!tpu.dma_semaphore, #tpu.memory_space<semaphore_mem>>) {add = true}
        %dma_wait3A_66 = arith.constant 0 : i32
        %dma_wait3A_67 = tpu.memref_slice %arg7[%mul3A_36, %dma_wait3A_66] : memref<40x128xi32, #tpu.memory_space<vmem>> -> memref<1x128xi32, #tpu.memory_space<vmem>>
        %dma_wait3A_68 = tpu.memref_squeeze %dma_wait3A_67 : memref<1x128xi32, #tpu.memory_space<vmem>> -> memref<128xi32, #tpu.memory_space<vmem>>
        %dma_wait3A_69 = arith.constant 0 : i32
        %dma_wait3A_70 = arith.constant 0 : i32
        %dma_wait3A_71 = tpu.memref_slice %arg11[%dma_wait3A_69, %dma_wait3A_70] : memref<10008x128xf32, #tpu.memory_space<vmem_shared>> -> memref<10008x128xf32, #tpu.memory_space<vmem_shared>>
        tpu.wait_indirect_dma semaphore(%run_scoped3A : memref<!tpu.dma_semaphore, #tpu.memory_space<semaphore_mem>>) src(%arg9 : memref<128x128xf32, #tpu.memory_space<vmem>>) dst(%dma_wait3A_71 : memref<10008x128xf32, #tpu.memory_space<vmem_shared>>)
        tpu.yield
      }) : () -> ()
      %dma_wait3A_54 = arith.constant 0 : i32
      %dma_wait3A_55 = tpu.memref_slice %arg8[%add3A_37, %dma_wait3A_54] : memref<40x128xi32, #tpu.memory_space<vmem>> -> memref<1x128xi32, #tpu.memory_space<vmem>>
      %dma_wait3A_56 = tpu.memref_squeeze %dma_wait3A_55 : memref<1x128xi32, #tpu.memory_space<vmem>> -> memref<128xi32, #tpu.memory_space<vmem>>
      %dma_wait3A_57 = arith.constant 0 : i32
      %dma_wait3A_58 = arith.constant 0 : i32
      %dma_wait3A_59 = tpu.memref_slice %arg2[%dma_wait3A_57, %dma_wait3A_58] : memref<10000x128xf32, #tpu.memory_space<hbm>> -> memref<10000x128xf32, #tpu.memory_space<hbm>>
      tpu.wait_indirect_dma semaphore(%arg13 : memref<!tpu.dma_semaphore, #tpu.memory_space<semaphore_mem>>) src(%dma_wait3A_59 : memref<10000x128xf32, #tpu.memory_space<hbm>>) dst(%arg10 : memref<128x128xf32, #tpu.memory_space<vmem>>)
      "tpu.region"() ({
        %run_scoped3A = tpu.sem_alloc : memref<!tpu.dma_semaphore, #tpu.memory_space<semaphore_mem>>
        %dma_start3A_60 = arith.constant 0 : i32
        %dma_start3A_61 = tpu.memref_slice %arg7[%add3A_37, %dma_start3A_60] : memref<40x128xi32, #tpu.memory_space<vmem>> -> memref<1x128xi32, #tpu.memory_space<vmem>>
        %dma_start3A_62 = tpu.memref_squeeze %dma_start3A_61 : memref<1x128xi32, #tpu.memory_space<vmem>> -> memref<128xi32, #tpu.memory_space<vmem>>
        %dma_start3A_63 = arith.constant 0 : i32
        %dma_start3A_64 = arith.constant 0 : i32
        %dma_start3A_65 = tpu.memref_slice %arg11[%dma_start3A_63, %dma_start3A_64] : memref<10008x128xf32, #tpu.memory_space<vmem_shared>> -> memref<10008x128xf32, #tpu.memory_space<vmem_shared>>
        tpu.enqueue_indirect_dma source(%arg10 : memref<128x128xf32, #tpu.memory_space<vmem>>) target(%dma_start3A_65 : memref<10008x128xf32, #tpu.memory_space<vmem_shared>>) offsets(%dma_start3A_62 : memref<128xi32, #tpu.memory_space<vmem>>) semaphore(%run_scoped3A : memref<!tpu.dma_semaphore, #tpu.memory_space<semaphore_mem>>) {add = true}
        %dma_wait3A_66 = arith.constant 0 : i32
        %dma_wait3A_67 = tpu.memref_slice %arg7[%add3A_37, %dma_wait3A_66] : memref<40x128xi32, #tpu.memory_space<vmem>> -> memref<1x128xi32, #tpu.memory_space<vmem>>
        %dma_wait3A_68 = tpu.memref_squeeze %dma_wait3A_67 : memref<1x128xi32, #tpu.memory_space<vmem>> -> memref<128xi32, #tpu.memory_space<vmem>>
        %dma_wait3A_69 = arith.constant 0 : i32
        %dma_wait3A_70 = arith.constant 0 : i32
        %dma_wait3A_71 = tpu.memref_slice %arg11[%dma_wait3A_69, %dma_wait3A_70] : memref<10008x128xf32, #tpu.memory_space<vmem_shared>> -> memref<10008x128xf32, #tpu.memory_space<vmem_shared>>
        tpu.wait_indirect_dma semaphore(%run_scoped3A : memref<!tpu.dma_semaphore, #tpu.memory_space<semaphore_mem>>) src(%arg10 : memref<128x128xf32, #tpu.memory_space<vmem>>) dst(%dma_wait3A_71 : memref<10008x128xf32, #tpu.memory_space<vmem_shared>>)
        tpu.yield
      }) : () -> ()
    }
    %scan3A_19 = arith.constant 20 : i32
    "tpu.region"() ({
      %run_scoped3A = tpu.sem_alloc : memref<!tpu.dma_semaphore, #tpu.memory_space<semaphore_mem>>
      %dma_start3A = arith.constant 120 : i32
      %dma_start3A_34 = arith.constant 0 : i32
      %dma_start3A_35 = tpu.memref_slice %arg3[%arg1, %dma_start3A, %dma_start3A_34] : memref<16x160x128xi32, #tpu.memory_space<hbm>> -> memref<1x40x128xi32, #tpu.memory_space<hbm>>
      %dma_start3A_36 = tpu.memref_squeeze %dma_start3A_35 : memref<1x40x128xi32, #tpu.memory_space<hbm>> -> memref<40x128xi32, #tpu.memory_space<hbm>>
      %dma_start3A_37 = arith.constant 120 : i32
      %dma_start3A_38 = arith.constant 0 : i32
      %dma_start3A_39 = tpu.memref_slice %arg3[%arg1, %dma_start3A_37, %dma_start3A_38] : memref<16x160x128xi32, #tpu.memory_space<hbm>> -> memref<1x40x128xi32, #tpu.memory_space<hbm>>
      %dma_start3A_40 = tpu.memref_squeeze %dma_start3A_39 : memref<1x40x128xi32, #tpu.memory_space<hbm>> -> memref<40x128xi32, #tpu.memory_space<hbm>>
      tpu.enqueue_dma source(%dma_start3A_40 : memref<40x128xi32, #tpu.memory_space<hbm>>) target(%arg8 : memref<40x128xi32, #tpu.memory_space<vmem>>) target_semaphore(%run_scoped3A : memref<!tpu.dma_semaphore, #tpu.memory_space<semaphore_mem>>)
      %dma_wait3A = arith.constant 120 : i32
      %dma_wait3A_41 = arith.constant 0 : i32
      %dma_wait3A_42 = tpu.memref_slice %arg3[%arg1, %dma_wait3A, %dma_wait3A_41] : memref<16x160x128xi32, #tpu.memory_space<hbm>> -> memref<1x40x128xi32, #tpu.memory_space<hbm>>
      %dma_wait3A_43 = tpu.memref_squeeze %dma_wait3A_42 : memref<1x40x128xi32, #tpu.memory_space<hbm>> -> memref<40x128xi32, #tpu.memory_space<hbm>>
      %dma_wait3A_44 = arith.constant 120 : i32
      %dma_wait3A_45 = arith.constant 0 : i32
      %dma_wait3A_46 = tpu.memref_slice %arg3[%arg1, %dma_wait3A_44, %dma_wait3A_45] : memref<16x160x128xi32, #tpu.memory_space<hbm>> -> memref<1x40x128xi32, #tpu.memory_space<hbm>>
      %dma_wait3A_47 = tpu.memref_squeeze %dma_wait3A_46 : memref<1x40x128xi32, #tpu.memory_space<hbm>> -> memref<40x128xi32, #tpu.memory_space<hbm>>
      tpu.wait_dma2 semaphore(%run_scoped3A : memref<!tpu.dma_semaphore, #tpu.memory_space<semaphore_mem>>) src(%dma_wait3A_47 : memref<40x128xi32, #tpu.memory_space<hbm>>) dst(%arg8 : memref<40x128xi32, #tpu.memory_space<vmem>>)
      tpu.yield
    }) : () -> ()
    "tpu.region"() ({
      %run_scoped3A = tpu.sem_alloc : memref<!tpu.dma_semaphore, #tpu.memory_space<semaphore_mem>>
      %dma_start3A = arith.constant 120 : i32
      %dma_start3A_34 = arith.constant 0 : i32
      %dma_start3A_35 = tpu.memref_slice %arg4[%arg1, %dma_start3A, %dma_start3A_34] : memref<16x160x128xi32, #tpu.memory_space<hbm>> -> memref<1x40x128xi32, #tpu.memory_space<hbm>>
      %dma_start3A_36 = tpu.memref_squeeze %dma_start3A_35 : memref<1x40x128xi32, #tpu.memory_space<hbm>> -> memref<40x128xi32, #tpu.memory_space<hbm>>
      %dma_start3A_37 = arith.constant 120 : i32
      %dma_start3A_38 = arith.constant 0 : i32
      %dma_start3A_39 = tpu.memref_slice %arg4[%arg1, %dma_start3A_37, %dma_start3A_38] : memref<16x160x128xi32, #tpu.memory_space<hbm>> -> memref<1x40x128xi32, #tpu.memory_space<hbm>>
      %dma_start3A_40 = tpu.memref_squeeze %dma_start3A_39 : memref<1x40x128xi32, #tpu.memory_space<hbm>> -> memref<40x128xi32, #tpu.memory_space<hbm>>
      tpu.enqueue_dma source(%dma_start3A_40 : memref<40x128xi32, #tpu.memory_space<hbm>>) target(%arg7 : memref<40x128xi32, #tpu.memory_space<vmem>>) target_semaphore(%run_scoped3A : memref<!tpu.dma_semaphore, #tpu.memory_space<semaphore_mem>>)
      %dma_wait3A = arith.constant 120 : i32
      %dma_wait3A_41 = arith.constant 0 : i32
      %dma_wait3A_42 = tpu.memref_slice %arg4[%arg1, %dma_wait3A, %dma_wait3A_41] : memref<16x160x128xi32, #tpu.memory_space<hbm>> -> memref<1x40x128xi32, #tpu.memory_space<hbm>>
      %dma_wait3A_43 = tpu.memref_squeeze %dma_wait3A_42 : memref<1x40x128xi32, #tpu.memory_space<hbm>> -> memref<40x128xi32, #tpu.memory_space<hbm>>
      %dma_wait3A_44 = arith.constant 120 : i32
      %dma_wait3A_45 = arith.constant 0 : i32
      %dma_wait3A_46 = tpu.memref_slice %arg4[%arg1, %dma_wait3A_44, %dma_wait3A_45] : memref<16x160x128xi32, #tpu.memory_space<hbm>> -> memref<1x40x128xi32, #tpu.memory_space<hbm>>
      %dma_wait3A_47 = tpu.memref_squeeze %dma_wait3A_46 : memref<1x40x128xi32, #tpu.memory_space<hbm>> -> memref<40x128xi32, #tpu.memory_space<hbm>>
      tpu.wait_dma2 semaphore(%run_scoped3A : memref<!tpu.dma_semaphore, #tpu.memory_space<semaphore_mem>>) src(%dma_wait3A_47 : memref<40x128xi32, #tpu.memory_space<hbm>>) dst(%arg7 : memref<40x128xi32, #tpu.memory_space<vmem>>)
      tpu.yield
    }) : () -> ()
    %scan3A_20 = arith.constant 0 : i32
    %scan3A_21 = arith.constant 0 : i32
    %scan3A_22 = arith.constant 20 : i32
    %scan3A_23 = arith.addi %scan3A_21, %scan3A_22 : i32
    %scan3A_24 = arith.constant 1 : i32
    scf.for %scan3A_34 = %scan3A_21 to %scan3A_23 step %scan3A_24  : i32 {
      %mul3A_35 = arith.constant 2 : i32
      %mul3A_36 = arith.muli %mul3A_35, %scan3A_34 : i32
      %add3A = arith.constant 1 : i32
      %add3A_37 = arith.addi %mul3A_36, %add3A : i32
      %dma_start3A = arith.constant 0 : i32
      %dma_start3A_38 = tpu.memref_slice %arg8[%mul3A_36, %dma_start3A] : memref<40x128xi32, #tpu.memory_space<vmem>> -> memref<1x128xi32, #tpu.memory_space<vmem>>
      %dma_start3A_39 = tpu.memref_squeeze %dma_start3A_38 : memref<1x128xi32, #tpu.memory_space<vmem>> -> memref<128xi32, #tpu.memory_space<vmem>>
      %dma_start3A_40 = arith.constant 0 : i32
      %dma_start3A_41 = arith.constant 0 : i32
      %dma_start3A_42 = tpu.memref_slice %arg2[%dma_start3A_40, %dma_start3A_41] : memref<10000x128xf32, #tpu.memory_space<hbm>> -> memref<10000x128xf32, #tpu.memory_space<hbm>>
      tpu.enqueue_indirect_dma source(%dma_start3A_42 : memref<10000x128xf32, #tpu.memory_space<hbm>>) target(%arg9 : memref<128x128xf32, #tpu.memory_space<vmem>>) offsets(%dma_start3A_39 : memref<128xi32, #tpu.memory_space<vmem>>) semaphore(%arg12 : memref<!tpu.dma_semaphore, #tpu.memory_space<semaphore_mem>>)
      %dma_start3A_43 = arith.constant 0 : i32
      %dma_start3A_44 = tpu.memref_slice %arg8[%add3A_37, %dma_start3A_43] : memref<40x128xi32, #tpu.memory_space<vmem>> -> memref<1x128xi32, #tpu.memory_space<vmem>>
      %dma_start3A_45 = tpu.memref_squeeze %dma_start3A_44 : memref<1x128xi32, #tpu.memory_space<vmem>> -> memref<128xi32, #tpu.memory_space<vmem>>
      %dma_start3A_46 = arith.constant 0 : i32
      %dma_start3A_47 = arith.constant 0 : i32
      %dma_start3A_48 = tpu.memref_slice %arg2[%dma_start3A_46, %dma_start3A_47] : memref<10000x128xf32, #tpu.memory_space<hbm>> -> memref<10000x128xf32, #tpu.memory_space<hbm>>
      tpu.enqueue_indirect_dma source(%dma_start3A_48 : memref<10000x128xf32, #tpu.memory_space<hbm>>) target(%arg10 : memref<128x128xf32, #tpu.memory_space<vmem>>) offsets(%dma_start3A_45 : memref<128xi32, #tpu.memory_space<vmem>>) semaphore(%arg13 : memref<!tpu.dma_semaphore, #tpu.memory_space<semaphore_mem>>)
      %dma_wait3A = arith.constant 0 : i32
      %dma_wait3A_49 = tpu.memref_slice %arg8[%mul3A_36, %dma_wait3A] : memref<40x128xi32, #tpu.memory_space<vmem>> -> memref<1x128xi32, #tpu.memory_space<vmem>>
      %dma_wait3A_50 = tpu.memref_squeeze %dma_wait3A_49 : memref<1x128xi32, #tpu.memory_space<vmem>> -> memref<128xi32, #tpu.memory_space<vmem>>
      %dma_wait3A_51 = arith.constant 0 : i32
      %dma_wait3A_52 = arith.constant 0 : i32
      %dma_wait3A_53 = tpu.memref_slice %arg2[%dma_wait3A_51, %dma_wait3A_52] : memref<10000x128xf32, #tpu.memory_space<hbm>> -> memref<10000x128xf32, #tpu.memory_space<hbm>>
      tpu.wait_indirect_dma semaphore(%arg12 : memref<!tpu.dma_semaphore, #tpu.memory_space<semaphore_mem>>) src(%dma_wait3A_53 : memref<10000x128xf32, #tpu.memory_space<hbm>>) dst(%arg9 : memref<128x128xf32, #tpu.memory_space<vmem>>)
      "tpu.region"() ({
        %run_scoped3A = tpu.sem_alloc : memref<!tpu.dma_semaphore, #tpu.memory_space<semaphore_mem>>
        %dma_start3A_60 = arith.constant 0 : i32
        %dma_start3A_61 = tpu.memref_slice %arg7[%mul3A_36, %dma_start3A_60] : memref<40x128xi32, #tpu.memory_space<vmem>> -> memref<1x128xi32, #tpu.memory_space<vmem>>
        %dma_start3A_62 = tpu.memref_squeeze %dma_start3A_61 : memref<1x128xi32, #tpu.memory_space<vmem>> -> memref<128xi32, #tpu.memory_space<vmem>>
        %dma_start3A_63 = arith.constant 0 : i32
        %dma_start3A_64 = arith.constant 0 : i32
        %dma_start3A_65 = tpu.memref_slice %arg11[%dma_start3A_63, %dma_start3A_64] : memref<10008x128xf32, #tpu.memory_space<vmem_shared>> -> memref<10008x128xf32, #tpu.memory_space<vmem_shared>>
        tpu.enqueue_indirect_dma source(%arg9 : memref<128x128xf32, #tpu.memory_space<vmem>>) target(%dma_start3A_65 : memref<10008x128xf32, #tpu.memory_space<vmem_shared>>) offsets(%dma_start3A_62 : memref<128xi32, #tpu.memory_space<vmem>>) semaphore(%run_scoped3A : memref<!tpu.dma_semaphore, #tpu.memory_space<semaphore_mem>>) {add = true}
        %dma_wait3A_66 = arith.constant 0 : i32
        %dma_wait3A_67 = tpu.memref_slice %arg7[%mul3A_36, %dma_wait3A_66] : memref<40x128xi32, #tpu.memory_space<vmem>> -> memref<1x128xi32, #tpu.memory_space<vmem>>
        %dma_wait3A_68 = tpu.memref_squeeze %dma_wait3A_67 : memref<1x128xi32, #tpu.memory_space<vmem>> -> memref<128xi32, #tpu.memory_space<vmem>>
        %dma_wait3A_69 = arith.constant 0 : i32
        %dma_wait3A_70 = arith.constant 0 : i32
        %dma_wait3A_71 = tpu.memref_slice %arg11[%dma_wait3A_69, %dma_wait3A_70] : memref<10008x128xf32, #tpu.memory_space<vmem_shared>> -> memref<10008x128xf32, #tpu.memory_space<vmem_shared>>
        tpu.wait_indirect_dma semaphore(%run_scoped3A : memref<!tpu.dma_semaphore, #tpu.memory_space<semaphore_mem>>) src(%arg9 : memref<128x128xf32, #tpu.memory_space<vmem>>) dst(%dma_wait3A_71 : memref<10008x128xf32, #tpu.memory_space<vmem_shared>>)
        tpu.yield
      }) : () -> ()
      %dma_wait3A_54 = arith.constant 0 : i32
      %dma_wait3A_55 = tpu.memref_slice %arg8[%add3A_37, %dma_wait3A_54] : memref<40x128xi32, #tpu.memory_space<vmem>> -> memref<1x128xi32, #tpu.memory_space<vmem>>
      %dma_wait3A_56 = tpu.memref_squeeze %dma_wait3A_55 : memref<1x128xi32, #tpu.memory_space<vmem>> -> memref<128xi32, #tpu.memory_space<vmem>>
      %dma_wait3A_57 = arith.constant 0 : i32
      %dma_wait3A_58 = arith.constant 0 : i32
      %dma_wait3A_59 = tpu.memref_slice %arg2[%dma_wait3A_57, %dma_wait3A_58] : memref<10000x128xf32, #tpu.memory_space<hbm>> -> memref<10000x128xf32, #tpu.memory_space<hbm>>
      tpu.wait_indirect_dma semaphore(%arg13 : memref<!tpu.dma_semaphore, #tpu.memory_space<semaphore_mem>>) src(%dma_wait3A_59 : memref<10000x128xf32, #tpu.memory_space<hbm>>) dst(%arg10 : memref<128x128xf32, #tpu.memory_space<vmem>>)
      "tpu.region"() ({
        %run_scoped3A = tpu.sem_alloc : memref<!tpu.dma_semaphore, #tpu.memory_space<semaphore_mem>>
        %dma_start3A_60 = arith.constant 0 : i32
        %dma_start3A_61 = tpu.memref_slice %arg7[%add3A_37, %dma_start3A_60] : memref<40x128xi32, #tpu.memory_space<vmem>> -> memref<1x128xi32, #tpu.memory_space<vmem>>
        %dma_start3A_62 = tpu.memref_squeeze %dma_start3A_61 : memref<1x128xi32, #tpu.memory_space<vmem>> -> memref<128xi32, #tpu.memory_space<vmem>>
        %dma_start3A_63 = arith.constant 0 : i32
        %dma_start3A_64 = arith.constant 0 : i32
        %dma_start3A_65 = tpu.memref_slice %arg11[%dma_start3A_63, %dma_start3A_64] : memref<10008x128xf32, #tpu.memory_space<vmem_shared>> -> memref<10008x128xf32, #tpu.memory_space<vmem_shared>>
        tpu.enqueue_indirect_dma source(%arg10 : memref<128x128xf32, #tpu.memory_space<vmem>>) target(%dma_start3A_65 : memref<10008x128xf32, #tpu.memory_space<vmem_shared>>) offsets(%dma_start3A_62 : memref<128xi32, #tpu.memory_space<vmem>>) semaphore(%run_scoped3A : memref<!tpu.dma_semaphore, #tpu.memory_space<semaphore_mem>>) {add = true}
        %dma_wait3A_66 = arith.constant 0 : i32
        %dma_wait3A_67 = tpu.memref_slice %arg7[%add3A_37, %dma_wait3A_66] : memref<40x128xi32, #tpu.memory_space<vmem>> -> memref<1x128xi32, #tpu.memory_space<vmem>>
        %dma_wait3A_68 = tpu.memref_squeeze %dma_wait3A_67 : memref<1x128xi32, #tpu.memory_space<vmem>> -> memref<128xi32, #tpu.memory_space<vmem>>
        %dma_wait3A_69 = arith.constant 0 : i32
        %dma_wait3A_70 = arith.constant 0 : i32
        %dma_wait3A_71 = tpu.memref_slice %arg11[%dma_wait3A_69, %dma_wait3A_70] : memref<10008x128xf32, #tpu.memory_space<vmem_shared>> -> memref<10008x128xf32, #tpu.memory_space<vmem_shared>>
        tpu.wait_indirect_dma semaphore(%run_scoped3A : memref<!tpu.dma_semaphore, #tpu.memory_space<semaphore_mem>>) src(%arg10 : memref<128x128xf32, #tpu.memory_space<vmem>>) dst(%dma_wait3A_71 : memref<10008x128xf32, #tpu.memory_space<vmem_shared>>)
        tpu.yield
      }) : () -> ()
    }
    %scan3A_25 = arith.constant 20 : i32
    %barrier3A_26 = arith.constant 0 : index
    tpu.barrier barrier_id(%barrier3A_26)
    %mul3A_27 = arith.constant 624 : i32
    %mul3A_28 = arith.muli %arg1, %mul3A_27 : i32
    "tpu.region"() ({
      %run_scoped3A = tpu.sem_alloc : memref<!tpu.dma_semaphore, #tpu.memory_space<semaphore_mem>>
      %dma_start3A = arith.constant 0 : i32
      %dma_start3A_34 = tpu.memref_slice %arg6[%mul3A_28, %dma_start3A] : memref<10000x128xf32, #tpu.memory_space<hbm>> -> memref<624x128xf32, #tpu.memory_space<hbm>>
      %dma_start3A_35 = arith.constant 0 : i32
      %dma_start3A_36 = tpu.memref_slice %arg11[%mul3A_28, %dma_start3A_35] : memref<10008x128xf32, #tpu.memory_space<vmem_shared>> -> memref<624x128xf32, #tpu.memory_space<vmem_shared>>
      tpu.enqueue_dma source(%dma_start3A_36 : memref<624x128xf32, #tpu.memory_space<vmem_shared>>) target(%dma_start3A_34 : memref<624x128xf32, #tpu.memory_space<hbm>>) target_semaphore(%run_scoped3A : memref<!tpu.dma_semaphore, #tpu.memory_space<semaphore_mem>>)
      %dma_wait3A = arith.constant 0 : i32
      %dma_wait3A_37 = tpu.memref_slice %arg6[%mul3A_28, %dma_wait3A] : memref<10000x128xf32, #tpu.memory_space<hbm>> -> memref<624x128xf32, #tpu.memory_space<hbm>>
      %dma_wait3A_38 = arith.constant 0 : i32
      %dma_wait3A_39 = tpu.memref_slice %arg11[%mul3A_28, %dma_wait3A_38] : memref<10008x128xf32, #tpu.memory_space<vmem_shared>> -> memref<624x128xf32, #tpu.memory_space<vmem_shared>>
      tpu.wait_dma2 semaphore(%run_scoped3A : memref<!tpu.dma_semaphore, #tpu.memory_space<semaphore_mem>>) src(%dma_wait3A_39 : memref<624x128xf32, #tpu.memory_space<vmem_shared>>) dst(%dma_wait3A_37 : memref<624x128xf32, #tpu.memory_space<hbm>>)
      tpu.yield
    }) : () -> ()
    %eq3A_29 = arith.constant 15 : i32
    %eq3A_30 = arith.cmpi eq, %arg1, %eq3A_29 : i32
    %convert_element_type3A_31 = arith.extui %eq3A_30 : i1 to i32
    %cond3A_32 = arith.constant 0 : i32
    %cond3A_33 = arith.cmpi ne, %convert_element_type3A_31, %cond3A_32 : i32
    scf.if %cond3A_33 {
      "tpu.region"() ({
        %run_scoped3A = tpu.sem_alloc : memref<!tpu.dma_semaphore, #tpu.memory_space<semaphore_mem>>
        %dma_start3A = arith.constant 9984 : i32
        %dma_start3A_34 = arith.constant 0 : i32
        %dma_start3A_35 = tpu.memref_slice %arg6[%dma_start3A, %dma_start3A_34] : memref<10000x128xf32, #tpu.memory_space<hbm>> -> memref<16x128xf32, #tpu.memory_space<hbm>>
        %dma_start3A_36 = arith.constant 9984 : i32
        %dma_start3A_37 = arith.constant 0 : i32
        %dma_start3A_38 = tpu.memref_slice %arg11[%dma_start3A_36, %dma_start3A_37] : memref<10008x128xf32, #tpu.memory_space<vmem_shared>> -> memref<16x128xf32, #tpu.memory_space<vmem_shared>>
        tpu.enqueue_dma source(%dma_start3A_38 : memref<16x128xf32, #tpu.memory_space<vmem_shared>>) target(%dma_start3A_35 : memref<16x128xf32, #tpu.memory_space<hbm>>) target_semaphore(%run_scoped3A : memref<!tpu.dma_semaphore, #tpu.memory_space<semaphore_mem>>)
        %dma_wait3A = arith.constant 9984 : i32
        %dma_wait3A_39 = arith.constant 0 : i32
        %dma_wait3A_40 = tpu.memref_slice %arg6[%dma_wait3A, %dma_wait3A_39] : memref<10000x128xf32, #tpu.memory_space<hbm>> -> memref<16x128xf32, #tpu.memory_space<hbm>>
        %dma_wait3A_41 = arith.constant 9984 : i32
        %dma_wait3A_42 = arith.constant 0 : i32
        %dma_wait3A_43 = tpu.memref_slice %arg11[%dma_wait3A_41, %dma_wait3A_42] : memref<10008x128xf32, #tpu.memory_space<vmem_shared>> -> memref<16x128xf32, #tpu.memory_space<vmem_shared>>
        tpu.wait_dma2 semaphore(%run_scoped3A : memref<!tpu.dma_semaphore, #tpu.memory_space<semaphore_mem>>) src(%dma_wait3A_43 : memref<16x128xf32, #tpu.memory_space<vmem_shared>>) dst(%dma_wait3A_40 : memref<16x128xf32, #tpu.memory_space<hbm>>)
        tpu.yield
      }) : () -> ()
    } else {
    }
    return
  }
}

#map = affine_map<(d0, d1) -> (0, 0, 0)>
#map1 = affine_map<(d0, d1) -> (0, 0)>
module attributes {stable_mosaic.version = 14 : i64} {
  func.func @body_ones(%arg0: i32, %arg1: i32, %arg2: memref<16x160x128xi32, #tpu.memory_space<hbm>>, %arg3: memref<10008x128xf32, #tpu.memory_space<hbm>>, %arg4: memref<10000x128xf32, #tpu.memory_space<hbm>>, %arg5: memref<40x128xi32, #tpu.memory_space<vmem>>, %arg6: memref<128x128xf32, #tpu.memory_space<vmem>>, %arg7: memref<10008x128xf32, #tpu.memory_space<vmem_shared>>, %arg8: memref<!tpu.dma_semaphore, #tpu.memory_space<semaphore_mem>>, %arg9: memref<!tpu.dma_semaphore, #tpu.memory_space<semaphore_mem>>) attributes {dimension_semantics = [#tpu.dimension_semantics<core_parallel>, #tpu.dimension_semantics<subcore_parallel>], iteration_bounds = array<i64: 1, 16>, scalar_prefetch = 0 : i64, scratch_operands = 5 : i64, tpu.core_type = #tpu.core_type<sc_vector_subcore>, window_params = [{transform_indices = #map}, {transform_indices = #map1}, {transform_indices = #map1}]} {
    %broadcast_in_dim3A = arith.constant 1.000000e+00 : f32
    %broadcast_in_dim3A_0 = vector.broadcast %broadcast_in_dim3A : f32 to vector<16xf32>
    %scan3A = arith.constant 0 : i32
    %scan3A_1 = arith.constant 0 : i32
    %scan3A_2 = arith.constant 128 : i32
    %scan3A_3 = arith.addi %scan3A_1, %scan3A_2 : i32
    %scan3A_4 = arith.constant 1 : i32
    scf.for %scan3A_41 = %scan3A_1 to %scan3A_3 step %scan3A_4  : i32 {
      %swap3A = arith.index_cast %scan3A_41 : i32 to index
      %swap3A_42 = arith.constant 0 : index
      %swap3A_43 = tpu.vector_load %arg6[%swap3A, %swap3A_42] {strides = array<i32>} : memref<128x128xf32, #tpu.memory_space<vmem>>, vector<1x16xf32>,
      %swap3A_44 = vector.shape_cast %swap3A_43 : vector<1x16xf32> to vector<16xf32>
      %swap3A_45 = vector.shape_cast %broadcast_in_dim3A_0 : vector<16xf32> to vector<1x16xf32>
      tpu.vector_store %arg6[%swap3A, %swap3A_42], %swap3A_45 {strides = array<i32>} : memref<128x128xf32, #tpu.memory_space<vmem>>, vector<1x16xf32>,
      %swap3A_46 = arith.index_cast %scan3A_41 : i32 to index
      %swap3A_47 = arith.constant 16 : index
      %swap3A_48 = tpu.vector_load %arg6[%swap3A_46, %swap3A_47] {strides = array<i32>} : memref<128x128xf32, #tpu.memory_space<vmem>>, vector<1x16xf32>,
      %swap3A_49 = vector.shape_cast %swap3A_48 : vector<1x16xf32> to vector<16xf32>
      %swap3A_50 = vector.shape_cast %broadcast_in_dim3A_0 : vector<16xf32> to vector<1x16xf32>
      tpu.vector_store %arg6[%swap3A_46, %swap3A_47], %swap3A_50 {strides = array<i32>} : memref<128x128xf32, #tpu.memory_space<vmem>>, vector<1x16xf32>,
      %swap3A_51 = arith.index_cast %scan3A_41 : i32 to index
      %swap3A_52 = arith.constant 32 : index
      %swap3A_53 = tpu.vector_load %arg6[%swap3A_51, %swap3A_52] {strides = array<i32>} : memref<128x128xf32, #tpu.memory_space<vmem>>, vector<1x16xf32>,
      %swap3A_54 = vector.shape_cast %swap3A_53 : vector<1x16xf32> to vector<16xf32>
      %swap3A_55 = vector.shape_cast %broadcast_in_dim3A_0 : vector<16xf32> to vector<1x16xf32>
      tpu.vector_store %arg6[%swap3A_51, %swap3A_52], %swap3A_55 {strides = array<i32>} : memref<128x128xf32, #tpu.memory_space<vmem>>, vector<1x16xf32>,
      %swap3A_56 = arith.index_cast %scan3A_41 : i32 to index
      %swap3A_57 = arith.constant 48 : index
      %swap3A_58 = tpu.vector_load %arg6[%swap3A_56, %swap3A_57] {strides = array<i32>} : memref<128x128xf32, #tpu.memory_space<vmem>>, vector<1x16xf32>,
      %swap3A_59 = vector.shape_cast %swap3A_58 : vector<1x16xf32> to vector<16xf32>
      %swap3A_60 = vector.shape_cast %broadcast_in_dim3A_0 : vector<16xf32> to vector<1x16xf32>
      tpu.vector_store %arg6[%swap3A_56, %swap3A_57], %swap3A_60 {strides = array<i32>} : memref<128x128xf32, #tpu.memory_space<vmem>>, vector<1x16xf32>,
      %swap3A_61 = arith.index_cast %scan3A_41 : i32 to index
      %swap3A_62 = arith.constant 64 : index
      %swap3A_63 = tpu.vector_load %arg6[%swap3A_61, %swap3A_62] {strides = array<i32>} : memref<128x128xf32, #tpu.memory_space<vmem>>, vector<1x16xf32>,
      %swap3A_64 = vector.shape_cast %swap3A_63 : vector<1x16xf32> to vector<16xf32>
      %swap3A_65 = vector.shape_cast %broadcast_in_dim3A_0 : vector<16xf32> to vector<1x16xf32>
      tpu.vector_store %arg6[%swap3A_61, %swap3A_62], %swap3A_65 {strides = array<i32>} : memref<128x128xf32, #tpu.memory_space<vmem>>, vector<1x16xf32>,
      %swap3A_66 = arith.index_cast %scan3A_41 : i32 to index
      %swap3A_67 = arith.constant 80 : index
      %swap3A_68 = tpu.vector_load %arg6[%swap3A_66, %swap3A_67] {strides = array<i32>} : memref<128x128xf32, #tpu.memory_space<vmem>>, vector<1x16xf32>,
      %swap3A_69 = vector.shape_cast %swap3A_68 : vector<1x16xf32> to vector<16xf32>
      %swap3A_70 = vector.shape_cast %broadcast_in_dim3A_0 : vector<16xf32> to vector<1x16xf32>
      tpu.vector_store %arg6[%swap3A_66, %swap3A_67], %swap3A_70 {strides = array<i32>} : memref<128x128xf32, #tpu.memory_space<vmem>>, vector<1x16xf32>,
      %swap3A_71 = arith.index_cast %scan3A_41 : i32 to index
      %swap3A_72 = arith.constant 96 : index
      %swap3A_73 = tpu.vector_load %arg6[%swap3A_71, %swap3A_72] {strides = array<i32>} : memref<128x128xf32, #tpu.memory_space<vmem>>, vector<1x16xf32>,
      %swap3A_74 = vector.shape_cast %swap3A_73 : vector<1x16xf32> to vector<16xf32>
      %swap3A_75 = vector.shape_cast %broadcast_in_dim3A_0 : vector<16xf32> to vector<1x16xf32>
      tpu.vector_store %arg6[%swap3A_71, %swap3A_72], %swap3A_75 {strides = array<i32>} : memref<128x128xf32, #tpu.memory_space<vmem>>, vector<1x16xf32>,
      %swap3A_76 = arith.index_cast %scan3A_41 : i32 to index
      %swap3A_77 = arith.constant 112 : index
      %swap3A_78 = tpu.vector_load %arg6[%swap3A_76, %swap3A_77] {strides = array<i32>} : memref<128x128xf32, #tpu.memory_space<vmem>>, vector<1x16xf32>,
      %swap3A_79 = vector.shape_cast %swap3A_78 : vector<1x16xf32> to vector<16xf32>
      %swap3A_80 = vector.shape_cast %broadcast_in_dim3A_0 : vector<16xf32> to vector<1x16xf32>
      tpu.vector_store %arg6[%swap3A_76, %swap3A_77], %swap3A_80 {strides = array<i32>} : memref<128x128xf32, #tpu.memory_space<vmem>>, vector<1x16xf32>,
    }
    %scan3A_5 = arith.constant 128 : i32
    %mul3A = arith.constant 624 : i32
    %mul3A_6 = arith.muli %arg1, %mul3A : i32
    "tpu.region"() ({
      %run_scoped3A = tpu.sem_alloc : memref<!tpu.dma_semaphore, #tpu.memory_space<semaphore_mem>>
      %dma_start3A = arith.constant 0 : i32
      %dma_start3A_41 = tpu.memref_slice %arg7[%mul3A_6, %dma_start3A] : memref<10008x128xf32, #tpu.memory_space<vmem_shared>> -> memref<624x128xf32, #tpu.memory_space<vmem_shared>>
      %dma_start3A_42 = arith.constant 0 : i32
      %dma_start3A_43 = tpu.memref_slice %arg3[%mul3A_6, %dma_start3A_42] : memref<10008x128xf32, #tpu.memory_space<hbm>> -> memref<624x128xf32, #tpu.memory_space<hbm>>
      tpu.enqueue_dma source(%dma_start3A_43 : memref<624x128xf32, #tpu.memory_space<hbm>>) target(%dma_start3A_41 : memref<624x128xf32, #tpu.memory_space<vmem_shared>>) target_semaphore(%run_scoped3A : memref<!tpu.dma_semaphore, #tpu.memory_space<semaphore_mem>>)
      %dma_wait3A = arith.constant 0 : i32
      %dma_wait3A_44 = tpu.memref_slice %arg7[%mul3A_6, %dma_wait3A] : memref<10008x128xf32, #tpu.memory_space<vmem_shared>> -> memref<624x128xf32, #tpu.memory_space<vmem_shared>>
      %dma_wait3A_45 = arith.constant 0 : i32
      %dma_wait3A_46 = tpu.memref_slice %arg3[%mul3A_6, %dma_wait3A_45] : memref<10008x128xf32, #tpu.memory_space<hbm>> -> memref<624x128xf32, #tpu.memory_space<hbm>>
      tpu.wait_dma2 semaphore(%run_scoped3A : memref<!tpu.dma_semaphore, #tpu.memory_space<semaphore_mem>>) src(%dma_wait3A_46 : memref<624x128xf32, #tpu.memory_space<hbm>>) dst(%dma_wait3A_44 : memref<624x128xf32, #tpu.memory_space<vmem_shared>>)
      tpu.yield
    }) : () -> ()
    %eq3A = arith.constant 15 : i32
    %eq3A_7 = arith.cmpi eq, %arg1, %eq3A : i32
    %convert_element_type3A = arith.extui %eq3A_7 : i1 to i32
    %cond3A = arith.constant 0 : i32
    %cond3A_8 = arith.cmpi ne, %convert_element_type3A, %cond3A : i32
    scf.if %cond3A_8 {
      "tpu.region"() ({
        %run_scoped3A = tpu.sem_alloc : memref<!tpu.dma_semaphore, #tpu.memory_space<semaphore_mem>>
        %dma_start3A = arith.constant 9984 : i32
        %dma_start3A_41 = arith.constant 0 : i32
        %dma_start3A_42 = tpu.memref_slice %arg7[%dma_start3A, %dma_start3A_41] : memref<10008x128xf32, #tpu.memory_space<vmem_shared>> -> memref<24x128xf32, #tpu.memory_space<vmem_shared>>
        %dma_start3A_43 = arith.constant 9984 : i32
        %dma_start3A_44 = arith.constant 0 : i32
        %dma_start3A_45 = tpu.memref_slice %arg3[%dma_start3A_43, %dma_start3A_44] : memref<10008x128xf32, #tpu.memory_space<hbm>> -> memref<24x128xf32, #tpu.memory_space<hbm>>
        tpu.enqueue_dma source(%dma_start3A_45 : memref<24x128xf32, #tpu.memory_space<hbm>>) target(%dma_start3A_42 : memref<24x128xf32, #tpu.memory_space<vmem_shared>>) target_semaphore(%run_scoped3A : memref<!tpu.dma_semaphore, #tpu.memory_space<semaphore_mem>>)
        %dma_wait3A = arith.constant 9984 : i32
        %dma_wait3A_46 = arith.constant 0 : i32
        %dma_wait3A_47 = tpu.memref_slice %arg7[%dma_wait3A, %dma_wait3A_46] : memref<10008x128xf32, #tpu.memory_space<vmem_shared>> -> memref<24x128xf32, #tpu.memory_space<vmem_shared>>
        %dma_wait3A_48 = arith.constant 9984 : i32
        %dma_wait3A_49 = arith.constant 0 : i32
        %dma_wait3A_50 = tpu.memref_slice %arg3[%dma_wait3A_48, %dma_wait3A_49] : memref<10008x128xf32, #tpu.memory_space<hbm>> -> memref<24x128xf32, #tpu.memory_space<hbm>>
        tpu.wait_dma2 semaphore(%run_scoped3A : memref<!tpu.dma_semaphore, #tpu.memory_space<semaphore_mem>>) src(%dma_wait3A_50 : memref<24x128xf32, #tpu.memory_space<hbm>>) dst(%dma_wait3A_47 : memref<24x128xf32, #tpu.memory_space<vmem_shared>>)
        tpu.yield
      }) : () -> ()
    } else {
    }
    %barrier3A = arith.constant 0 : index
    tpu.barrier barrier_id(%barrier3A)
    "tpu.region"() ({
      %run_scoped3A = tpu.sem_alloc : memref<!tpu.dma_semaphore, #tpu.memory_space<semaphore_mem>>
      %dma_start3A = arith.constant 0 : i32
      %dma_start3A_41 = arith.constant 0 : i32
      %dma_start3A_42 = tpu.memref_slice %arg2[%arg1, %dma_start3A, %dma_start3A_41] : memref<16x160x128xi32, #tpu.memory_space<hbm>> -> memref<1x40x128xi32, #tpu.memory_space<hbm>>
      %dma_start3A_43 = tpu.memref_squeeze %dma_start3A_42 : memref<1x40x128xi32, #tpu.memory_space<hbm>> -> memref<40x128xi32, #tpu.memory_space<hbm>>
      %dma_start3A_44 = arith.constant 0 : i32
      %dma_start3A_45 = arith.constant 0 : i32
      %dma_start3A_46 = tpu.memref_slice %arg2[%arg1, %dma_start3A_44, %dma_start3A_45] : memref<16x160x128xi32, #tpu.memory_space<hbm>> -> memref<1x40x128xi32, #tpu.memory_space<hbm>>
      %dma_start3A_47 = tpu.memref_squeeze %dma_start3A_46 : memref<1x40x128xi32, #tpu.memory_space<hbm>> -> memref<40x128xi32, #tpu.memory_space<hbm>>
      tpu.enqueue_dma source(%dma_start3A_47 : memref<40x128xi32, #tpu.memory_space<hbm>>) target(%arg5 : memref<40x128xi32, #tpu.memory_space<vmem>>) target_semaphore(%run_scoped3A : memref<!tpu.dma_semaphore, #tpu.memory_space<semaphore_mem>>)
      %dma_wait3A = arith.constant 0 : i32
      %dma_wait3A_48 = arith.constant 0 : i32
      %dma_wait3A_49 = tpu.memref_slice %arg2[%arg1, %dma_wait3A, %dma_wait3A_48] : memref<16x160x128xi32, #tpu.memory_space<hbm>> -> memref<1x40x128xi32, #tpu.memory_space<hbm>>
      %dma_wait3A_50 = tpu.memref_squeeze %dma_wait3A_49 : memref<1x40x128xi32, #tpu.memory_space<hbm>> -> memref<40x128xi32, #tpu.memory_space<hbm>>
      %dma_wait3A_51 = arith.constant 0 : i32
      %dma_wait3A_52 = arith.constant 0 : i32
      %dma_wait3A_53 = tpu.memref_slice %arg2[%arg1, %dma_wait3A_51, %dma_wait3A_52] : memref<16x160x128xi32, #tpu.memory_space<hbm>> -> memref<1x40x128xi32, #tpu.memory_space<hbm>>
      %dma_wait3A_54 = tpu.memref_squeeze %dma_wait3A_53 : memref<1x40x128xi32, #tpu.memory_space<hbm>> -> memref<40x128xi32, #tpu.memory_space<hbm>>
      tpu.wait_dma2 semaphore(%run_scoped3A : memref<!tpu.dma_semaphore, #tpu.memory_space<semaphore_mem>>) src(%dma_wait3A_54 : memref<40x128xi32, #tpu.memory_space<hbm>>) dst(%arg5 : memref<40x128xi32, #tpu.memory_space<vmem>>)
      tpu.yield
    }) : () -> ()
    %scan3A_9 = arith.constant 0 : i32
    %scan3A_10 = arith.constant 0 : i32
    %scan3A_11 = arith.constant 20 : i32
    %scan3A_12 = arith.addi %scan3A_10, %scan3A_11 : i32
    %scan3A_13 = arith.constant 1 : i32
    scf.for %scan3A_41 = %scan3A_10 to %scan3A_12 step %scan3A_13  : i32 {
      %mul3A_42 = arith.constant 2 : i32
      %mul3A_43 = arith.muli %mul3A_42, %scan3A_41 : i32
      %dma_start3A = arith.constant 0 : i32
      %dma_start3A_44 = tpu.memref_slice %arg5[%mul3A_43, %dma_start3A] : memref<40x128xi32, #tpu.memory_space<vmem>> -> memref<1x128xi32, #tpu.memory_space<vmem>>
      %dma_start3A_45 = tpu.memref_squeeze %dma_start3A_44 : memref<1x128xi32, #tpu.memory_space<vmem>> -> memref<128xi32, #tpu.memory_space<vmem>>
      %dma_start3A_46 = arith.constant 0 : i32
      %dma_start3A_47 = arith.constant 0 : i32
      %dma_start3A_48 = tpu.memref_slice %arg7[%dma_start3A_46, %dma_start3A_47] : memref<10008x128xf32, #tpu.memory_space<vmem_shared>> -> memref<10008x128xf32, #tpu.memory_space<vmem_shared>>
      tpu.enqueue_indirect_dma source(%arg6 : memref<128x128xf32, #tpu.memory_space<vmem>>) target(%dma_start3A_48 : memref<10008x128xf32, #tpu.memory_space<vmem_shared>>) offsets(%dma_start3A_45 : memref<128xi32, #tpu.memory_space<vmem>>) semaphore(%arg8 : memref<!tpu.dma_semaphore, #tpu.memory_space<semaphore_mem>>) {add = true}
      %add3A = arith.constant 1 : i32
      %add3A_49 = arith.addi %mul3A_43, %add3A : i32
      %dma_start3A_50 = arith.constant 0 : i32
      %dma_start3A_51 = tpu.memref_slice %arg5[%add3A_49, %dma_start3A_50] : memref<40x128xi32, #tpu.memory_space<vmem>> -> memref<1x128xi32, #tpu.memory_space<vmem>>
      %dma_start3A_52 = tpu.memref_squeeze %dma_start3A_51 : memref<1x128xi32, #tpu.memory_space<vmem>> -> memref<128xi32, #tpu.memory_space<vmem>>
      %dma_start3A_53 = arith.constant 0 : i32
      %dma_start3A_54 = arith.constant 0 : i32
      %dma_start3A_55 = tpu.memref_slice %arg7[%dma_start3A_53, %dma_start3A_54] : memref<10008x128xf32, #tpu.memory_space<vmem_shared>> -> memref<10008x128xf32, #tpu.memory_space<vmem_shared>>
      tpu.enqueue_indirect_dma source(%arg6 : memref<128x128xf32, #tpu.memory_space<vmem>>) target(%dma_start3A_55 : memref<10008x128xf32, #tpu.memory_space<vmem_shared>>) offsets(%dma_start3A_52 : memref<128xi32, #tpu.memory_space<vmem>>) semaphore(%arg9 : memref<!tpu.dma_semaphore, #tpu.memory_space<semaphore_mem>>) {add = true}
      %dma_wait3A = arith.constant 0 : i32
      %dma_wait3A_56 = tpu.memref_slice %arg5[%mul3A_43, %dma_wait3A] : memref<40x128xi32, #tpu.memory_space<vmem>> -> memref<1x128xi32, #tpu.memory_space<vmem>>
      %dma_wait3A_57 = tpu.memref_squeeze %dma_wait3A_56 : memref<1x128xi32, #tpu.memory_space<vmem>> -> memref<128xi32, #tpu.memory_space<vmem>>
      %dma_wait3A_58 = arith.constant 0 : i32
      %dma_wait3A_59 = arith.constant 0 : i32
      %dma_wait3A_60 = tpu.memref_slice %arg7[%dma_wait3A_58, %dma_wait3A_59] : memref<10008x128xf32, #tpu.memory_space<vmem_shared>> -> memref<10008x128xf32, #tpu.memory_space<vmem_shared>>
      tpu.wait_indirect_dma semaphore(%arg8 : memref<!tpu.dma_semaphore, #tpu.memory_space<semaphore_mem>>) src(%arg6 : memref<128x128xf32, #tpu.memory_space<vmem>>) dst(%dma_wait3A_60 : memref<10008x128xf32, #tpu.memory_space<vmem_shared>>)
      %dma_wait3A_61 = arith.constant 0 : i32
      %dma_wait3A_62 = tpu.memref_slice %arg5[%add3A_49, %dma_wait3A_61] : memref<40x128xi32, #tpu.memory_space<vmem>> -> memref<1x128xi32, #tpu.memory_space<vmem>>
      %dma_wait3A_63 = tpu.memref_squeeze %dma_wait3A_62 : memref<1x128xi32, #tpu.memory_space<vmem>> -> memref<128xi32, #tpu.memory_space<vmem>>
      %dma_wait3A_64 = arith.constant 0 : i32
      %dma_wait3A_65 = arith.constant 0 : i32
      %dma_wait3A_66 = tpu.memref_slice %arg7[%dma_wait3A_64, %dma_wait3A_65] : memref<10008x128xf32, #tpu.memory_space<vmem_shared>> -> memref<10008x128xf32, #tpu.memory_space<vmem_shared>>
      tpu.wait_indirect_dma semaphore(%arg9 : memref<!tpu.dma_semaphore, #tpu.memory_space<semaphore_mem>>) src(%arg6 : memref<128x128xf32, #tpu.memory_space<vmem>>) dst(%dma_wait3A_66 : memref<10008x128xf32, #tpu.memory_space<vmem_shared>>)
    }
    %scan3A_14 = arith.constant 20 : i32
    "tpu.region"() ({
      %run_scoped3A = tpu.sem_alloc : memref<!tpu.dma_semaphore, #tpu.memory_space<semaphore_mem>>
      %dma_start3A = arith.constant 40 : i32
      %dma_start3A_41 = arith.constant 0 : i32
      %dma_start3A_42 = tpu.memref_slice %arg2[%arg1, %dma_start3A, %dma_start3A_41] : memref<16x160x128xi32, #tpu.memory_space<hbm>> -> memref<1x40x128xi32, #tpu.memory_space<hbm>>
      %dma_start3A_43 = tpu.memref_squeeze %dma_start3A_42 : memref<1x40x128xi32, #tpu.memory_space<hbm>> -> memref<40x128xi32, #tpu.memory_space<hbm>>
      %dma_start3A_44 = arith.constant 40 : i32
      %dma_start3A_45 = arith.constant 0 : i32
      %dma_start3A_46 = tpu.memref_slice %arg2[%arg1, %dma_start3A_44, %dma_start3A_45] : memref<16x160x128xi32, #tpu.memory_space<hbm>> -> memref<1x40x128xi32, #tpu.memory_space<hbm>>
      %dma_start3A_47 = tpu.memref_squeeze %dma_start3A_46 : memref<1x40x128xi32, #tpu.memory_space<hbm>> -> memref<40x128xi32, #tpu.memory_space<hbm>>
      tpu.enqueue_dma source(%dma_start3A_47 : memref<40x128xi32, #tpu.memory_space<hbm>>) target(%arg5 : memref<40x128xi32, #tpu.memory_space<vmem>>) target_semaphore(%run_scoped3A : memref<!tpu.dma_semaphore, #tpu.memory_space<semaphore_mem>>)
      %dma_wait3A = arith.constant 40 : i32
      %dma_wait3A_48 = arith.constant 0 : i32
      %dma_wait3A_49 = tpu.memref_slice %arg2[%arg1, %dma_wait3A, %dma_wait3A_48] : memref<16x160x128xi32, #tpu.memory_space<hbm>> -> memref<1x40x128xi32, #tpu.memory_space<hbm>>
      %dma_wait3A_50 = tpu.memref_squeeze %dma_wait3A_49 : memref<1x40x128xi32, #tpu.memory_space<hbm>> -> memref<40x128xi32, #tpu.memory_space<hbm>>
      %dma_wait3A_51 = arith.constant 40 : i32
      %dma_wait3A_52 = arith.constant 0 : i32
      %dma_wait3A_53 = tpu.memref_slice %arg2[%arg1, %dma_wait3A_51, %dma_wait3A_52] : memref<16x160x128xi32, #tpu.memory_space<hbm>> -> memref<1x40x128xi32, #tpu.memory_space<hbm>>
      %dma_wait3A_54 = tpu.memref_squeeze %dma_wait3A_53 : memref<1x40x128xi32, #tpu.memory_space<hbm>> -> memref<40x128xi32, #tpu.memory_space<hbm>>
      tpu.wait_dma2 semaphore(%run_scoped3A : memref<!tpu.dma_semaphore, #tpu.memory_space<semaphore_mem>>) src(%dma_wait3A_54 : memref<40x128xi32, #tpu.memory_space<hbm>>) dst(%arg5 : memref<40x128xi32, #tpu.memory_space<vmem>>)
      tpu.yield
    }) : () -> ()
    %scan3A_15 = arith.constant 0 : i32
    %scan3A_16 = arith.constant 0 : i32
    %scan3A_17 = arith.constant 20 : i32
    %scan3A_18 = arith.addi %scan3A_16, %scan3A_17 : i32
    %scan3A_19 = arith.constant 1 : i32
    scf.for %scan3A_41 = %scan3A_16 to %scan3A_18 step %scan3A_19  : i32 {
      %mul3A_42 = arith.constant 2 : i32
      %mul3A_43 = arith.muli %mul3A_42, %scan3A_41 : i32
      %dma_start3A = arith.constant 0 : i32
      %dma_start3A_44 = tpu.memref_slice %arg5[%mul3A_43, %dma_start3A] : memref<40x128xi32, #tpu.memory_space<vmem>> -> memref<1x128xi32, #tpu.memory_space<vmem>>
      %dma_start3A_45 = tpu.memref_squeeze %dma_start3A_44 : memref<1x128xi32, #tpu.memory_space<vmem>> -> memref<128xi32, #tpu.memory_space<vmem>>
      %dma_start3A_46 = arith.constant 0 : i32
      %dma_start3A_47 = arith.constant 0 : i32
      %dma_start3A_48 = tpu.memref_slice %arg7[%dma_start3A_46, %dma_start3A_47] : memref<10008x128xf32, #tpu.memory_space<vmem_shared>> -> memref<10008x128xf32, #tpu.memory_space<vmem_shared>>
      tpu.enqueue_indirect_dma source(%arg6 : memref<128x128xf32, #tpu.memory_space<vmem>>) target(%dma_start3A_48 : memref<10008x128xf32, #tpu.memory_space<vmem_shared>>) offsets(%dma_start3A_45 : memref<128xi32, #tpu.memory_space<vmem>>) semaphore(%arg8 : memref<!tpu.dma_semaphore, #tpu.memory_space<semaphore_mem>>) {add = true}
      %add3A = arith.constant 1 : i32
      %add3A_49 = arith.addi %mul3A_43, %add3A : i32
      %dma_start3A_50 = arith.constant 0 : i32
      %dma_start3A_51 = tpu.memref_slice %arg5[%add3A_49, %dma_start3A_50] : memref<40x128xi32, #tpu.memory_space<vmem>> -> memref<1x128xi32, #tpu.memory_space<vmem>>
      %dma_start3A_52 = tpu.memref_squeeze %dma_start3A_51 : memref<1x128xi32, #tpu.memory_space<vmem>> -> memref<128xi32, #tpu.memory_space<vmem>>
      %dma_start3A_53 = arith.constant 0 : i32
      %dma_start3A_54 = arith.constant 0 : i32
      %dma_start3A_55 = tpu.memref_slice %arg7[%dma_start3A_53, %dma_start3A_54] : memref<10008x128xf32, #tpu.memory_space<vmem_shared>> -> memref<10008x128xf32, #tpu.memory_space<vmem_shared>>
      tpu.enqueue_indirect_dma source(%arg6 : memref<128x128xf32, #tpu.memory_space<vmem>>) target(%dma_start3A_55 : memref<10008x128xf32, #tpu.memory_space<vmem_shared>>) offsets(%dma_start3A_52 : memref<128xi32, #tpu.memory_space<vmem>>) semaphore(%arg9 : memref<!tpu.dma_semaphore, #tpu.memory_space<semaphore_mem>>) {add = true}
      %dma_wait3A = arith.constant 0 : i32
      %dma_wait3A_56 = tpu.memref_slice %arg5[%mul3A_43, %dma_wait3A] : memref<40x128xi32, #tpu.memory_space<vmem>> -> memref<1x128xi32, #tpu.memory_space<vmem>>
      %dma_wait3A_57 = tpu.memref_squeeze %dma_wait3A_56 : memref<1x128xi32, #tpu.memory_space<vmem>> -> memref<128xi32, #tpu.memory_space<vmem>>
      %dma_wait3A_58 = arith.constant 0 : i32
      %dma_wait3A_59 = arith.constant 0 : i32
      %dma_wait3A_60 = tpu.memref_slice %arg7[%dma_wait3A_58, %dma_wait3A_59] : memref<10008x128xf32, #tpu.memory_space<vmem_shared>> -> memref<10008x128xf32, #tpu.memory_space<vmem_shared>>
      tpu.wait_indirect_dma semaphore(%arg8 : memref<!tpu.dma_semaphore, #tpu.memory_space<semaphore_mem>>) src(%arg6 : memref<128x128xf32, #tpu.memory_space<vmem>>) dst(%dma_wait3A_60 : memref<10008x128xf32, #tpu.memory_space<vmem_shared>>)
      %dma_wait3A_61 = arith.constant 0 : i32
      %dma_wait3A_62 = tpu.memref_slice %arg5[%add3A_49, %dma_wait3A_61] : memref<40x128xi32, #tpu.memory_space<vmem>> -> memref<1x128xi32, #tpu.memory_space<vmem>>
      %dma_wait3A_63 = tpu.memref_squeeze %dma_wait3A_62 : memref<1x128xi32, #tpu.memory_space<vmem>> -> memref<128xi32, #tpu.memory_space<vmem>>
      %dma_wait3A_64 = arith.constant 0 : i32
      %dma_wait3A_65 = arith.constant 0 : i32
      %dma_wait3A_66 = tpu.memref_slice %arg7[%dma_wait3A_64, %dma_wait3A_65] : memref<10008x128xf32, #tpu.memory_space<vmem_shared>> -> memref<10008x128xf32, #tpu.memory_space<vmem_shared>>
      tpu.wait_indirect_dma semaphore(%arg9 : memref<!tpu.dma_semaphore, #tpu.memory_space<semaphore_mem>>) src(%arg6 : memref<128x128xf32, #tpu.memory_space<vmem>>) dst(%dma_wait3A_66 : memref<10008x128xf32, #tpu.memory_space<vmem_shared>>)
    }
    %scan3A_20 = arith.constant 20 : i32
    "tpu.region"() ({
      %run_scoped3A = tpu.sem_alloc : memref<!tpu.dma_semaphore, #tpu.memory_space<semaphore_mem>>
      %dma_start3A = arith.constant 80 : i32
      %dma_start3A_41 = arith.constant 0 : i32
      %dma_start3A_42 = tpu.memref_slice %arg2[%arg1, %dma_start3A, %dma_start3A_41] : memref<16x160x128xi32, #tpu.memory_space<hbm>> -> memref<1x40x128xi32, #tpu.memory_space<hbm>>
      %dma_start3A_43 = tpu.memref_squeeze %dma_start3A_42 : memref<1x40x128xi32, #tpu.memory_space<hbm>> -> memref<40x128xi32, #tpu.memory_space<hbm>>
      %dma_start3A_44 = arith.constant 80 : i32
      %dma_start3A_45 = arith.constant 0 : i32
      %dma_start3A_46 = tpu.memref_slice %arg2[%arg1, %dma_start3A_44, %dma_start3A_45] : memref<16x160x128xi32, #tpu.memory_space<hbm>> -> memref<1x40x128xi32, #tpu.memory_space<hbm>>
      %dma_start3A_47 = tpu.memref_squeeze %dma_start3A_46 : memref<1x40x128xi32, #tpu.memory_space<hbm>> -> memref<40x128xi32, #tpu.memory_space<hbm>>
      tpu.enqueue_dma source(%dma_start3A_47 : memref<40x128xi32, #tpu.memory_space<hbm>>) target(%arg5 : memref<40x128xi32, #tpu.memory_space<vmem>>) target_semaphore(%run_scoped3A : memref<!tpu.dma_semaphore, #tpu.memory_space<semaphore_mem>>)
      %dma_wait3A = arith.constant 80 : i32
      %dma_wait3A_48 = arith.constant 0 : i32
      %dma_wait3A_49 = tpu.memref_slice %arg2[%arg1, %dma_wait3A, %dma_wait3A_48] : memref<16x160x128xi32, #tpu.memory_space<hbm>> -> memref<1x40x128xi32, #tpu.memory_space<hbm>>
      %dma_wait3A_50 = tpu.memref_squeeze %dma_wait3A_49 : memref<1x40x128xi32, #tpu.memory_space<hbm>> -> memref<40x128xi32, #tpu.memory_space<hbm>>
      %dma_wait3A_51 = arith.constant 80 : i32
      %dma_wait3A_52 = arith.constant 0 : i32
      %dma_wait3A_53 = tpu.memref_slice %arg2[%arg1, %dma_wait3A_51, %dma_wait3A_52] : memref<16x160x128xi32, #tpu.memory_space<hbm>> -> memref<1x40x128xi32, #tpu.memory_space<hbm>>
      %dma_wait3A_54 = tpu.memref_squeeze %dma_wait3A_53 : memref<1x40x128xi32, #tpu.memory_space<hbm>> -> memref<40x128xi32, #tpu.memory_space<hbm>>
      tpu.wait_dma2 semaphore(%run_scoped3A : memref<!tpu.dma_semaphore, #tpu.memory_space<semaphore_mem>>) src(%dma_wait3A_54 : memref<40x128xi32, #tpu.memory_space<hbm>>) dst(%arg5 : memref<40x128xi32, #tpu.memory_space<vmem>>)
      tpu.yield
    }) : () -> ()
    %scan3A_21 = arith.constant 0 : i32
    %scan3A_22 = arith.constant 0 : i32
    %scan3A_23 = arith.constant 20 : i32
    %scan3A_24 = arith.addi %scan3A_22, %scan3A_23 : i32
    %scan3A_25 = arith.constant 1 : i32
    scf.for %scan3A_41 = %scan3A_22 to %scan3A_24 step %scan3A_25  : i32 {
      %mul3A_42 = arith.constant 2 : i32
      %mul3A_43 = arith.muli %mul3A_42, %scan3A_41 : i32
      %dma_start3A = arith.constant 0 : i32
      %dma_start3A_44 = tpu.memref_slice %arg5[%mul3A_43, %dma_start3A] : memref<40x128xi32, #tpu.memory_space<vmem>> -> memref<1x128xi32, #tpu.memory_space<vmem>>
      %dma_start3A_45 = tpu.memref_squeeze %dma_start3A_44 : memref<1x128xi32, #tpu.memory_space<vmem>> -> memref<128xi32, #tpu.memory_space<vmem>>
      %dma_start3A_46 = arith.constant 0 : i32
      %dma_start3A_47 = arith.constant 0 : i32
      %dma_start3A_48 = tpu.memref_slice %arg7[%dma_start3A_46, %dma_start3A_47] : memref<10008x128xf32, #tpu.memory_space<vmem_shared>> -> memref<10008x128xf32, #tpu.memory_space<vmem_shared>>
      tpu.enqueue_indirect_dma source(%arg6 : memref<128x128xf32, #tpu.memory_space<vmem>>) target(%dma_start3A_48 : memref<10008x128xf32, #tpu.memory_space<vmem_shared>>) offsets(%dma_start3A_45 : memref<128xi32, #tpu.memory_space<vmem>>) semaphore(%arg8 : memref<!tpu.dma_semaphore, #tpu.memory_space<semaphore_mem>>) {add = true}
      %add3A = arith.constant 1 : i32
      %add3A_49 = arith.addi %mul3A_43, %add3A : i32
      %dma_start3A_50 = arith.constant 0 : i32
      %dma_start3A_51 = tpu.memref_slice %arg5[%add3A_49, %dma_start3A_50] : memref<40x128xi32, #tpu.memory_space<vmem>> -> memref<1x128xi32, #tpu.memory_space<vmem>>
      %dma_start3A_52 = tpu.memref_squeeze %dma_start3A_51 : memref<1x128xi32, #tpu.memory_space<vmem>> -> memref<128xi32, #tpu.memory_space<vmem>>
      %dma_start3A_53 = arith.constant 0 : i32
      %dma_start3A_54 = arith.constant 0 : i32
      %dma_start3A_55 = tpu.memref_slice %arg7[%dma_start3A_53, %dma_start3A_54] : memref<10008x128xf32, #tpu.memory_space<vmem_shared>> -> memref<10008x128xf32, #tpu.memory_space<vmem_shared>>
      tpu.enqueue_indirect_dma source(%arg6 : memref<128x128xf32, #tpu.memory_space<vmem>>) target(%dma_start3A_55 : memref<10008x128xf32, #tpu.memory_space<vmem_shared>>) offsets(%dma_start3A_52 : memref<128xi32, #tpu.memory_space<vmem>>) semaphore(%arg9 : memref<!tpu.dma_semaphore, #tpu.memory_space<semaphore_mem>>) {add = true}
      %dma_wait3A = arith.constant 0 : i32
      %dma_wait3A_56 = tpu.memref_slice %arg5[%mul3A_43, %dma_wait3A] : memref<40x128xi32, #tpu.memory_space<vmem>> -> memref<1x128xi32, #tpu.memory_space<vmem>>
      %dma_wait3A_57 = tpu.memref_squeeze %dma_wait3A_56 : memref<1x128xi32, #tpu.memory_space<vmem>> -> memref<128xi32, #tpu.memory_space<vmem>>
      %dma_wait3A_58 = arith.constant 0 : i32
      %dma_wait3A_59 = arith.constant 0 : i32
      %dma_wait3A_60 = tpu.memref_slice %arg7[%dma_wait3A_58, %dma_wait3A_59] : memref<10008x128xf32, #tpu.memory_space<vmem_shared>> -> memref<10008x128xf32, #tpu.memory_space<vmem_shared>>
      tpu.wait_indirect_dma semaphore(%arg8 : memref<!tpu.dma_semaphore, #tpu.memory_space<semaphore_mem>>) src(%arg6 : memref<128x128xf32, #tpu.memory_space<vmem>>) dst(%dma_wait3A_60 : memref<10008x128xf32, #tpu.memory_space<vmem_shared>>)
      %dma_wait3A_61 = arith.constant 0 : i32
      %dma_wait3A_62 = tpu.memref_slice %arg5[%add3A_49, %dma_wait3A_61] : memref<40x128xi32, #tpu.memory_space<vmem>> -> memref<1x128xi32, #tpu.memory_space<vmem>>
      %dma_wait3A_63 = tpu.memref_squeeze %dma_wait3A_62 : memref<1x128xi32, #tpu.memory_space<vmem>> -> memref<128xi32, #tpu.memory_space<vmem>>
      %dma_wait3A_64 = arith.constant 0 : i32
      %dma_wait3A_65 = arith.constant 0 : i32
      %dma_wait3A_66 = tpu.memref_slice %arg7[%dma_wait3A_64, %dma_wait3A_65] : memref<10008x128xf32, #tpu.memory_space<vmem_shared>> -> memref<10008x128xf32, #tpu.memory_space<vmem_shared>>
      tpu.wait_indirect_dma semaphore(%arg9 : memref<!tpu.dma_semaphore, #tpu.memory_space<semaphore_mem>>) src(%arg6 : memref<128x128xf32, #tpu.memory_space<vmem>>) dst(%dma_wait3A_66 : memref<10008x128xf32, #tpu.memory_space<vmem_shared>>)
    }
    %scan3A_26 = arith.constant 20 : i32
    "tpu.region"() ({
      %run_scoped3A = tpu.sem_alloc : memref<!tpu.dma_semaphore, #tpu.memory_space<semaphore_mem>>
      %dma_start3A = arith.constant 120 : i32
      %dma_start3A_41 = arith.constant 0 : i32
      %dma_start3A_42 = tpu.memref_slice %arg2[%arg1, %dma_start3A, %dma_start3A_41] : memref<16x160x128xi32, #tpu.memory_space<hbm>> -> memref<1x40x128xi32, #tpu.memory_space<hbm>>
      %dma_start3A_43 = tpu.memref_squeeze %dma_start3A_42 : memref<1x40x128xi32, #tpu.memory_space<hbm>> -> memref<40x128xi32, #tpu.memory_space<hbm>>
      %dma_start3A_44 = arith.constant 120 : i32
      %dma_start3A_45 = arith.constant 0 : i32
      %dma_start3A_46 = tpu.memref_slice %arg2[%arg1, %dma_start3A_44, %dma_start3A_45] : memref<16x160x128xi32, #tpu.memory_space<hbm>> -> memref<1x40x128xi32, #tpu.memory_space<hbm>>
      %dma_start3A_47 = tpu.memref_squeeze %dma_start3A_46 : memref<1x40x128xi32, #tpu.memory_space<hbm>> -> memref<40x128xi32, #tpu.memory_space<hbm>>
      tpu.enqueue_dma source(%dma_start3A_47 : memref<40x128xi32, #tpu.memory_space<hbm>>) target(%arg5 : memref<40x128xi32, #tpu.memory_space<vmem>>) target_semaphore(%run_scoped3A : memref<!tpu.dma_semaphore, #tpu.memory_space<semaphore_mem>>)
      %dma_wait3A = arith.constant 120 : i32
      %dma_wait3A_48 = arith.constant 0 : i32
      %dma_wait3A_49 = tpu.memref_slice %arg2[%arg1, %dma_wait3A, %dma_wait3A_48] : memref<16x160x128xi32, #tpu.memory_space<hbm>> -> memref<1x40x128xi32, #tpu.memory_space<hbm>>
      %dma_wait3A_50 = tpu.memref_squeeze %dma_wait3A_49 : memref<1x40x128xi32, #tpu.memory_space<hbm>> -> memref<40x128xi32, #tpu.memory_space<hbm>>
      %dma_wait3A_51 = arith.constant 120 : i32
      %dma_wait3A_52 = arith.constant 0 : i32
      %dma_wait3A_53 = tpu.memref_slice %arg2[%arg1, %dma_wait3A_51, %dma_wait3A_52] : memref<16x160x128xi32, #tpu.memory_space<hbm>> -> memref<1x40x128xi32, #tpu.memory_space<hbm>>
      %dma_wait3A_54 = tpu.memref_squeeze %dma_wait3A_53 : memref<1x40x128xi32, #tpu.memory_space<hbm>> -> memref<40x128xi32, #tpu.memory_space<hbm>>
      tpu.wait_dma2 semaphore(%run_scoped3A : memref<!tpu.dma_semaphore, #tpu.memory_space<semaphore_mem>>) src(%dma_wait3A_54 : memref<40x128xi32, #tpu.memory_space<hbm>>) dst(%arg5 : memref<40x128xi32, #tpu.memory_space<vmem>>)
      tpu.yield
    }) : () -> ()
    %scan3A_27 = arith.constant 0 : i32
    %scan3A_28 = arith.constant 0 : i32
    %scan3A_29 = arith.constant 20 : i32
    %scan3A_30 = arith.addi %scan3A_28, %scan3A_29 : i32
    %scan3A_31 = arith.constant 1 : i32
    scf.for %scan3A_41 = %scan3A_28 to %scan3A_30 step %scan3A_31  : i32 {
      %mul3A_42 = arith.constant 2 : i32
      %mul3A_43 = arith.muli %mul3A_42, %scan3A_41 : i32
      %dma_start3A = arith.constant 0 : i32
      %dma_start3A_44 = tpu.memref_slice %arg5[%mul3A_43, %dma_start3A] : memref<40x128xi32, #tpu.memory_space<vmem>> -> memref<1x128xi32, #tpu.memory_space<vmem>>
      %dma_start3A_45 = tpu.memref_squeeze %dma_start3A_44 : memref<1x128xi32, #tpu.memory_space<vmem>> -> memref<128xi32, #tpu.memory_space<vmem>>
      %dma_start3A_46 = arith.constant 0 : i32
      %dma_start3A_47 = arith.constant 0 : i32
      %dma_start3A_48 = tpu.memref_slice %arg7[%dma_start3A_46, %dma_start3A_47] : memref<10008x128xf32, #tpu.memory_space<vmem_shared>> -> memref<10008x128xf32, #tpu.memory_space<vmem_shared>>
      tpu.enqueue_indirect_dma source(%arg6 : memref<128x128xf32, #tpu.memory_space<vmem>>) target(%dma_start3A_48 : memref<10008x128xf32, #tpu.memory_space<vmem_shared>>) offsets(%dma_start3A_45 : memref<128xi32, #tpu.memory_space<vmem>>) semaphore(%arg8 : memref<!tpu.dma_semaphore, #tpu.memory_space<semaphore_mem>>) {add = true}
      %add3A = arith.constant 1 : i32
      %add3A_49 = arith.addi %mul3A_43, %add3A : i32
      %dma_start3A_50 = arith.constant 0 : i32
      %dma_start3A_51 = tpu.memref_slice %arg5[%add3A_49, %dma_start3A_50] : memref<40x128xi32, #tpu.memory_space<vmem>> -> memref<1x128xi32, #tpu.memory_space<vmem>>
      %dma_start3A_52 = tpu.memref_squeeze %dma_start3A_51 : memref<1x128xi32, #tpu.memory_space<vmem>> -> memref<128xi32, #tpu.memory_space<vmem>>
      %dma_start3A_53 = arith.constant 0 : i32
      %dma_start3A_54 = arith.constant 0 : i32
      %dma_start3A_55 = tpu.memref_slice %arg7[%dma_start3A_53, %dma_start3A_54] : memref<10008x128xf32, #tpu.memory_space<vmem_shared>> -> memref<10008x128xf32, #tpu.memory_space<vmem_shared>>
      tpu.enqueue_indirect_dma source(%arg6 : memref<128x128xf32, #tpu.memory_space<vmem>>) target(%dma_start3A_55 : memref<10008x128xf32, #tpu.memory_space<vmem_shared>>) offsets(%dma_start3A_52 : memref<128xi32, #tpu.memory_space<vmem>>) semaphore(%arg9 : memref<!tpu.dma_semaphore, #tpu.memory_space<semaphore_mem>>) {add = true}
      %dma_wait3A = arith.constant 0 : i32
      %dma_wait3A_56 = tpu.memref_slice %arg5[%mul3A_43, %dma_wait3A] : memref<40x128xi32, #tpu.memory_space<vmem>> -> memref<1x128xi32, #tpu.memory_space<vmem>>
      %dma_wait3A_57 = tpu.memref_squeeze %dma_wait3A_56 : memref<1x128xi32, #tpu.memory_space<vmem>> -> memref<128xi32, #tpu.memory_space<vmem>>
      %dma_wait3A_58 = arith.constant 0 : i32
      %dma_wait3A_59 = arith.constant 0 : i32
      %dma_wait3A_60 = tpu.memref_slice %arg7[%dma_wait3A_58, %dma_wait3A_59] : memref<10008x128xf32, #tpu.memory_space<vmem_shared>> -> memref<10008x128xf32, #tpu.memory_space<vmem_shared>>
      tpu.wait_indirect_dma semaphore(%arg8 : memref<!tpu.dma_semaphore, #tpu.memory_space<semaphore_mem>>) src(%arg6 : memref<128x128xf32, #tpu.memory_space<vmem>>) dst(%dma_wait3A_60 : memref<10008x128xf32, #tpu.memory_space<vmem_shared>>)
      %dma_wait3A_61 = arith.constant 0 : i32
      %dma_wait3A_62 = tpu.memref_slice %arg5[%add3A_49, %dma_wait3A_61] : memref<40x128xi32, #tpu.memory_space<vmem>> -> memref<1x128xi32, #tpu.memory_space<vmem>>
      %dma_wait3A_63 = tpu.memref_squeeze %dma_wait3A_62 : memref<1x128xi32, #tpu.memory_space<vmem>> -> memref<128xi32, #tpu.memory_space<vmem>>
      %dma_wait3A_64 = arith.constant 0 : i32
      %dma_wait3A_65 = arith.constant 0 : i32
      %dma_wait3A_66 = tpu.memref_slice %arg7[%dma_wait3A_64, %dma_wait3A_65] : memref<10008x128xf32, #tpu.memory_space<vmem_shared>> -> memref<10008x128xf32, #tpu.memory_space<vmem_shared>>
      tpu.wait_indirect_dma semaphore(%arg9 : memref<!tpu.dma_semaphore, #tpu.memory_space<semaphore_mem>>) src(%arg6 : memref<128x128xf32, #tpu.memory_space<vmem>>) dst(%dma_wait3A_66 : memref<10008x128xf32, #tpu.memory_space<vmem_shared>>)
    }
    %scan3A_32 = arith.constant 20 : i32
    %barrier3A_33 = arith.constant 0 : index
    tpu.barrier barrier_id(%barrier3A_33)
    %mul3A_34 = arith.constant 624 : i32
    %mul3A_35 = arith.muli %arg1, %mul3A_34 : i32
    "tpu.region"() ({
      %run_scoped3A = tpu.sem_alloc : memref<!tpu.dma_semaphore, #tpu.memory_space<semaphore_mem>>
      %dma_start3A = arith.constant 0 : i32
      %dma_start3A_41 = tpu.memref_slice %arg4[%mul3A_35, %dma_start3A] : memref<10000x128xf32, #tpu.memory_space<hbm>> -> memref<624x128xf32, #tpu.memory_space<hbm>>
      %dma_start3A_42 = arith.constant 0 : i32
      %dma_start3A_43 = tpu.memref_slice %arg7[%mul3A_35, %dma_start3A_42] : memref<10008x128xf32, #tpu.memory_space<vmem_shared>> -> memref<624x128xf32, #tpu.memory_space<vmem_shared>>
      tpu.enqueue_dma source(%dma_start3A_43 : memref<624x128xf32, #tpu.memory_space<vmem_shared>>) target(%dma_start3A_41 : memref<624x128xf32, #tpu.memory_space<hbm>>) target_semaphore(%run_scoped3A : memref<!tpu.dma_semaphore, #tpu.memory_space<semaphore_mem>>)
      %dma_wait3A = arith.constant 0 : i32
      %dma_wait3A_44 = tpu.memref_slice %arg4[%mul3A_35, %dma_wait3A] : memref<10000x128xf32, #tpu.memory_space<hbm>> -> memref<624x128xf32, #tpu.memory_space<hbm>>
      %dma_wait3A_45 = arith.constant 0 : i32
      %dma_wait3A_46 = tpu.memref_slice %arg7[%mul3A_35, %dma_wait3A_45] : memref<10008x128xf32, #tpu.memory_space<vmem_shared>> -> memref<624x128xf32, #tpu.memory_space<vmem_shared>>
      tpu.wait_dma2 semaphore(%run_scoped3A : memref<!tpu.dma_semaphore, #tpu.memory_space<semaphore_mem>>) src(%dma_wait3A_46 : memref<624x128xf32, #tpu.memory_space<vmem_shared>>) dst(%dma_wait3A_44 : memref<624x128xf32, #tpu.memory_space<hbm>>)
      tpu.yield
    }) : () -> ()
    %eq3A_36 = arith.constant 15 : i32
    %eq3A_37 = arith.cmpi eq, %arg1, %eq3A_36 : i32
    %convert_element_type3A_38 = arith.extui %eq3A_37 : i1 to i32
    %cond3A_39 = arith.constant 0 : i32
    %cond3A_40 = arith.cmpi ne, %convert_element_type3A_38, %cond3A_39 : i32
    scf.if %cond3A_40 {
      "tpu.region"() ({
        %run_scoped3A = tpu.sem_alloc : memref<!tpu.dma_semaphore, #tpu.memory_space<semaphore_mem>>
        %dma_start3A = arith.constant 9984 : i32
        %dma_start3A_41 = arith.constant 0 : i32
        %dma_start3A_42 = tpu.memref_slice %arg4[%dma_start3A, %dma_start3A_41] : memref<10000x128xf32, #tpu.memory_space<hbm>> -> memref<16x128xf32, #tpu.memory_space<hbm>>
        %dma_start3A_43 = arith.constant 9984 : i32
        %dma_start3A_44 = arith.constant 0 : i32
        %dma_start3A_45 = tpu.memref_slice %arg7[%dma_start3A_43, %dma_start3A_44] : memref<10008x128xf32, #tpu.memory_space<vmem_shared>> -> memref<16x128xf32, #tpu.memory_space<vmem_shared>>
        tpu.enqueue_dma source(%dma_start3A_45 : memref<16x128xf32, #tpu.memory_space<vmem_shared>>) target(%dma_start3A_42 : memref<16x128xf32, #tpu.memory_space<hbm>>) target_semaphore(%run_scoped3A : memref<!tpu.dma_semaphore, #tpu.memory_space<semaphore_mem>>)
        %dma_wait3A = arith.constant 9984 : i32
        %dma_wait3A_46 = arith.constant 0 : i32
        %dma_wait3A_47 = tpu.memref_slice %arg4[%dma_wait3A, %dma_wait3A_46] : memref<10000x128xf32, #tpu.memory_space<hbm>> -> memref<16x128xf32, #tpu.memory_space<hbm>>
        %dma_wait3A_48 = arith.constant 9984 : i32
        %dma_wait3A_49 = arith.constant 0 : i32
        %dma_wait3A_50 = tpu.memref_slice %arg7[%dma_wait3A_48, %dma_wait3A_49] : memref<10008x128xf32, #tpu.memory_space<vmem_shared>> -> memref<16x128xf32, #tpu.memory_space<vmem_shared>>
        tpu.wait_dma2 semaphore(%run_scoped3A : memref<!tpu.dma_semaphore, #tpu.memory_space<semaphore_mem>>) src(%dma_wait3A_50 : memref<16x128xf32, #tpu.memory_space<vmem_shared>>) dst(%dma_wait3A_47 : memref<16x128xf32, #tpu.memory_space<hbm>>)
        tpu.yield
      }) : () -> ()
    } else {
    }
    return
  }
}

#map = affine_map<(d0, d1) -> (0, 0)>
#map1 = affine_map<(d0, d1) -> (0, 0, 0)>
module attributes {stable_mosaic.version = 14 : i64} {
  func.func @body_gather(%arg0: i32, %arg1: i32, %arg2: memref<10000x128xf32, #tpu.memory_space<hbm>>, %arg3: memref<16x160x128xi32, #tpu.memory_space<hbm>>, %arg4: memref<16x160x128xi32, #tpu.memory_space<hbm>>, %arg5: memref<10008x128xf32, #tpu.memory_space<hbm>>, %arg6: memref<10000x128xf32, #tpu.memory_space<hbm>>, %arg7: memref<40x128xi32, #tpu.memory_space<vmem>>, %arg8: memref<40x128xi32, #tpu.memory_space<vmem>>, %arg9: memref<128x128xf32, #tpu.memory_space<vmem>>, %arg10: memref<128x128xf32, #tpu.memory_space<vmem>>, %arg11: memref<10008x128xf32, #tpu.memory_space<vmem_shared>>, %arg12: memref<!tpu.dma_semaphore, #tpu.memory_space<semaphore_mem>>, %arg13: memref<!tpu.dma_semaphore, #tpu.memory_space<semaphore_mem>>) attributes {dimension_semantics = [#tpu.dimension_semantics<core_parallel>, #tpu.dimension_semantics<subcore_parallel>], iteration_bounds = array<i64: 1, 16>, scalar_prefetch = 0 : i64, scratch_operands = 7 : i64, tpu.core_type = #tpu.core_type<sc_vector_subcore>, window_params = [{transform_indices = #map}, {transform_indices = #map1}, {transform_indices = #map1}, {transform_indices = #map}, {transform_indices = #map}]} {
    %mul3A = arith.constant 624 : i32
    %mul3A_0 = arith.muli %arg1, %mul3A : i32
    "tpu.region"() ({
      %run_scoped3A = tpu.sem_alloc : memref<!tpu.dma_semaphore, #tpu.memory_space<semaphore_mem>>
      %dma_start3A = arith.constant 0 : i32
      %dma_start3A_34 = tpu.memref_slice %arg11[%mul3A_0, %dma_start3A] : memref<10008x128xf32, #tpu.memory_space<vmem_shared>> -> memref<624x128xf32, #tpu.memory_space<vmem_shared>>
      %dma_start3A_35 = arith.constant 0 : i32
      %dma_start3A_36 = tpu.memref_slice %arg5[%mul3A_0, %dma_start3A_35] : memref<10008x128xf32, #tpu.memory_space<hbm>> -> memref<624x128xf32, #tpu.memory_space<hbm>>
      tpu.enqueue_dma source(%dma_start3A_36 : memref<624x128xf32, #tpu.memory_space<hbm>>) target(%dma_start3A_34 : memref<624x128xf32, #tpu.memory_space<vmem_shared>>) target_semaphore(%run_scoped3A : memref<!tpu.dma_semaphore, #tpu.memory_space<semaphore_mem>>)
      %dma_wait3A = arith.constant 0 : i32
      %dma_wait3A_37 = tpu.memref_slice %arg11[%mul3A_0, %dma_wait3A] : memref<10008x128xf32, #tpu.memory_space<vmem_shared>> -> memref<624x128xf32, #tpu.memory_space<vmem_shared>>
      %dma_wait3A_38 = arith.constant 0 : i32
      %dma_wait3A_39 = tpu.memref_slice %arg5[%mul3A_0, %dma_wait3A_38] : memref<10008x128xf32, #tpu.memory_space<hbm>> -> memref<624x128xf32, #tpu.memory_space<hbm>>
      tpu.wait_dma2 semaphore(%run_scoped3A : memref<!tpu.dma_semaphore, #tpu.memory_space<semaphore_mem>>) src(%dma_wait3A_39 : memref<624x128xf32, #tpu.memory_space<hbm>>) dst(%dma_wait3A_37 : memref<624x128xf32, #tpu.memory_space<vmem_shared>>)
      tpu.yield
    }) : () -> ()
    %eq3A = arith.constant 15 : i32
    %eq3A_1 = arith.cmpi eq, %arg1, %eq3A : i32
    %convert_element_type3A = arith.extui %eq3A_1 : i1 to i32
    %cond3A = arith.constant 0 : i32
    %cond3A_2 = arith.cmpi ne, %convert_element_type3A, %cond3A : i32
    scf.if %cond3A_2 {
      "tpu.region"() ({
        %run_scoped3A = tpu.sem_alloc : memref<!tpu.dma_semaphore, #tpu.memory_space<semaphore_mem>>
        %dma_start3A = arith.constant 9984 : i32
        %dma_start3A_34 = arith.constant 0 : i32
        %dma_start3A_35 = tpu.memref_slice %arg11[%dma_start3A, %dma_start3A_34] : memref<10008x128xf32, #tpu.memory_space<vmem_shared>> -> memref<24x128xf32, #tpu.memory_space<vmem_shared>>
        %dma_start3A_36 = arith.constant 9984 : i32
        %dma_start3A_37 = arith.constant 0 : i32
        %dma_start3A_38 = tpu.memref_slice %arg5[%dma_start3A_36, %dma_start3A_37] : memref<10008x128xf32, #tpu.memory_space<hbm>> -> memref<24x128xf32, #tpu.memory_space<hbm>>
        tpu.enqueue_dma source(%dma_start3A_38 : memref<24x128xf32, #tpu.memory_space<hbm>>) target(%dma_start3A_35 : memref<24x128xf32, #tpu.memory_space<vmem_shared>>) target_semaphore(%run_scoped3A : memref<!tpu.dma_semaphore, #tpu.memory_space<semaphore_mem>>)
        %dma_wait3A = arith.constant 9984 : i32
        %dma_wait3A_39 = arith.constant 0 : i32
        %dma_wait3A_40 = tpu.memref_slice %arg11[%dma_wait3A, %dma_wait3A_39] : memref<10008x128xf32, #tpu.memory_space<vmem_shared>> -> memref<24x128xf32, #tpu.memory_space<vmem_shared>>
        %dma_wait3A_41 = arith.constant 9984 : i32
        %dma_wait3A_42 = arith.constant 0 : i32
        %dma_wait3A_43 = tpu.memref_slice %arg5[%dma_wait3A_41, %dma_wait3A_42] : memref<10008x128xf32, #tpu.memory_space<hbm>> -> memref<24x128xf32, #tpu.memory_space<hbm>>
        tpu.wait_dma2 semaphore(%run_scoped3A : memref<!tpu.dma_semaphore, #tpu.memory_space<semaphore_mem>>) src(%dma_wait3A_43 : memref<24x128xf32, #tpu.memory_space<hbm>>) dst(%dma_wait3A_40 : memref<24x128xf32, #tpu.memory_space<vmem_shared>>)
        tpu.yield
      }) : () -> ()
    } else {
    }
    %barrier3A = arith.constant 0 : index
    tpu.barrier barrier_id(%barrier3A)
    "tpu.region"() ({
      %run_scoped3A = tpu.sem_alloc : memref<!tpu.dma_semaphore, #tpu.memory_space<semaphore_mem>>
      %dma_start3A = arith.constant 0 : i32
      %dma_start3A_34 = arith.constant 0 : i32
      %dma_start3A_35 = tpu.memref_slice %arg3[%arg1, %dma_start3A, %dma_start3A_34] : memref<16x160x128xi32, #tpu.memory_space<hbm>> -> memref<1x40x128xi32, #tpu.memory_space<hbm>>
      %dma_start3A_36 = tpu.memref_squeeze %dma_start3A_35 : memref<1x40x128xi32, #tpu.memory_space<hbm>> -> memref<40x128xi32, #tpu.memory_space<hbm>>
      %dma_start3A_37 = arith.constant 0 : i32
      %dma_start3A_38 = arith.constant 0 : i32
      %dma_start3A_39 = tpu.memref_slice %arg3[%arg1, %dma_start3A_37, %dma_start3A_38] : memref<16x160x128xi32, #tpu.memory_space<hbm>> -> memref<1x40x128xi32, #tpu.memory_space<hbm>>
      %dma_start3A_40 = tpu.memref_squeeze %dma_start3A_39 : memref<1x40x128xi32, #tpu.memory_space<hbm>> -> memref<40x128xi32, #tpu.memory_space<hbm>>
      tpu.enqueue_dma source(%dma_start3A_40 : memref<40x128xi32, #tpu.memory_space<hbm>>) target(%arg8 : memref<40x128xi32, #tpu.memory_space<vmem>>) target_semaphore(%run_scoped3A : memref<!tpu.dma_semaphore, #tpu.memory_space<semaphore_mem>>)
      %dma_wait3A = arith.constant 0 : i32
      %dma_wait3A_41 = arith.constant 0 : i32
      %dma_wait3A_42 = tpu.memref_slice %arg3[%arg1, %dma_wait3A, %dma_wait3A_41] : memref<16x160x128xi32, #tpu.memory_space<hbm>> -> memref<1x40x128xi32, #tpu.memory_space<hbm>>
      %dma_wait3A_43 = tpu.memref_squeeze %dma_wait3A_42 : memref<1x40x128xi32, #tpu.memory_space<hbm>> -> memref<40x128xi32, #tpu.memory_space<hbm>>
      %dma_wait3A_44 = arith.constant 0 : i32
      %dma_wait3A_45 = arith.constant 0 : i32
      %dma_wait3A_46 = tpu.memref_slice %arg3[%arg1, %dma_wait3A_44, %dma_wait3A_45] : memref<16x160x128xi32, #tpu.memory_space<hbm>> -> memref<1x40x128xi32, #tpu.memory_space<hbm>>
      %dma_wait3A_47 = tpu.memref_squeeze %dma_wait3A_46 : memref<1x40x128xi32, #tpu.memory_space<hbm>> -> memref<40x128xi32, #tpu.memory_space<hbm>>
      tpu.wait_dma2 semaphore(%run_scoped3A : memref<!tpu.dma_semaphore, #tpu.memory_space<semaphore_mem>>) src(%dma_wait3A_47 : memref<40x128xi32, #tpu.memory_space<hbm>>) dst(%arg8 : memref<40x128xi32, #tpu.memory_space<vmem>>)
      tpu.yield
    }) : () -> ()
    "tpu.region"() ({
      %run_scoped3A = tpu.sem_alloc : memref<!tpu.dma_semaphore, #tpu.memory_space<semaphore_mem>>
      %dma_start3A = arith.constant 0 : i32
      %dma_start3A_34 = arith.constant 0 : i32
      %dma_start3A_35 = tpu.memref_slice %arg4[%arg1, %dma_start3A, %dma_start3A_34] : memref<16x160x128xi32, #tpu.memory_space<hbm>> -> memref<1x40x128xi32, #tpu.memory_space<hbm>>
      %dma_start3A_36 = tpu.memref_squeeze %dma_start3A_35 : memref<1x40x128xi32, #tpu.memory_space<hbm>> -> memref<40x128xi32, #tpu.memory_space<hbm>>
      %dma_start3A_37 = arith.constant 0 : i32
      %dma_start3A_38 = arith.constant 0 : i32
      %dma_start3A_39 = tpu.memref_slice %arg4[%arg1, %dma_start3A_37, %dma_start3A_38] : memref<16x160x128xi32, #tpu.memory_space<hbm>> -> memref<1x40x128xi32, #tpu.memory_space<hbm>>
      %dma_start3A_40 = tpu.memref_squeeze %dma_start3A_39 : memref<1x40x128xi32, #tpu.memory_space<hbm>> -> memref<40x128xi32, #tpu.memory_space<hbm>>
      tpu.enqueue_dma source(%dma_start3A_40 : memref<40x128xi32, #tpu.memory_space<hbm>>) target(%arg7 : memref<40x128xi32, #tpu.memory_space<vmem>>) target_semaphore(%run_scoped3A : memref<!tpu.dma_semaphore, #tpu.memory_space<semaphore_mem>>)
      %dma_wait3A = arith.constant 0 : i32
      %dma_wait3A_41 = arith.constant 0 : i32
      %dma_wait3A_42 = tpu.memref_slice %arg4[%arg1, %dma_wait3A, %dma_wait3A_41] : memref<16x160x128xi32, #tpu.memory_space<hbm>> -> memref<1x40x128xi32, #tpu.memory_space<hbm>>
      %dma_wait3A_43 = tpu.memref_squeeze %dma_wait3A_42 : memref<1x40x128xi32, #tpu.memory_space<hbm>> -> memref<40x128xi32, #tpu.memory_space<hbm>>
      %dma_wait3A_44 = arith.constant 0 : i32
      %dma_wait3A_45 = arith.constant 0 : i32
      %dma_wait3A_46 = tpu.memref_slice %arg4[%arg1, %dma_wait3A_44, %dma_wait3A_45] : memref<16x160x128xi32, #tpu.memory_space<hbm>> -> memref<1x40x128xi32, #tpu.memory_space<hbm>>
      %dma_wait3A_47 = tpu.memref_squeeze %dma_wait3A_46 : memref<1x40x128xi32, #tpu.memory_space<hbm>> -> memref<40x128xi32, #tpu.memory_space<hbm>>
      tpu.wait_dma2 semaphore(%run_scoped3A : memref<!tpu.dma_semaphore, #tpu.memory_space<semaphore_mem>>) src(%dma_wait3A_47 : memref<40x128xi32, #tpu.memory_space<hbm>>) dst(%arg7 : memref<40x128xi32, #tpu.memory_space<vmem>>)
      tpu.yield
    }) : () -> ()
    %scan3A = arith.constant 0 : i32
    %scan3A_3 = arith.constant 0 : i32
    %scan3A_4 = arith.constant 20 : i32
    %scan3A_5 = arith.addi %scan3A_3, %scan3A_4 : i32
    %scan3A_6 = arith.constant 1 : i32
    scf.for %scan3A_34 = %scan3A_3 to %scan3A_5 step %scan3A_6  : i32 {
      %mul3A_35 = arith.constant 2 : i32
      %mul3A_36 = arith.muli %mul3A_35, %scan3A_34 : i32
      %add3A = arith.constant 1 : i32
      %add3A_37 = arith.addi %mul3A_36, %add3A : i32
      %dma_start3A = arith.constant 0 : i32
      %dma_start3A_38 = tpu.memref_slice %arg8[%mul3A_36, %dma_start3A] : memref<40x128xi32, #tpu.memory_space<vmem>> -> memref<1x128xi32, #tpu.memory_space<vmem>>
      %dma_start3A_39 = tpu.memref_squeeze %dma_start3A_38 : memref<1x128xi32, #tpu.memory_space<vmem>> -> memref<128xi32, #tpu.memory_space<vmem>>
      %dma_start3A_40 = arith.constant 0 : i32
      %dma_start3A_41 = arith.constant 0 : i32
      %dma_start3A_42 = tpu.memref_slice %arg2[%dma_start3A_40, %dma_start3A_41] : memref<10000x128xf32, #tpu.memory_space<hbm>> -> memref<10000x128xf32, #tpu.memory_space<hbm>>
      tpu.enqueue_indirect_dma source(%dma_start3A_42 : memref<10000x128xf32, #tpu.memory_space<hbm>>) target(%arg9 : memref<128x128xf32, #tpu.memory_space<vmem>>) offsets(%dma_start3A_39 : memref<128xi32, #tpu.memory_space<vmem>>) semaphore(%arg12 : memref<!tpu.dma_semaphore, #tpu.memory_space<semaphore_mem>>)
      %dma_start3A_43 = arith.constant 0 : i32
      %dma_start3A_44 = tpu.memref_slice %arg8[%add3A_37, %dma_start3A_43] : memref<40x128xi32, #tpu.memory_space<vmem>> -> memref<1x128xi32, #tpu.memory_space<vmem>>
      %dma_start3A_45 = tpu.memref_squeeze %dma_start3A_44 : memref<1x128xi32, #tpu.memory_space<vmem>> -> memref<128xi32, #tpu.memory_space<vmem>>
      %dma_start3A_46 = arith.constant 0 : i32
      %dma_start3A_47 = arith.constant 0 : i32
      %dma_start3A_48 = tpu.memref_slice %arg2[%dma_start3A_46, %dma_start3A_47] : memref<10000x128xf32, #tpu.memory_space<hbm>> -> memref<10000x128xf32, #tpu.memory_space<hbm>>
      tpu.enqueue_indirect_dma source(%dma_start3A_48 : memref<10000x128xf32, #tpu.memory_space<hbm>>) target(%arg10 : memref<128x128xf32, #tpu.memory_space<vmem>>) offsets(%dma_start3A_45 : memref<128xi32, #tpu.memory_space<vmem>>) semaphore(%arg13 : memref<!tpu.dma_semaphore, #tpu.memory_space<semaphore_mem>>)
      %dma_wait3A = arith.constant 0 : i32
      %dma_wait3A_49 = tpu.memref_slice %arg8[%mul3A_36, %dma_wait3A] : memref<40x128xi32, #tpu.memory_space<vmem>> -> memref<1x128xi32, #tpu.memory_space<vmem>>
      %dma_wait3A_50 = tpu.memref_squeeze %dma_wait3A_49 : memref<1x128xi32, #tpu.memory_space<vmem>> -> memref<128xi32, #tpu.memory_space<vmem>>
      %dma_wait3A_51 = arith.constant 0 : i32
      %dma_wait3A_52 = arith.constant 0 : i32
      %dma_wait3A_53 = tpu.memref_slice %arg2[%dma_wait3A_51, %dma_wait3A_52] : memref<10000x128xf32, #tpu.memory_space<hbm>> -> memref<10000x128xf32, #tpu.memory_space<hbm>>
      tpu.wait_indirect_dma semaphore(%arg12 : memref<!tpu.dma_semaphore, #tpu.memory_space<semaphore_mem>>) src(%dma_wait3A_53 : memref<10000x128xf32, #tpu.memory_space<hbm>>) dst(%arg9 : memref<128x128xf32, #tpu.memory_space<vmem>>)
      "tpu.region"() ({
        %run_scoped3A = tpu.sem_alloc : memref<!tpu.dma_semaphore, #tpu.memory_space<semaphore_mem>>
        %dma_start3A_60 = arith.constant 0 : i32
        %dma_start3A_61 = tpu.memref_slice %arg7[%mul3A_36, %dma_start3A_60] : memref<40x128xi32, #tpu.memory_space<vmem>> -> memref<1x128xi32, #tpu.memory_space<vmem>>
        %dma_start3A_62 = tpu.memref_squeeze %dma_start3A_61 : memref<1x128xi32, #tpu.memory_space<vmem>> -> memref<128xi32, #tpu.memory_space<vmem>>
        %dma_start3A_63 = arith.constant 0 : i32
        %dma_start3A_64 = arith.constant 0 : i32
        %dma_start3A_65 = tpu.memref_slice %arg11[%dma_start3A_63, %dma_start3A_64] : memref<10008x128xf32, #tpu.memory_space<vmem_shared>> -> memref<10008x128xf32, #tpu.memory_space<vmem_shared>>
        tpu.enqueue_indirect_dma source(%arg9 : memref<128x128xf32, #tpu.memory_space<vmem>>) target(%dma_start3A_65 : memref<10008x128xf32, #tpu.memory_space<vmem_shared>>) offsets(%dma_start3A_62 : memref<128xi32, #tpu.memory_space<vmem>>) semaphore(%run_scoped3A : memref<!tpu.dma_semaphore, #tpu.memory_space<semaphore_mem>>) {add = true}
        %dma_wait3A_66 = arith.constant 0 : i32
        %dma_wait3A_67 = tpu.memref_slice %arg7[%mul3A_36, %dma_wait3A_66] : memref<40x128xi32, #tpu.memory_space<vmem>> -> memref<1x128xi32, #tpu.memory_space<vmem>>
        %dma_wait3A_68 = tpu.memref_squeeze %dma_wait3A_67 : memref<1x128xi32, #tpu.memory_space<vmem>> -> memref<128xi32, #tpu.memory_space<vmem>>
        %dma_wait3A_69 = arith.constant 0 : i32
        %dma_wait3A_70 = arith.constant 0 : i32
        %dma_wait3A_71 = tpu.memref_slice %arg11[%dma_wait3A_69, %dma_wait3A_70] : memref<10008x128xf32, #tpu.memory_space<vmem_shared>> -> memref<10008x128xf32, #tpu.memory_space<vmem_shared>>
        tpu.wait_indirect_dma semaphore(%run_scoped3A : memref<!tpu.dma_semaphore, #tpu.memory_space<semaphore_mem>>) src(%arg9 : memref<128x128xf32, #tpu.memory_space<vmem>>) dst(%dma_wait3A_71 : memref<10008x128xf32, #tpu.memory_space<vmem_shared>>)
        tpu.yield
      }) : () -> ()
      %dma_wait3A_54 = arith.constant 0 : i32
      %dma_wait3A_55 = tpu.memref_slice %arg8[%add3A_37, %dma_wait3A_54] : memref<40x128xi32, #tpu.memory_space<vmem>> -> memref<1x128xi32, #tpu.memory_space<vmem>>
      %dma_wait3A_56 = tpu.memref_squeeze %dma_wait3A_55 : memref<1x128xi32, #tpu.memory_space<vmem>> -> memref<128xi32, #tpu.memory_space<vmem>>
      %dma_wait3A_57 = arith.constant 0 : i32
      %dma_wait3A_58 = arith.constant 0 : i32
      %dma_wait3A_59 = tpu.memref_slice %arg2[%dma_wait3A_57, %dma_wait3A_58] : memref<10000x128xf32, #tpu.memory_space<hbm>> -> memref<10000x128xf32, #tpu.memory_space<hbm>>
      tpu.wait_indirect_dma semaphore(%arg13 : memref<!tpu.dma_semaphore, #tpu.memory_space<semaphore_mem>>) src(%dma_wait3A_59 : memref<10000x128xf32, #tpu.memory_space<hbm>>) dst(%arg10 : memref<128x128xf32, #tpu.memory_space<vmem>>)
      "tpu.region"() ({
        %run_scoped3A = tpu.sem_alloc : memref<!tpu.dma_semaphore, #tpu.memory_space<semaphore_mem>>
        %dma_start3A_60 = arith.constant 0 : i32
        %dma_start3A_61 = tpu.memref_slice %arg7[%add3A_37, %dma_start3A_60] : memref<40x128xi32, #tpu.memory_space<vmem>> -> memref<1x128xi32, #tpu.memory_space<vmem>>
        %dma_start3A_62 = tpu.memref_squeeze %dma_start3A_61 : memref<1x128xi32, #tpu.memory_space<vmem>> -> memref<128xi32, #tpu.memory_space<vmem>>
        %dma_start3A_63 = arith.constant 0 : i32
        %dma_start3A_64 = arith.constant 0 : i32
        %dma_start3A_65 = tpu.memref_slice %arg11[%dma_start3A_63, %dma_start3A_64] : memref<10008x128xf32, #tpu.memory_space<vmem_shared>> -> memref<10008x128xf32, #tpu.memory_space<vmem_shared>>
        tpu.enqueue_indirect_dma source(%arg10 : memref<128x128xf32, #tpu.memory_space<vmem>>) target(%dma_start3A_65 : memref<10008x128xf32, #tpu.memory_space<vmem_shared>>) offsets(%dma_start3A_62 : memref<128xi32, #tpu.memory_space<vmem>>) semaphore(%run_scoped3A : memref<!tpu.dma_semaphore, #tpu.memory_space<semaphore_mem>>) {add = true}
        %dma_wait3A_66 = arith.constant 0 : i32
        %dma_wait3A_67 = tpu.memref_slice %arg7[%add3A_37, %dma_wait3A_66] : memref<40x128xi32, #tpu.memory_space<vmem>> -> memref<1x128xi32, #tpu.memory_space<vmem>>
        %dma_wait3A_68 = tpu.memref_squeeze %dma_wait3A_67 : memref<1x128xi32, #tpu.memory_space<vmem>> -> memref<128xi32, #tpu.memory_space<vmem>>
        %dma_wait3A_69 = arith.constant 0 : i32
        %dma_wait3A_70 = arith.constant 0 : i32
        %dma_wait3A_71 = tpu.memref_slice %arg11[%dma_wait3A_69, %dma_wait3A_70] : memref<10008x128xf32, #tpu.memory_space<vmem_shared>> -> memref<10008x128xf32, #tpu.memory_space<vmem_shared>>
        tpu.wait_indirect_dma semaphore(%run_scoped3A : memref<!tpu.dma_semaphore, #tpu.memory_space<semaphore_mem>>) src(%arg10 : memref<128x128xf32, #tpu.memory_space<vmem>>) dst(%dma_wait3A_71 : memref<10008x128xf32, #tpu.memory_space<vmem_shared>>)
        tpu.yield
      }) : () -> ()
    }
    %scan3A_7 = arith.constant 20 : i32
    "tpu.region"() ({
      %run_scoped3A = tpu.sem_alloc : memref<!tpu.dma_semaphore, #tpu.memory_space<semaphore_mem>>
      %dma_start3A = arith.constant 40 : i32
      %dma_start3A_34 = arith.constant 0 : i32
      %dma_start3A_35 = tpu.memref_slice %arg3[%arg1, %dma_start3A, %dma_start3A_34] : memref<16x160x128xi32, #tpu.memory_space<hbm>> -> memref<1x40x128xi32, #tpu.memory_space<hbm>>
      %dma_start3A_36 = tpu.memref_squeeze %dma_start3A_35 : memref<1x40x128xi32, #tpu.memory_space<hbm>> -> memref<40x128xi32, #tpu.memory_space<hbm>>
      %dma_start3A_37 = arith.constant 40 : i32
      %dma_start3A_38 = arith.constant 0 : i32
      %dma_start3A_39 = tpu.memref_slice %arg3[%arg1, %dma_start3A_37, %dma_start3A_38] : memref<16x160x128xi32, #tpu.memory_space<hbm>> -> memref<1x40x128xi32, #tpu.memory_space<hbm>>
      %dma_start3A_40 = tpu.memref_squeeze %dma_start3A_39 : memref<1x40x128xi32, #tpu.memory_space<hbm>> -> memref<40x128xi32, #tpu.memory_space<hbm>>
      tpu.enqueue_dma source(%dma_start3A_40 : memref<40x128xi32, #tpu.memory_space<hbm>>) target(%arg8 : memref<40x128xi32, #tpu.memory_space<vmem>>) target_semaphore(%run_scoped3A : memref<!tpu.dma_semaphore, #tpu.memory_space<semaphore_mem>>)
      %dma_wait3A = arith.constant 40 : i32
      %dma_wait3A_41 = arith.constant 0 : i32
      %dma_wait3A_42 = tpu.memref_slice %arg3[%arg1, %dma_wait3A, %dma_wait3A_41] : memref<16x160x128xi32, #tpu.memory_space<hbm>> -> memref<1x40x128xi32, #tpu.memory_space<hbm>>
      %dma_wait3A_43 = tpu.memref_squeeze %dma_wait3A_42 : memref<1x40x128xi32, #tpu.memory_space<hbm>> -> memref<40x128xi32, #tpu.memory_space<hbm>>
      %dma_wait3A_44 = arith.constant 40 : i32
      %dma_wait3A_45 = arith.constant 0 : i32
      %dma_wait3A_46 = tpu.memref_slice %arg3[%arg1, %dma_wait3A_44, %dma_wait3A_45] : memref<16x160x128xi32, #tpu.memory_space<hbm>> -> memref<1x40x128xi32, #tpu.memory_space<hbm>>
      %dma_wait3A_47 = tpu.memref_squeeze %dma_wait3A_46 : memref<1x40x128xi32, #tpu.memory_space<hbm>> -> memref<40x128xi32, #tpu.memory_space<hbm>>
      tpu.wait_dma2 semaphore(%run_scoped3A : memref<!tpu.dma_semaphore, #tpu.memory_space<semaphore_mem>>) src(%dma_wait3A_47 : memref<40x128xi32, #tpu.memory_space<hbm>>) dst(%arg8 : memref<40x128xi32, #tpu.memory_space<vmem>>)
      tpu.yield
    }) : () -> ()
    "tpu.region"() ({
      %run_scoped3A = tpu.sem_alloc : memref<!tpu.dma_semaphore, #tpu.memory_space<semaphore_mem>>
      %dma_start3A = arith.constant 40 : i32
      %dma_start3A_34 = arith.constant 0 : i32
      %dma_start3A_35 = tpu.memref_slice %arg4[%arg1, %dma_start3A, %dma_start3A_34] : memref<16x160x128xi32, #tpu.memory_space<hbm>> -> memref<1x40x128xi32, #tpu.memory_space<hbm>>
      %dma_start3A_36 = tpu.memref_squeeze %dma_start3A_35 : memref<1x40x128xi32, #tpu.memory_space<hbm>> -> memref<40x128xi32, #tpu.memory_space<hbm>>
      %dma_start3A_37 = arith.constant 40 : i32
      %dma_start3A_38 = arith.constant 0 : i32
      %dma_start3A_39 = tpu.memref_slice %arg4[%arg1, %dma_start3A_37, %dma_start3A_38] : memref<16x160x128xi32, #tpu.memory_space<hbm>> -> memref<1x40x128xi32, #tpu.memory_space<hbm>>
      %dma_start3A_40 = tpu.memref_squeeze %dma_start3A_39 : memref<1x40x128xi32, #tpu.memory_space<hbm>> -> memref<40x128xi32, #tpu.memory_space<hbm>>
      tpu.enqueue_dma source(%dma_start3A_40 : memref<40x128xi32, #tpu.memory_space<hbm>>) target(%arg7 : memref<40x128xi32, #tpu.memory_space<vmem>>) target_semaphore(%run_scoped3A : memref<!tpu.dma_semaphore, #tpu.memory_space<semaphore_mem>>)
      %dma_wait3A = arith.constant 40 : i32
      %dma_wait3A_41 = arith.constant 0 : i32
      %dma_wait3A_42 = tpu.memref_slice %arg4[%arg1, %dma_wait3A, %dma_wait3A_41] : memref<16x160x128xi32, #tpu.memory_space<hbm>> -> memref<1x40x128xi32, #tpu.memory_space<hbm>>
      %dma_wait3A_43 = tpu.memref_squeeze %dma_wait3A_42 : memref<1x40x128xi32, #tpu.memory_space<hbm>> -> memref<40x128xi32, #tpu.memory_space<hbm>>
      %dma_wait3A_44 = arith.constant 40 : i32
      %dma_wait3A_45 = arith.constant 0 : i32
      %dma_wait3A_46 = tpu.memref_slice %arg4[%arg1, %dma_wait3A_44, %dma_wait3A_45] : memref<16x160x128xi32, #tpu.memory_space<hbm>> -> memref<1x40x128xi32, #tpu.memory_space<hbm>>
      %dma_wait3A_47 = tpu.memref_squeeze %dma_wait3A_46 : memref<1x40x128xi32, #tpu.memory_space<hbm>> -> memref<40x128xi32, #tpu.memory_space<hbm>>
      tpu.wait_dma2 semaphore(%run_scoped3A : memref<!tpu.dma_semaphore, #tpu.memory_space<semaphore_mem>>) src(%dma_wait3A_47 : memref<40x128xi32, #tpu.memory_space<hbm>>) dst(%arg7 : memref<40x128xi32, #tpu.memory_space<vmem>>)
      tpu.yield
    }) : () -> ()
    %scan3A_8 = arith.constant 0 : i32
    %scan3A_9 = arith.constant 0 : i32
    %scan3A_10 = arith.constant 20 : i32
    %scan3A_11 = arith.addi %scan3A_9, %scan3A_10 : i32
    %scan3A_12 = arith.constant 1 : i32
    scf.for %scan3A_34 = %scan3A_9 to %scan3A_11 step %scan3A_12  : i32 {
      %mul3A_35 = arith.constant 2 : i32
      %mul3A_36 = arith.muli %mul3A_35, %scan3A_34 : i32
      %add3A = arith.constant 1 : i32
      %add3A_37 = arith.addi %mul3A_36, %add3A : i32
      %dma_start3A = arith.constant 0 : i32
      %dma_start3A_38 = tpu.memref_slice %arg8[%mul3A_36, %dma_start3A] : memref<40x128xi32, #tpu.memory_space<vmem>> -> memref<1x128xi32, #tpu.memory_space<vmem>>
      %dma_start3A_39 = tpu.memref_squeeze %dma_start3A_38 : memref<1x128xi32, #tpu.memory_space<vmem>> -> memref<128xi32, #tpu.memory_space<vmem>>
      %dma_start3A_40 = arith.constant 0 : i32
      %dma_start3A_41 = arith.constant 0 : i32
      %dma_start3A_42 = tpu.memref_slice %arg2[%dma_start3A_40, %dma_start3A_41] : memref<10000x128xf32, #tpu.memory_space<hbm>> -> memref<10000x128xf32, #tpu.memory_space<hbm>>
      tpu.enqueue_indirect_dma source(%dma_start3A_42 : memref<10000x128xf32, #tpu.memory_space<hbm>>) target(%arg9 : memref<128x128xf32, #tpu.memory_space<vmem>>) offsets(%dma_start3A_39 : memref<128xi32, #tpu.memory_space<vmem>>) semaphore(%arg12 : memref<!tpu.dma_semaphore, #tpu.memory_space<semaphore_mem>>)
      %dma_start3A_43 = arith.constant 0 : i32
      %dma_start3A_44 = tpu.memref_slice %arg8[%add3A_37, %dma_start3A_43] : memref<40x128xi32, #tpu.memory_space<vmem>> -> memref<1x128xi32, #tpu.memory_space<vmem>>
      %dma_start3A_45 = tpu.memref_squeeze %dma_start3A_44 : memref<1x128xi32, #tpu.memory_space<vmem>> -> memref<128xi32, #tpu.memory_space<vmem>>
      %dma_start3A_46 = arith.constant 0 : i32
      %dma_start3A_47 = arith.constant 0 : i32
      %dma_start3A_48 = tpu.memref_slice %arg2[%dma_start3A_46, %dma_start3A_47] : memref<10000x128xf32, #tpu.memory_space<hbm>> -> memref<10000x128xf32, #tpu.memory_space<hbm>>
      tpu.enqueue_indirect_dma source(%dma_start3A_48 : memref<10000x128xf32, #tpu.memory_space<hbm>>) target(%arg10 : memref<128x128xf32, #tpu.memory_space<vmem>>) offsets(%dma_start3A_45 : memref<128xi32, #tpu.memory_space<vmem>>) semaphore(%arg13 : memref<!tpu.dma_semaphore, #tpu.memory_space<semaphore_mem>>)
      %dma_wait3A = arith.constant 0 : i32
      %dma_wait3A_49 = tpu.memref_slice %arg8[%mul3A_36, %dma_wait3A] : memref<40x128xi32, #tpu.memory_space<vmem>> -> memref<1x128xi32, #tpu.memory_space<vmem>>
      %dma_wait3A_50 = tpu.memref_squeeze %dma_wait3A_49 : memref<1x128xi32, #tpu.memory_space<vmem>> -> memref<128xi32, #tpu.memory_space<vmem>>
      %dma_wait3A_51 = arith.constant 0 : i32
      %dma_wait3A_52 = arith.constant 0 : i32
      %dma_wait3A_53 = tpu.memref_slice %arg2[%dma_wait3A_51, %dma_wait3A_52] : memref<10000x128xf32, #tpu.memory_space<hbm>> -> memref<10000x128xf32, #tpu.memory_space<hbm>>
      tpu.wait_indirect_dma semaphore(%arg12 : memref<!tpu.dma_semaphore, #tpu.memory_space<semaphore_mem>>) src(%dma_wait3A_53 : memref<10000x128xf32, #tpu.memory_space<hbm>>) dst(%arg9 : memref<128x128xf32, #tpu.memory_space<vmem>>)
      "tpu.region"() ({
        %run_scoped3A = tpu.sem_alloc : memref<!tpu.dma_semaphore, #tpu.memory_space<semaphore_mem>>
        %dma_start3A_60 = arith.constant 0 : i32
        %dma_start3A_61 = tpu.memref_slice %arg7[%mul3A_36, %dma_start3A_60] : memref<40x128xi32, #tpu.memory_space<vmem>> -> memref<1x128xi32, #tpu.memory_space<vmem>>
        %dma_start3A_62 = tpu.memref_squeeze %dma_start3A_61 : memref<1x128xi32, #tpu.memory_space<vmem>> -> memref<128xi32, #tpu.memory_space<vmem>>
        %dma_start3A_63 = arith.constant 0 : i32
        %dma_start3A_64 = arith.constant 0 : i32
        %dma_start3A_65 = tpu.memref_slice %arg11[%dma_start3A_63, %dma_start3A_64] : memref<10008x128xf32, #tpu.memory_space<vmem_shared>> -> memref<10008x128xf32, #tpu.memory_space<vmem_shared>>
        tpu.enqueue_indirect_dma source(%arg9 : memref<128x128xf32, #tpu.memory_space<vmem>>) target(%dma_start3A_65 : memref<10008x128xf32, #tpu.memory_space<vmem_shared>>) offsets(%dma_start3A_62 : memref<128xi32, #tpu.memory_space<vmem>>) semaphore(%run_scoped3A : memref<!tpu.dma_semaphore, #tpu.memory_space<semaphore_mem>>) {add = true}
        %dma_wait3A_66 = arith.constant 0 : i32
        %dma_wait3A_67 = tpu.memref_slice %arg7[%mul3A_36, %dma_wait3A_66] : memref<40x128xi32, #tpu.memory_space<vmem>> -> memref<1x128xi32, #tpu.memory_space<vmem>>
        %dma_wait3A_68 = tpu.memref_squeeze %dma_wait3A_67 : memref<1x128xi32, #tpu.memory_space<vmem>> -> memref<128xi32, #tpu.memory_space<vmem>>
        %dma_wait3A_69 = arith.constant 0 : i32
        %dma_wait3A_70 = arith.constant 0 : i32
        %dma_wait3A_71 = tpu.memref_slice %arg11[%dma_wait3A_69, %dma_wait3A_70] : memref<10008x128xf32, #tpu.memory_space<vmem_shared>> -> memref<10008x128xf32, #tpu.memory_space<vmem_shared>>
        tpu.wait_indirect_dma semaphore(%run_scoped3A : memref<!tpu.dma_semaphore, #tpu.memory_space<semaphore_mem>>) src(%arg9 : memref<128x128xf32, #tpu.memory_space<vmem>>) dst(%dma_wait3A_71 : memref<10008x128xf32, #tpu.memory_space<vmem_shared>>)
        tpu.yield
      }) : () -> ()
      %dma_wait3A_54 = arith.constant 0 : i32
      %dma_wait3A_55 = tpu.memref_slice %arg8[%add3A_37, %dma_wait3A_54] : memref<40x128xi32, #tpu.memory_space<vmem>> -> memref<1x128xi32, #tpu.memory_space<vmem>>
      %dma_wait3A_56 = tpu.memref_squeeze %dma_wait3A_55 : memref<1x128xi32, #tpu.memory_space<vmem>> -> memref<128xi32, #tpu.memory_space<vmem>>
      %dma_wait3A_57 = arith.constant 0 : i32
      %dma_wait3A_58 = arith.constant 0 : i32
      %dma_wait3A_59 = tpu.memref_slice %arg2[%dma_wait3A_57, %dma_wait3A_58] : memref<10000x128xf32, #tpu.memory_space<hbm>> -> memref<10000x128xf32, #tpu.memory_space<hbm>>
      tpu.wait_indirect_dma semaphore(%arg13 : memref<!tpu.dma_semaphore, #tpu.memory_space<semaphore_mem>>) src(%dma_wait3A_59 : memref<10000x128xf32, #tpu.memory_space<hbm>>) dst(%arg10 : memref<128x128xf32, #tpu.memory_space<vmem>>)
      "tpu.region"() ({
        %run_scoped3A = tpu.sem_alloc : memref<!tpu.dma_semaphore, #tpu.memory_space<semaphore_mem>>
        %dma_start3A_60 = arith.constant 0 : i32
        %dma_start3A_61 = tpu.memref_slice %arg7[%add3A_37, %dma_start3A_60] : memref<40x128xi32, #tpu.memory_space<vmem>> -> memref<1x128xi32, #tpu.memory_space<vmem>>
        %dma_start3A_62 = tpu.memref_squeeze %dma_start3A_61 : memref<1x128xi32, #tpu.memory_space<vmem>> -> memref<128xi32, #tpu.memory_space<vmem>>
        %dma_start3A_63 = arith.constant 0 : i32
        %dma_start3A_64 = arith.constant 0 : i32
        %dma_start3A_65 = tpu.memref_slice %arg11[%dma_start3A_63, %dma_start3A_64] : memref<10008x128xf32, #tpu.memory_space<vmem_shared>> -> memref<10008x128xf32, #tpu.memory_space<vmem_shared>>
        tpu.enqueue_indirect_dma source(%arg10 : memref<128x128xf32, #tpu.memory_space<vmem>>) target(%dma_start3A_65 : memref<10008x128xf32, #tpu.memory_space<vmem_shared>>) offsets(%dma_start3A_62 : memref<128xi32, #tpu.memory_space<vmem>>) semaphore(%run_scoped3A : memref<!tpu.dma_semaphore, #tpu.memory_space<semaphore_mem>>) {add = true}
        %dma_wait3A_66 = arith.constant 0 : i32
        %dma_wait3A_67 = tpu.memref_slice %arg7[%add3A_37, %dma_wait3A_66] : memref<40x128xi32, #tpu.memory_space<vmem>> -> memref<1x128xi32, #tpu.memory_space<vmem>>
        %dma_wait3A_68 = tpu.memref_squeeze %dma_wait3A_67 : memref<1x128xi32, #tpu.memory_space<vmem>> -> memref<128xi32, #tpu.memory_space<vmem>>
        %dma_wait3A_69 = arith.constant 0 : i32
        %dma_wait3A_70 = arith.constant 0 : i32
        %dma_wait3A_71 = tpu.memref_slice %arg11[%dma_wait3A_69, %dma_wait3A_70] : memref<10008x128xf32, #tpu.memory_space<vmem_shared>> -> memref<10008x128xf32, #tpu.memory_space<vmem_shared>>
        tpu.wait_indirect_dma semaphore(%run_scoped3A : memref<!tpu.dma_semaphore, #tpu.memory_space<semaphore_mem>>) src(%arg10 : memref<128x128xf32, #tpu.memory_space<vmem>>) dst(%dma_wait3A_71 : memref<10008x128xf32, #tpu.memory_space<vmem_shared>>)
        tpu.yield
      }) : () -> ()
    }
    %scan3A_13 = arith.constant 20 : i32
    "tpu.region"() ({
      %run_scoped3A = tpu.sem_alloc : memref<!tpu.dma_semaphore, #tpu.memory_space<semaphore_mem>>
      %dma_start3A = arith.constant 80 : i32
      %dma_start3A_34 = arith.constant 0 : i32
      %dma_start3A_35 = tpu.memref_slice %arg3[%arg1, %dma_start3A, %dma_start3A_34] : memref<16x160x128xi32, #tpu.memory_space<hbm>> -> memref<1x40x128xi32, #tpu.memory_space<hbm>>
      %dma_start3A_36 = tpu.memref_squeeze %dma_start3A_35 : memref<1x40x128xi32, #tpu.memory_space<hbm>> -> memref<40x128xi32, #tpu.memory_space<hbm>>
      %dma_start3A_37 = arith.constant 80 : i32
      %dma_start3A_38 = arith.constant 0 : i32
      %dma_start3A_39 = tpu.memref_slice %arg3[%arg1, %dma_start3A_37, %dma_start3A_38] : memref<16x160x128xi32, #tpu.memory_space<hbm>> -> memref<1x40x128xi32, #tpu.memory_space<hbm>>
      %dma_start3A_40 = tpu.memref_squeeze %dma_start3A_39 : memref<1x40x128xi32, #tpu.memory_space<hbm>> -> memref<40x128xi32, #tpu.memory_space<hbm>>
      tpu.enqueue_dma source(%dma_start3A_40 : memref<40x128xi32, #tpu.memory_space<hbm>>) target(%arg8 : memref<40x128xi32, #tpu.memory_space<vmem>>) target_semaphore(%run_scoped3A : memref<!tpu.dma_semaphore, #tpu.memory_space<semaphore_mem>>)
      %dma_wait3A = arith.constant 80 : i32
      %dma_wait3A_41 = arith.constant 0 : i32
      %dma_wait3A_42 = tpu.memref_slice %arg3[%arg1, %dma_wait3A, %dma_wait3A_41] : memref<16x160x128xi32, #tpu.memory_space<hbm>> -> memref<1x40x128xi32, #tpu.memory_space<hbm>>
      %dma_wait3A_43 = tpu.memref_squeeze %dma_wait3A_42 : memref<1x40x128xi32, #tpu.memory_space<hbm>> -> memref<40x128xi32, #tpu.memory_space<hbm>>
      %dma_wait3A_44 = arith.constant 80 : i32
      %dma_wait3A_45 = arith.constant 0 : i32
      %dma_wait3A_46 = tpu.memref_slice %arg3[%arg1, %dma_wait3A_44, %dma_wait3A_45] : memref<16x160x128xi32, #tpu.memory_space<hbm>> -> memref<1x40x128xi32, #tpu.memory_space<hbm>>
      %dma_wait3A_47 = tpu.memref_squeeze %dma_wait3A_46 : memref<1x40x128xi32, #tpu.memory_space<hbm>> -> memref<40x128xi32, #tpu.memory_space<hbm>>
      tpu.wait_dma2 semaphore(%run_scoped3A : memref<!tpu.dma_semaphore, #tpu.memory_space<semaphore_mem>>) src(%dma_wait3A_47 : memref<40x128xi32, #tpu.memory_space<hbm>>) dst(%arg8 : memref<40x128xi32, #tpu.memory_space<vmem>>)
      tpu.yield
    }) : () -> ()
    "tpu.region"() ({
      %run_scoped3A = tpu.sem_alloc : memref<!tpu.dma_semaphore, #tpu.memory_space<semaphore_mem>>
      %dma_start3A = arith.constant 80 : i32
      %dma_start3A_34 = arith.constant 0 : i32
      %dma_start3A_35 = tpu.memref_slice %arg4[%arg1, %dma_start3A, %dma_start3A_34] : memref<16x160x128xi32, #tpu.memory_space<hbm>> -> memref<1x40x128xi32, #tpu.memory_space<hbm>>
      %dma_start3A_36 = tpu.memref_squeeze %dma_start3A_35 : memref<1x40x128xi32, #tpu.memory_space<hbm>> -> memref<40x128xi32, #tpu.memory_space<hbm>>
      %dma_start3A_37 = arith.constant 80 : i32
      %dma_start3A_38 = arith.constant 0 : i32
      %dma_start3A_39 = tpu.memref_slice %arg4[%arg1, %dma_start3A_37, %dma_start3A_38] : memref<16x160x128xi32, #tpu.memory_space<hbm>> -> memref<1x40x128xi32, #tpu.memory_space<hbm>>
      %dma_start3A_40 = tpu.memref_squeeze %dma_start3A_39 : memref<1x40x128xi32, #tpu.memory_space<hbm>> -> memref<40x128xi32, #tpu.memory_space<hbm>>
      tpu.enqueue_dma source(%dma_start3A_40 : memref<40x128xi32, #tpu.memory_space<hbm>>) target(%arg7 : memref<40x128xi32, #tpu.memory_space<vmem>>) target_semaphore(%run_scoped3A : memref<!tpu.dma_semaphore, #tpu.memory_space<semaphore_mem>>)
      %dma_wait3A = arith.constant 80 : i32
      %dma_wait3A_41 = arith.constant 0 : i32
      %dma_wait3A_42 = tpu.memref_slice %arg4[%arg1, %dma_wait3A, %dma_wait3A_41] : memref<16x160x128xi32, #tpu.memory_space<hbm>> -> memref<1x40x128xi32, #tpu.memory_space<hbm>>
      %dma_wait3A_43 = tpu.memref_squeeze %dma_wait3A_42 : memref<1x40x128xi32, #tpu.memory_space<hbm>> -> memref<40x128xi32, #tpu.memory_space<hbm>>
      %dma_wait3A_44 = arith.constant 80 : i32
      %dma_wait3A_45 = arith.constant 0 : i32
      %dma_wait3A_46 = tpu.memref_slice %arg4[%arg1, %dma_wait3A_44, %dma_wait3A_45] : memref<16x160x128xi32, #tpu.memory_space<hbm>> -> memref<1x40x128xi32, #tpu.memory_space<hbm>>
      %dma_wait3A_47 = tpu.memref_squeeze %dma_wait3A_46 : memref<1x40x128xi32, #tpu.memory_space<hbm>> -> memref<40x128xi32, #tpu.memory_space<hbm>>
      tpu.wait_dma2 semaphore(%run_scoped3A : memref<!tpu.dma_semaphore, #tpu.memory_space<semaphore_mem>>) src(%dma_wait3A_47 : memref<40x128xi32, #tpu.memory_space<hbm>>) dst(%arg7 : memref<40x128xi32, #tpu.memory_space<vmem>>)
      tpu.yield
    }) : () -> ()
    %scan3A_14 = arith.constant 0 : i32
    %scan3A_15 = arith.constant 0 : i32
    %scan3A_16 = arith.constant 20 : i32
    %scan3A_17 = arith.addi %scan3A_15, %scan3A_16 : i32
    %scan3A_18 = arith.constant 1 : i32
    scf.for %scan3A_34 = %scan3A_15 to %scan3A_17 step %scan3A_18  : i32 {
      %mul3A_35 = arith.constant 2 : i32
      %mul3A_36 = arith.muli %mul3A_35, %scan3A_34 : i32
      %add3A = arith.constant 1 : i32
      %add3A_37 = arith.addi %mul3A_36, %add3A : i32
      %dma_start3A = arith.constant 0 : i32
      %dma_start3A_38 = tpu.memref_slice %arg8[%mul3A_36, %dma_start3A] : memref<40x128xi32, #tpu.memory_space<vmem>> -> memref<1x128xi32, #tpu.memory_space<vmem>>
      %dma_start3A_39 = tpu.memref_squeeze %dma_start3A_38 : memref<1x128xi32, #tpu.memory_space<vmem>> -> memref<128xi32, #tpu.memory_space<vmem>>
      %dma_start3A_40 = arith.constant 0 : i32
      %dma_start3A_41 = arith.constant 0 : i32
      %dma_start3A_42 = tpu.memref_slice %arg2[%dma_start3A_40, %dma_start3A_41] : memref<10000x128xf32, #tpu.memory_space<hbm>> -> memref<10000x128xf32, #tpu.memory_space<hbm>>
      tpu.enqueue_indirect_dma source(%dma_start3A_42 : memref<10000x128xf32, #tpu.memory_space<hbm>>) target(%arg9 : memref<128x128xf32, #tpu.memory_space<vmem>>) offsets(%dma_start3A_39 : memref<128xi32, #tpu.memory_space<vmem>>) semaphore(%arg12 : memref<!tpu.dma_semaphore, #tpu.memory_space<semaphore_mem>>)
      %dma_start3A_43 = arith.constant 0 : i32
      %dma_start3A_44 = tpu.memref_slice %arg8[%add3A_37, %dma_start3A_43] : memref<40x128xi32, #tpu.memory_space<vmem>> -> memref<1x128xi32, #tpu.memory_space<vmem>>
      %dma_start3A_45 = tpu.memref_squeeze %dma_start3A_44 : memref<1x128xi32, #tpu.memory_space<vmem>> -> memref<128xi32, #tpu.memory_space<vmem>>
      %dma_start3A_46 = arith.constant 0 : i32
      %dma_start3A_47 = arith.constant 0 : i32
      %dma_start3A_48 = tpu.memref_slice %arg2[%dma_start3A_46, %dma_start3A_47] : memref<10000x128xf32, #tpu.memory_space<hbm>> -> memref<10000x128xf32, #tpu.memory_space<hbm>>
      tpu.enqueue_indirect_dma source(%dma_start3A_48 : memref<10000x128xf32, #tpu.memory_space<hbm>>) target(%arg10 : memref<128x128xf32, #tpu.memory_space<vmem>>) offsets(%dma_start3A_45 : memref<128xi32, #tpu.memory_space<vmem>>) semaphore(%arg13 : memref<!tpu.dma_semaphore, #tpu.memory_space<semaphore_mem>>)
      %dma_wait3A = arith.constant 0 : i32
      %dma_wait3A_49 = tpu.memref_slice %arg8[%mul3A_36, %dma_wait3A] : memref<40x128xi32, #tpu.memory_space<vmem>> -> memref<1x128xi32, #tpu.memory_space<vmem>>
      %dma_wait3A_50 = tpu.memref_squeeze %dma_wait3A_49 : memref<1x128xi32, #tpu.memory_space<vmem>> -> memref<128xi32, #tpu.memory_space<vmem>>
      %dma_wait3A_51 = arith.constant 0 : i32
      %dma_wait3A_52 = arith.constant 0 : i32
      %dma_wait3A_53 = tpu.memref_slice %arg2[%dma_wait3A_51, %dma_wait3A_52] : memref<10000x128xf32, #tpu.memory_space<hbm>> -> memref<10000x128xf32, #tpu.memory_space<hbm>>
      tpu.wait_indirect_dma semaphore(%arg12 : memref<!tpu.dma_semaphore, #tpu.memory_space<semaphore_mem>>) src(%dma_wait3A_53 : memref<10000x128xf32, #tpu.memory_space<hbm>>) dst(%arg9 : memref<128x128xf32, #tpu.memory_space<vmem>>)
      "tpu.region"() ({
        %run_scoped3A = tpu.sem_alloc : memref<!tpu.dma_semaphore, #tpu.memory_space<semaphore_mem>>
        %dma_start3A_60 = arith.constant 0 : i32
        %dma_start3A_61 = tpu.memref_slice %arg7[%mul3A_36, %dma_start3A_60] : memref<40x128xi32, #tpu.memory_space<vmem>> -> memref<1x128xi32, #tpu.memory_space<vmem>>
        %dma_start3A_62 = tpu.memref_squeeze %dma_start3A_61 : memref<1x128xi32, #tpu.memory_space<vmem>> -> memref<128xi32, #tpu.memory_space<vmem>>
        %dma_start3A_63 = arith.constant 0 : i32
        %dma_start3A_64 = arith.constant 0 : i32
        %dma_start3A_65 = tpu.memref_slice %arg11[%dma_start3A_63, %dma_start3A_64] : memref<10008x128xf32, #tpu.memory_space<vmem_shared>> -> memref<10008x128xf32, #tpu.memory_space<vmem_shared>>
        tpu.enqueue_indirect_dma source(%arg9 : memref<128x128xf32, #tpu.memory_space<vmem>>) target(%dma_start3A_65 : memref<10008x128xf32, #tpu.memory_space<vmem_shared>>) offsets(%dma_start3A_62 : memref<128xi32, #tpu.memory_space<vmem>>) semaphore(%run_scoped3A : memref<!tpu.dma_semaphore, #tpu.memory_space<semaphore_mem>>) {add = true}
        %dma_wait3A_66 = arith.constant 0 : i32
        %dma_wait3A_67 = tpu.memref_slice %arg7[%mul3A_36, %dma_wait3A_66] : memref<40x128xi32, #tpu.memory_space<vmem>> -> memref<1x128xi32, #tpu.memory_space<vmem>>
        %dma_wait3A_68 = tpu.memref_squeeze %dma_wait3A_67 : memref<1x128xi32, #tpu.memory_space<vmem>> -> memref<128xi32, #tpu.memory_space<vmem>>
        %dma_wait3A_69 = arith.constant 0 : i32
        %dma_wait3A_70 = arith.constant 0 : i32
        %dma_wait3A_71 = tpu.memref_slice %arg11[%dma_wait3A_69, %dma_wait3A_70] : memref<10008x128xf32, #tpu.memory_space<vmem_shared>> -> memref<10008x128xf32, #tpu.memory_space<vmem_shared>>
        tpu.wait_indirect_dma semaphore(%run_scoped3A : memref<!tpu.dma_semaphore, #tpu.memory_space<semaphore_mem>>) src(%arg9 : memref<128x128xf32, #tpu.memory_space<vmem>>) dst(%dma_wait3A_71 : memref<10008x128xf32, #tpu.memory_space<vmem_shared>>)
        tpu.yield
      }) : () -> ()
      %dma_wait3A_54 = arith.constant 0 : i32
      %dma_wait3A_55 = tpu.memref_slice %arg8[%add3A_37, %dma_wait3A_54] : memref<40x128xi32, #tpu.memory_space<vmem>> -> memref<1x128xi32, #tpu.memory_space<vmem>>
      %dma_wait3A_56 = tpu.memref_squeeze %dma_wait3A_55 : memref<1x128xi32, #tpu.memory_space<vmem>> -> memref<128xi32, #tpu.memory_space<vmem>>
      %dma_wait3A_57 = arith.constant 0 : i32
      %dma_wait3A_58 = arith.constant 0 : i32
      %dma_wait3A_59 = tpu.memref_slice %arg2[%dma_wait3A_57, %dma_wait3A_58] : memref<10000x128xf32, #tpu.memory_space<hbm>> -> memref<10000x128xf32, #tpu.memory_space<hbm>>
      tpu.wait_indirect_dma semaphore(%arg13 : memref<!tpu.dma_semaphore, #tpu.memory_space<semaphore_mem>>) src(%dma_wait3A_59 : memref<10000x128xf32, #tpu.memory_space<hbm>>) dst(%arg10 : memref<128x128xf32, #tpu.memory_space<vmem>>)
      "tpu.region"() ({
        %run_scoped3A = tpu.sem_alloc : memref<!tpu.dma_semaphore, #tpu.memory_space<semaphore_mem>>
        %dma_start3A_60 = arith.constant 0 : i32
        %dma_start3A_61 = tpu.memref_slice %arg7[%add3A_37, %dma_start3A_60] : memref<40x128xi32, #tpu.memory_space<vmem>> -> memref<1x128xi32, #tpu.memory_space<vmem>>
        %dma_start3A_62 = tpu.memref_squeeze %dma_start3A_61 : memref<1x128xi32, #tpu.memory_space<vmem>> -> memref<128xi32, #tpu.memory_space<vmem>>
        %dma_start3A_63 = arith.constant 0 : i32
        %dma_start3A_64 = arith.constant 0 : i32
        %dma_start3A_65 = tpu.memref_slice %arg11[%dma_start3A_63, %dma_start3A_64] : memref<10008x128xf32, #tpu.memory_space<vmem_shared>> -> memref<10008x128xf32, #tpu.memory_space<vmem_shared>>
        tpu.enqueue_indirect_dma source(%arg10 : memref<128x128xf32, #tpu.memory_space<vmem>>) target(%dma_start3A_65 : memref<10008x128xf32, #tpu.memory_space<vmem_shared>>) offsets(%dma_start3A_62 : memref<128xi32, #tpu.memory_space<vmem>>) semaphore(%run_scoped3A : memref<!tpu.dma_semaphore, #tpu.memory_space<semaphore_mem>>) {add = true}
        %dma_wait3A_66 = arith.constant 0 : i32
        %dma_wait3A_67 = tpu.memref_slice %arg7[%add3A_37, %dma_wait3A_66] : memref<40x128xi32, #tpu.memory_space<vmem>> -> memref<1x128xi32, #tpu.memory_space<vmem>>
        %dma_wait3A_68 = tpu.memref_squeeze %dma_wait3A_67 : memref<1x128xi32, #tpu.memory_space<vmem>> -> memref<128xi32, #tpu.memory_space<vmem>>
        %dma_wait3A_69 = arith.constant 0 : i32
        %dma_wait3A_70 = arith.constant 0 : i32
        %dma_wait3A_71 = tpu.memref_slice %arg11[%dma_wait3A_69, %dma_wait3A_70] : memref<10008x128xf32, #tpu.memory_space<vmem_shared>> -> memref<10008x128xf32, #tpu.memory_space<vmem_shared>>
        tpu.wait_indirect_dma semaphore(%run_scoped3A : memref<!tpu.dma_semaphore, #tpu.memory_space<semaphore_mem>>) src(%arg10 : memref<128x128xf32, #tpu.memory_space<vmem>>) dst(%dma_wait3A_71 : memref<10008x128xf32, #tpu.memory_space<vmem_shared>>)
        tpu.yield
      }) : () -> ()
    }
    %scan3A_19 = arith.constant 20 : i32
    "tpu.region"() ({
      %run_scoped3A = tpu.sem_alloc : memref<!tpu.dma_semaphore, #tpu.memory_space<semaphore_mem>>
      %dma_start3A = arith.constant 120 : i32
      %dma_start3A_34 = arith.constant 0 : i32
      %dma_start3A_35 = tpu.memref_slice %arg3[%arg1, %dma_start3A, %dma_start3A_34] : memref<16x160x128xi32, #tpu.memory_space<hbm>> -> memref<1x40x128xi32, #tpu.memory_space<hbm>>
      %dma_start3A_36 = tpu.memref_squeeze %dma_start3A_35 : memref<1x40x128xi32, #tpu.memory_space<hbm>> -> memref<40x128xi32, #tpu.memory_space<hbm>>
      %dma_start3A_37 = arith.constant 120 : i32
      %dma_start3A_38 = arith.constant 0 : i32
      %dma_start3A_39 = tpu.memref_slice %arg3[%arg1, %dma_start3A_37, %dma_start3A_38] : memref<16x160x128xi32, #tpu.memory_space<hbm>> -> memref<1x40x128xi32, #tpu.memory_space<hbm>>
      %dma_start3A_40 = tpu.memref_squeeze %dma_start3A_39 : memref<1x40x128xi32, #tpu.memory_space<hbm>> -> memref<40x128xi32, #tpu.memory_space<hbm>>
      tpu.enqueue_dma source(%dma_start3A_40 : memref<40x128xi32, #tpu.memory_space<hbm>>) target(%arg8 : memref<40x128xi32, #tpu.memory_space<vmem>>) target_semaphore(%run_scoped3A : memref<!tpu.dma_semaphore, #tpu.memory_space<semaphore_mem>>)
      %dma_wait3A = arith.constant 120 : i32
      %dma_wait3A_41 = arith.constant 0 : i32
      %dma_wait3A_42 = tpu.memref_slice %arg3[%arg1, %dma_wait3A, %dma_wait3A_41] : memref<16x160x128xi32, #tpu.memory_space<hbm>> -> memref<1x40x128xi32, #tpu.memory_space<hbm>>
      %dma_wait3A_43 = tpu.memref_squeeze %dma_wait3A_42 : memref<1x40x128xi32, #tpu.memory_space<hbm>> -> memref<40x128xi32, #tpu.memory_space<hbm>>
      %dma_wait3A_44 = arith.constant 120 : i32
      %dma_wait3A_45 = arith.constant 0 : i32
      %dma_wait3A_46 = tpu.memref_slice %arg3[%arg1, %dma_wait3A_44, %dma_wait3A_45] : memref<16x160x128xi32, #tpu.memory_space<hbm>> -> memref<1x40x128xi32, #tpu.memory_space<hbm>>
      %dma_wait3A_47 = tpu.memref_squeeze %dma_wait3A_46 : memref<1x40x128xi32, #tpu.memory_space<hbm>> -> memref<40x128xi32, #tpu.memory_space<hbm>>
      tpu.wait_dma2 semaphore(%run_scoped3A : memref<!tpu.dma_semaphore, #tpu.memory_space<semaphore_mem>>) src(%dma_wait3A_47 : memref<40x128xi32, #tpu.memory_space<hbm>>) dst(%arg8 : memref<40x128xi32, #tpu.memory_space<vmem>>)
      tpu.yield
    }) : () -> ()
    "tpu.region"() ({
      %run_scoped3A = tpu.sem_alloc : memref<!tpu.dma_semaphore, #tpu.memory_space<semaphore_mem>>
      %dma_start3A = arith.constant 120 : i32
      %dma_start3A_34 = arith.constant 0 : i32
      %dma_start3A_35 = tpu.memref_slice %arg4[%arg1, %dma_start3A, %dma_start3A_34] : memref<16x160x128xi32, #tpu.memory_space<hbm>> -> memref<1x40x128xi32, #tpu.memory_space<hbm>>
      %dma_start3A_36 = tpu.memref_squeeze %dma_start3A_35 : memref<1x40x128xi32, #tpu.memory_space<hbm>> -> memref<40x128xi32, #tpu.memory_space<hbm>>
      %dma_start3A_37 = arith.constant 120 : i32
      %dma_start3A_38 = arith.constant 0 : i32
      %dma_start3A_39 = tpu.memref_slice %arg4[%arg1, %dma_start3A_37, %dma_start3A_38] : memref<16x160x128xi32, #tpu.memory_space<hbm>> -> memref<1x40x128xi32, #tpu.memory_space<hbm>>
      %dma_start3A_40 = tpu.memref_squeeze %dma_start3A_39 : memref<1x40x128xi32, #tpu.memory_space<hbm>> -> memref<40x128xi32, #tpu.memory_space<hbm>>
      tpu.enqueue_dma source(%dma_start3A_40 : memref<40x128xi32, #tpu.memory_space<hbm>>) target(%arg7 : memref<40x128xi32, #tpu.memory_space<vmem>>) target_semaphore(%run_scoped3A : memref<!tpu.dma_semaphore, #tpu.memory_space<semaphore_mem>>)
      %dma_wait3A = arith.constant 120 : i32
      %dma_wait3A_41 = arith.constant 0 : i32
      %dma_wait3A_42 = tpu.memref_slice %arg4[%arg1, %dma_wait3A, %dma_wait3A_41] : memref<16x160x128xi32, #tpu.memory_space<hbm>> -> memref<1x40x128xi32, #tpu.memory_space<hbm>>
      %dma_wait3A_43 = tpu.memref_squeeze %dma_wait3A_42 : memref<1x40x128xi32, #tpu.memory_space<hbm>> -> memref<40x128xi32, #tpu.memory_space<hbm>>
      %dma_wait3A_44 = arith.constant 120 : i32
      %dma_wait3A_45 = arith.constant 0 : i32
      %dma_wait3A_46 = tpu.memref_slice %arg4[%arg1, %dma_wait3A_44, %dma_wait3A_45] : memref<16x160x128xi32, #tpu.memory_space<hbm>> -> memref<1x40x128xi32, #tpu.memory_space<hbm>>
      %dma_wait3A_47 = tpu.memref_squeeze %dma_wait3A_46 : memref<1x40x128xi32, #tpu.memory_space<hbm>> -> memref<40x128xi32, #tpu.memory_space<hbm>>
      tpu.wait_dma2 semaphore(%run_scoped3A : memref<!tpu.dma_semaphore, #tpu.memory_space<semaphore_mem>>) src(%dma_wait3A_47 : memref<40x128xi32, #tpu.memory_space<hbm>>) dst(%arg7 : memref<40x128xi32, #tpu.memory_space<vmem>>)
      tpu.yield
    }) : () -> ()
    %scan3A_20 = arith.constant 0 : i32
    %scan3A_21 = arith.constant 0 : i32
    %scan3A_22 = arith.constant 20 : i32
    %scan3A_23 = arith.addi %scan3A_21, %scan3A_22 : i32
    %scan3A_24 = arith.constant 1 : i32
    scf.for %scan3A_34 = %scan3A_21 to %scan3A_23 step %scan3A_24  : i32 {
      %mul3A_35 = arith.constant 2 : i32
      %mul3A_36 = arith.muli %mul3A_35, %scan3A_34 : i32
      %add3A = arith.constant 1 : i32
      %add3A_37 = arith.addi %mul3A_36, %add3A : i32
      %dma_start3A = arith.constant 0 : i32
      %dma_start3A_38 = tpu.memref_slice %arg8[%mul3A_36, %dma_start3A] : memref<40x128xi32, #tpu.memory_space<vmem>> -> memref<1x128xi32, #tpu.memory_space<vmem>>
      %dma_start3A_39 = tpu.memref_squeeze %dma_start3A_38 : memref<1x128xi32, #tpu.memory_space<vmem>> -> memref<128xi32, #tpu.memory_space<vmem>>
      %dma_start3A_40 = arith.constant 0 : i32
      %dma_start3A_41 = arith.constant 0 : i32
      %dma_start3A_42 = tpu.memref_slice %arg2[%dma_start3A_40, %dma_start3A_41] : memref<10000x128xf32, #tpu.memory_space<hbm>> -> memref<10000x128xf32, #tpu.memory_space<hbm>>
      tpu.enqueue_indirect_dma source(%dma_start3A_42 : memref<10000x128xf32, #tpu.memory_space<hbm>>) target(%arg9 : memref<128x128xf32, #tpu.memory_space<vmem>>) offsets(%dma_start3A_39 : memref<128xi32, #tpu.memory_space<vmem>>) semaphore(%arg12 : memref<!tpu.dma_semaphore, #tpu.memory_space<semaphore_mem>>)
      %dma_start3A_43 = arith.constant 0 : i32
      %dma_start3A_44 = tpu.memref_slice %arg8[%add3A_37, %dma_start3A_43] : memref<40x128xi32, #tpu.memory_space<vmem>> -> memref<1x128xi32, #tpu.memory_space<vmem>>
      %dma_start3A_45 = tpu.memref_squeeze %dma_start3A_44 : memref<1x128xi32, #tpu.memory_space<vmem>> -> memref<128xi32, #tpu.memory_space<vmem>>
      %dma_start3A_46 = arith.constant 0 : i32
      %dma_start3A_47 = arith.constant 0 : i32
      %dma_start3A_48 = tpu.memref_slice %arg2[%dma_start3A_46, %dma_start3A_47] : memref<10000x128xf32, #tpu.memory_space<hbm>> -> memref<10000x128xf32, #tpu.memory_space<hbm>>
      tpu.enqueue_indirect_dma source(%dma_start3A_48 : memref<10000x128xf32, #tpu.memory_space<hbm>>) target(%arg10 : memref<128x128xf32, #tpu.memory_space<vmem>>) offsets(%dma_start3A_45 : memref<128xi32, #tpu.memory_space<vmem>>) semaphore(%arg13 : memref<!tpu.dma_semaphore, #tpu.memory_space<semaphore_mem>>)
      %dma_wait3A = arith.constant 0 : i32
      %dma_wait3A_49 = tpu.memref_slice %arg8[%mul3A_36, %dma_wait3A] : memref<40x128xi32, #tpu.memory_space<vmem>> -> memref<1x128xi32, #tpu.memory_space<vmem>>
      %dma_wait3A_50 = tpu.memref_squeeze %dma_wait3A_49 : memref<1x128xi32, #tpu.memory_space<vmem>> -> memref<128xi32, #tpu.memory_space<vmem>>
      %dma_wait3A_51 = arith.constant 0 : i32
      %dma_wait3A_52 = arith.constant 0 : i32
      %dma_wait3A_53 = tpu.memref_slice %arg2[%dma_wait3A_51, %dma_wait3A_52] : memref<10000x128xf32, #tpu.memory_space<hbm>> -> memref<10000x128xf32, #tpu.memory_space<hbm>>
      tpu.wait_indirect_dma semaphore(%arg12 : memref<!tpu.dma_semaphore, #tpu.memory_space<semaphore_mem>>) src(%dma_wait3A_53 : memref<10000x128xf32, #tpu.memory_space<hbm>>) dst(%arg9 : memref<128x128xf32, #tpu.memory_space<vmem>>)
      "tpu.region"() ({
        %run_scoped3A = tpu.sem_alloc : memref<!tpu.dma_semaphore, #tpu.memory_space<semaphore_mem>>
        %dma_start3A_60 = arith.constant 0 : i32
        %dma_start3A_61 = tpu.memref_slice %arg7[%mul3A_36, %dma_start3A_60] : memref<40x128xi32, #tpu.memory_space<vmem>> -> memref<1x128xi32, #tpu.memory_space<vmem>>
        %dma_start3A_62 = tpu.memref_squeeze %dma_start3A_61 : memref<1x128xi32, #tpu.memory_space<vmem>> -> memref<128xi32, #tpu.memory_space<vmem>>
        %dma_start3A_63 = arith.constant 0 : i32
        %dma_start3A_64 = arith.constant 0 : i32
        %dma_start3A_65 = tpu.memref_slice %arg11[%dma_start3A_63, %dma_start3A_64] : memref<10008x128xf32, #tpu.memory_space<vmem_shared>> -> memref<10008x128xf32, #tpu.memory_space<vmem_shared>>
        tpu.enqueue_indirect_dma source(%arg9 : memref<128x128xf32, #tpu.memory_space<vmem>>) target(%dma_start3A_65 : memref<10008x128xf32, #tpu.memory_space<vmem_shared>>) offsets(%dma_start3A_62 : memref<128xi32, #tpu.memory_space<vmem>>) semaphore(%run_scoped3A : memref<!tpu.dma_semaphore, #tpu.memory_space<semaphore_mem>>) {add = true}
        %dma_wait3A_66 = arith.constant 0 : i32
        %dma_wait3A_67 = tpu.memref_slice %arg7[%mul3A_36, %dma_wait3A_66] : memref<40x128xi32, #tpu.memory_space<vmem>> -> memref<1x128xi32, #tpu.memory_space<vmem>>
        %dma_wait3A_68 = tpu.memref_squeeze %dma_wait3A_67 : memref<1x128xi32, #tpu.memory_space<vmem>> -> memref<128xi32, #tpu.memory_space<vmem>>
        %dma_wait3A_69 = arith.constant 0 : i32
        %dma_wait3A_70 = arith.constant 0 : i32
        %dma_wait3A_71 = tpu.memref_slice %arg11[%dma_wait3A_69, %dma_wait3A_70] : memref<10008x128xf32, #tpu.memory_space<vmem_shared>> -> memref<10008x128xf32, #tpu.memory_space<vmem_shared>>
        tpu.wait_indirect_dma semaphore(%run_scoped3A : memref<!tpu.dma_semaphore, #tpu.memory_space<semaphore_mem>>) src(%arg9 : memref<128x128xf32, #tpu.memory_space<vmem>>) dst(%dma_wait3A_71 : memref<10008x128xf32, #tpu.memory_space<vmem_shared>>)
        tpu.yield
      }) : () -> ()
      %dma_wait3A_54 = arith.constant 0 : i32
      %dma_wait3A_55 = tpu.memref_slice %arg8[%add3A_37, %dma_wait3A_54] : memref<40x128xi32, #tpu.memory_space<vmem>> -> memref<1x128xi32, #tpu.memory_space<vmem>>
      %dma_wait3A_56 = tpu.memref_squeeze %dma_wait3A_55 : memref<1x128xi32, #tpu.memory_space<vmem>> -> memref<128xi32, #tpu.memory_space<vmem>>
      %dma_wait3A_57 = arith.constant 0 : i32
      %dma_wait3A_58 = arith.constant 0 : i32
      %dma_wait3A_59 = tpu.memref_slice %arg2[%dma_wait3A_57, %dma_wait3A_58] : memref<10000x128xf32, #tpu.memory_space<hbm>> -> memref<10000x128xf32, #tpu.memory_space<hbm>>
      tpu.wait_indirect_dma semaphore(%arg13 : memref<!tpu.dma_semaphore, #tpu.memory_space<semaphore_mem>>) src(%dma_wait3A_59 : memref<10000x128xf32, #tpu.memory_space<hbm>>) dst(%arg10 : memref<128x128xf32, #tpu.memory_space<vmem>>)
      "tpu.region"() ({
        %run_scoped3A = tpu.sem_alloc : memref<!tpu.dma_semaphore, #tpu.memory_space<semaphore_mem>>
        %dma_start3A_60 = arith.constant 0 : i32
        %dma_start3A_61 = tpu.memref_slice %arg7[%add3A_37, %dma_start3A_60] : memref<40x128xi32, #tpu.memory_space<vmem>> -> memref<1x128xi32, #tpu.memory_space<vmem>>
        %dma_start3A_62 = tpu.memref_squeeze %dma_start3A_61 : memref<1x128xi32, #tpu.memory_space<vmem>> -> memref<128xi32, #tpu.memory_space<vmem>>
        %dma_start3A_63 = arith.constant 0 : i32
        %dma_start3A_64 = arith.constant 0 : i32
        %dma_start3A_65 = tpu.memref_slice %arg11[%dma_start3A_63, %dma_start3A_64] : memref<10008x128xf32, #tpu.memory_space<vmem_shared>> -> memref<10008x128xf32, #tpu.memory_space<vmem_shared>>
        tpu.enqueue_indirect_dma source(%arg10 : memref<128x128xf32, #tpu.memory_space<vmem>>) target(%dma_start3A_65 : memref<10008x128xf32, #tpu.memory_space<vmem_shared>>) offsets(%dma_start3A_62 : memref<128xi32, #tpu.memory_space<vmem>>) semaphore(%run_scoped3A : memref<!tpu.dma_semaphore, #tpu.memory_space<semaphore_mem>>) {add = true}
        %dma_wait3A_66 = arith.constant 0 : i32
        %dma_wait3A_67 = tpu.memref_slice %arg7[%add3A_37, %dma_wait3A_66] : memref<40x128xi32, #tpu.memory_space<vmem>> -> memref<1x128xi32, #tpu.memory_space<vmem>>
        %dma_wait3A_68 = tpu.memref_squeeze %dma_wait3A_67 : memref<1x128xi32, #tpu.memory_space<vmem>> -> memref<128xi32, #tpu.memory_space<vmem>>
        %dma_wait3A_69 = arith.constant 0 : i32
        %dma_wait3A_70 = arith.constant 0 : i32
        %dma_wait3A_71 = tpu.memref_slice %arg11[%dma_wait3A_69, %dma_wait3A_70] : memref<10008x128xf32, #tpu.memory_space<vmem_shared>> -> memref<10008x128xf32, #tpu.memory_space<vmem_shared>>
        tpu.wait_indirect_dma semaphore(%run_scoped3A : memref<!tpu.dma_semaphore, #tpu.memory_space<semaphore_mem>>) src(%arg10 : memref<128x128xf32, #tpu.memory_space<vmem>>) dst(%dma_wait3A_71 : memref<10008x128xf32, #tpu.memory_space<vmem_shared>>)
        tpu.yield
      }) : () -> ()
    }
    %scan3A_25 = arith.constant 20 : i32
    %barrier3A_26 = arith.constant 0 : index
    tpu.barrier barrier_id(%barrier3A_26)
    %mul3A_27 = arith.constant 624 : i32
    %mul3A_28 = arith.muli %arg1, %mul3A_27 : i32
    "tpu.region"() ({
      %run_scoped3A = tpu.sem_alloc : memref<!tpu.dma_semaphore, #tpu.memory_space<semaphore_mem>>
      %dma_start3A = arith.constant 0 : i32
      %dma_start3A_34 = tpu.memref_slice %arg6[%mul3A_28, %dma_start3A] : memref<10000x128xf32, #tpu.memory_space<hbm>> -> memref<624x128xf32, #tpu.memory_space<hbm>>
      %dma_start3A_35 = arith.constant 0 : i32
      %dma_start3A_36 = tpu.memref_slice %arg11[%mul3A_28, %dma_start3A_35] : memref<10008x128xf32, #tpu.memory_space<vmem_shared>> -> memref<624x128xf32, #tpu.memory_space<vmem_shared>>
      tpu.enqueue_dma source(%dma_start3A_36 : memref<624x128xf32, #tpu.memory_space<vmem_shared>>) target(%dma_start3A_34 : memref<624x128xf32, #tpu.memory_space<hbm>>) target_semaphore(%run_scoped3A : memref<!tpu.dma_semaphore, #tpu.memory_space<semaphore_mem>>)
      %dma_wait3A = arith.constant 0 : i32
      %dma_wait3A_37 = tpu.memref_slice %arg6[%mul3A_28, %dma_wait3A] : memref<10000x128xf32, #tpu.memory_space<hbm>> -> memref<624x128xf32, #tpu.memory_space<hbm>>
      %dma_wait3A_38 = arith.constant 0 : i32
      %dma_wait3A_39 = tpu.memref_slice %arg11[%mul3A_28, %dma_wait3A_38] : memref<10008x128xf32, #tpu.memory_space<vmem_shared>> -> memref<624x128xf32, #tpu.memory_space<vmem_shared>>
      tpu.wait_dma2 semaphore(%run_scoped3A : memref<!tpu.dma_semaphore, #tpu.memory_space<semaphore_mem>>) src(%dma_wait3A_39 : memref<624x128xf32, #tpu.memory_space<vmem_shared>>) dst(%dma_wait3A_37 : memref<624x128xf32, #tpu.memory_space<hbm>>)
      tpu.yield
    }) : () -> ()
    %eq3A_29 = arith.constant 15 : i32
    %eq3A_30 = arith.cmpi eq, %arg1, %eq3A_29 : i32
    %convert_element_type3A_31 = arith.extui %eq3A_30 : i1 to i32
    %cond3A_32 = arith.constant 0 : i32
    %cond3A_33 = arith.cmpi ne, %convert_element_type3A_31, %cond3A_32 : i32
    scf.if %cond3A_33 {
      "tpu.region"() ({
        %run_scoped3A = tpu.sem_alloc : memref<!tpu.dma_semaphore, #tpu.memory_space<semaphore_mem>>
        %dma_start3A = arith.constant 9984 : i32
        %dma_start3A_34 = arith.constant 0 : i32
        %dma_start3A_35 = tpu.memref_slice %arg6[%dma_start3A, %dma_start3A_34] : memref<10000x128xf32, #tpu.memory_space<hbm>> -> memref<16x128xf32, #tpu.memory_space<hbm>>
        %dma_start3A_36 = arith.constant 9984 : i32
        %dma_start3A_37 = arith.constant 0 : i32
        %dma_start3A_38 = tpu.memref_slice %arg11[%dma_start3A_36, %dma_start3A_37] : memref<10008x128xf32, #tpu.memory_space<vmem_shared>> -> memref<16x128xf32, #tpu.memory_space<vmem_shared>>
        tpu.enqueue_dma source(%dma_start3A_38 : memref<16x128xf32, #tpu.memory_space<vmem_shared>>) target(%dma_start3A_35 : memref<16x128xf32, #tpu.memory_space<hbm>>) target_semaphore(%run_scoped3A : memref<!tpu.dma_semaphore, #tpu.memory_space<semaphore_mem>>)
        %dma_wait3A = arith.constant 9984 : i32
        %dma_wait3A_39 = arith.constant 0 : i32
        %dma_wait3A_40 = tpu.memref_slice %arg6[%dma_wait3A, %dma_wait3A_39] : memref<10000x128xf32, #tpu.memory_space<hbm>> -> memref<16x128xf32, #tpu.memory_space<hbm>>
        %dma_wait3A_41 = arith.constant 9984 : i32
        %dma_wait3A_42 = arith.constant 0 : i32
        %dma_wait3A_43 = tpu.memref_slice %arg11[%dma_wait3A_41, %dma_wait3A_42] : memref<10008x128xf32, #tpu.memory_space<vmem_shared>> -> memref<16x128xf32, #tpu.memory_space<vmem_shared>>
        tpu.wait_dma2 semaphore(%run_scoped3A : memref<!tpu.dma_semaphore, #tpu.memory_space<semaphore_mem>>) src(%dma_wait3A_43 : memref<16x128xf32, #tpu.memory_space<vmem_shared>>) dst(%dma_wait3A_40 : memref<16x128xf32, #tpu.memory_space<hbm>>)
        tpu.yield
      }) : () -> ()
    } else {
    }
    return
  }
}

module attributes {stable_mosaic.version = 14 : i64} {
  func.func @body(%arg0: i32, %arg1: memref<1000x128xf32, #tpu.memory_space<vmem>>, %arg2: memref<1000x128xf32, #tpu.memory_space<vmem>>, %arg3: memref<1000x128xf32, #tpu.memory_space<vmem>>) attributes {dimension_semantics = [#tpu.dimension_semantics<arbitrary>], iteration_bounds = array<i64: 10>, scalar_prefetch = 0 : i64, scratch_operands = 0 : i64, tpu.core_type = #tpu.core_type<tc>, window_params = [{transform_indices = @transform_0, window_bounds = array<i64: 1000, 128>}, {transform_indices = @transform_1, window_bounds = array<i64: 1000, 128>}, {transform_indices = @transform_2, window_bounds = array<i64: 1000, 128>}]} {
    %get3A = arith.constant 0 : index
    %get3A_0 = arith.constant 0 : index
    %get3A_1 = vector.load %arg1[%get3A, %get3A_0] : memref<1000x128xf32, #tpu.memory_space<vmem>>, vector<1000x128xf32>
    %get3A_2 = arith.constant 0 : index
    %get3A_3 = arith.constant 0 : index
    %get3A_4 = vector.load %arg2[%get3A_2, %get3A_3] : memref<1000x128xf32, #tpu.memory_space<vmem>>, vector<1000x128xf32>
    %slice3A = vector.extract_strided_slice %get3A_4 {offsets = [0, 0], sizes = [1000, 1], strides = [1, 1]} : vector<1000x128xf32> to vector<1000x1xf32>
    %add3A = arith.constant 1.000000e+00 : f32
    %add3A_5 = vector.broadcast %add3A : f32 to vector<1000x1xf32>
    %add3A_6 = arith.addf %slice3A, %add3A_5 : vector<1000x1xf32>
    %rsqrt3A = math.rsqrt %add3A_6 : vector<1000x1xf32>
    %mul3A = vector.broadcast %rsqrt3A : vector<1000x1xf32> to vector<1000x128xf32>
    %mul3A_7 = arith.mulf %get3A_1, %mul3A : vector<1000x128xf32>
    %swap3A = arith.constant 0 : index
    %swap3A_8 = arith.constant 0 : index
    %swap3A_9 = vector.load %arg3[%swap3A, %swap3A_8] : memref<1000x128xf32, #tpu.memory_space<vmem>>, vector<1000x128xf32>
    tpu.vector_store %arg3[%swap3A, %swap3A_8], %mul3A_7 {strides = array<i32>} : memref<1000x128xf32, #tpu.memory_space<vmem>>, vector<1000x128xf32>,
    return
  }
  func.func @transform_0(%arg0: i32) -> (i32, i32) {
    %c0_i32 = arith.constant 0 : i32
    %c0_i32_0 = arith.constant 0 : i32
    return %arg0, %c0_i32 : i32, i32
  }
  func.func @transform_1(%arg0: i32) -> (i32, i32) {
    %c0_i32 = arith.constant 0 : i32
    %c0_i32_0 = arith.constant 0 : i32
    return %arg0, %c0_i32 : i32, i32
  }
  func.func @transform_2(%arg0: i32) -> (i32, i32) {
    %c0_i32 = arith.constant 0 : i32
    %c0_i32_0 = arith.constant 0 : i32
    return %arg0, %c0_i32 : i32, i32
  }
}

module attributes {stable_mosaic.version = 14 : i64} {
  func.func @body(%arg0: i32, %arg1: memref<1000x128xf32, #tpu.memory_space<vmem>>, %arg2: memref<1000x128xf32, #tpu.memory_space<vmem>>, %arg3: memref<1000x128xf32, #tpu.memory_space<vmem>>, %arg4: memref<128x128xf32, #tpu.memory_space<vmem>>, %arg5: memref<1x128xf32, #tpu.memory_space<vmem>>, %arg6: memref<1000x128xf32, #tpu.memory_space<vmem>>, %arg7: memref<1000x128xf32, #tpu.memory_space<vmem>>) attributes {dimension_semantics = [#tpu.dimension_semantics<arbitrary>], iteration_bounds = array<i64: 10>, scalar_prefetch = 0 : i64, scratch_operands = 0 : i64, tpu.core_type = #tpu.core_type<tc>, window_params = [{transform_indices = @transform_0, window_bounds = array<i64: 1000, 128>}, {transform_indices = @transform_1, window_bounds = array<i64: 1000, 128>}, {transform_indices = @transform_2, window_bounds = array<i64: 1000, 128>}, {pipeline_mode = #tpu.pipeline_mode<synchronous>, transform_indices = @transform_3, window_bounds = array<i64: 128, 128>}, {pipeline_mode = #tpu.pipeline_mode<synchronous>, transform_indices = @transform_4, window_bounds = array<i64: 1, 128>}, {transform_indices = @transform_5, window_bounds = array<i64: 1000, 128>}, {transform_indices = @transform_6, window_bounds = array<i64: 1000, 128>}]} {
    %get3A = arith.constant 0 : index
    %get3A_0 = arith.constant 0 : index
    %get3A_1 = vector.load %arg3[%get3A, %get3A_0] : memref<1000x128xf32, #tpu.memory_space<vmem>>, vector<1000x128xf32>
    %slice3A = vector.extract_strided_slice %get3A_1 {offsets = [0, 0], sizes = [1000, 1], strides = [1, 1]} : vector<1000x128xf32> to vector<1000x1xf32>
    %add3A = arith.constant 1.000000e+00 : f32
    %add3A_2 = vector.broadcast %add3A : f32 to vector<1000x1xf32>
    %add3A_3 = arith.addf %slice3A, %add3A_2 : vector<1000x1xf32>
    %rsqrt3A = math.rsqrt %add3A_3 : vector<1000x1xf32>
    %get3A_4 = arith.constant 0 : index
    %get3A_5 = arith.constant 0 : index
    %get3A_6 = vector.load %arg1[%get3A_4, %get3A_5] : memref<1000x128xf32, #tpu.memory_space<vmem>>, vector<1000x128xf32>
    %get3A_7 = arith.constant 0 : index
    %get3A_8 = arith.constant 0 : index
    %get3A_9 = vector.load %arg2[%get3A_7, %get3A_8] : memref<1000x128xf32, #tpu.memory_space<vmem>>, vector<1000x128xf32>
    %add3A_10 = arith.addf %get3A_6, %get3A_9 : vector<1000x128xf32>
    %mul3A = vector.broadcast %rsqrt3A : vector<1000x1xf32> to vector<1000x128xf32>
    %mul3A_11 = arith.mulf %add3A_10, %mul3A : vector<1000x128xf32>
    %get3A_12 = arith.constant 0 : index
    %get3A_13 = arith.constant 0 : index
    %get3A_14 = vector.load %arg4[%get3A_12, %get3A_13] : memref<128x128xf32, #tpu.memory_space<vmem>>, vector<128x128xf32>
    %dot_general3A = arith.constant dense<0.000000e+00> : vector<1000x128xf32>
    %dot_general3A_15 = tpu.matmul %mul3A_11, %get3A_14, %dot_general3A {dimension_numbers = #tpu.dot_dimension_numbers<[1], [0], [0], [1], [0, 0, 1, 1], [], []>, transpose_lhs_hint = false} : vector<1000x128xf32>, vector<128x128xf32>, vector<1000x128xf32> -> vector<1000x128xf32>
    %get3A_16 = arith.constant 0 : index
    %get3A_17 = arith.constant 0 : index
    %get3A_18 = vector.load %arg5[%get3A_16, %get3A_17] : memref<1x128xf32, #tpu.memory_space<vmem>>, vector<1x128xf32>
    %add3A_19 = vector.broadcast %get3A_18 : vector<1x128xf32> to vector<1000x128xf32>
    %add3A_20 = arith.addf %dot_general3A_15, %add3A_19 : vector<1000x128xf32>
    %swap3A = arith.constant 0 : index
    %swap3A_21 = arith.constant 0 : index
    %swap3A_22 = vector.load %arg6[%swap3A, %swap3A_21] : memref<1000x128xf32, #tpu.memory_space<vmem>>, vector<1000x128xf32>
    tpu.vector_store %arg6[%swap3A, %swap3A_21], %add3A_20 {strides = array<i32>} : memref<1000x128xf32, #tpu.memory_space<vmem>>, vector<1000x128xf32>,
    %max3A = arith.constant 0.000000e+00 : f32
    %max3A_23 = vector.broadcast %max3A : f32 to vector<1000x128xf32>
    %max3A_24 = arith.maximumf %add3A_20, %max3A_23 : vector<1000x128xf32>
    %mul3A_25 = vector.broadcast %rsqrt3A : vector<1000x1xf32> to vector<1000x128xf32>
    %mul3A_26 = arith.mulf %max3A_24, %mul3A_25 : vector<1000x128xf32>
    %swap3A_27 = arith.constant 0 : index
    %swap3A_28 = arith.constant 0 : index
    %swap3A_29 = vector.load %arg7[%swap3A_27, %swap3A_28] : memref<1000x128xf32, #tpu.memory_space<vmem>>, vector<1000x128xf32>
    tpu.vector_store %arg7[%swap3A_27, %swap3A_28], %mul3A_26 {strides = array<i32>} : memref<1000x128xf32, #tpu.memory_space<vmem>>, vector<1000x128xf32>,
    return
  }
  func.func @transform_0(%arg0: i32) -> (i32, i32) {
    %c0_i32 = arith.constant 0 : i32
    %c0_i32_0 = arith.constant 0 : i32
    return %arg0, %c0_i32 : i32, i32
  }
  func.func @transform_1(%arg0: i32) -> (i32, i32) {
    %c0_i32 = arith.constant 0 : i32
    %c0_i32_0 = arith.constant 0 : i32
    return %arg0, %c0_i32 : i32, i32
  }
  func.func @transform_2(%arg0: i32) -> (i32, i32) {
    %c0_i32 = arith.constant 0 : i32
    %c0_i32_0 = arith.constant 0 : i32
    return %arg0, %c0_i32 : i32, i32
  }
  func.func @transform_3(%arg0: i32) -> (i32, i32) {
    %c0_i32 = arith.constant 0 : i32
    %c0_i32_0 = arith.constant 0 : i32
    %c0_i32_1 = arith.constant 0 : i32
    return %c0_i32, %c0_i32_0 : i32, i32
  }
  func.func @transform_4(%arg0: i32) -> (i32, i32) {
    %c0_i32 = arith.constant 0 : i32
    %c0_i32_0 = arith.constant 0 : i32
    %c0_i32_1 = arith.constant 0 : i32
    return %c0_i32, %c0_i32_0 : i32, i32
  }
  func.func @transform_5(%arg0: i32) -> (i32, i32) {
    %c0_i32 = arith.constant 0 : i32
    %c0_i32_0 = arith.constant 0 : i32
    return %arg0, %c0_i32 : i32, i32
  }
  func.func @transform_6(%arg0: i32) -> (i32, i32) {
    %c0_i32 = arith.constant 0 : i32
    %c0_i32_0 = arith.constant 0 : i32
    return %arg0, %c0_i32 : i32, i32
  }
}

module attributes {stable_mosaic.version = 14 : i64} {
  func.func @body(%arg0: i32, %arg1: memref<1000x128xf32, #tpu.memory_space<vmem>>, %arg2: memref<1000x128xf32, #tpu.memory_space<vmem>>, %arg3: memref<1000x128xf32, #tpu.memory_space<vmem>>, %arg4: memref<128x128xf32, #tpu.memory_space<vmem>>, %arg5: memref<1x128xf32, #tpu.memory_space<vmem>>, %arg6: memref<128x128xf32, #tpu.memory_space<vmem>>, %arg7: memref<1x128xf32, #tpu.memory_space<vmem>>, %arg8: memref<128x128xf32, #tpu.memory_space<vmem>>, %arg9: memref<1x128xf32, #tpu.memory_space<vmem>>, %arg10: memref<1000x128xf32, #tpu.memory_space<vmem>>, %arg11: memref<1000x128xf32, #tpu.memory_space<vmem>>) attributes {dimension_semantics = [#tpu.dimension_semantics<arbitrary>], iteration_bounds = array<i64: 10>, scalar_prefetch = 0 : i64, scratch_operands = 0 : i64, tpu.core_type = #tpu.core_type<tc>, window_params = [{transform_indices = @transform_0, window_bounds = array<i64: 1000, 128>}, {transform_indices = @transform_1, window_bounds = array<i64: 1000, 128>}, {transform_indices = @transform_2, window_bounds = array<i64: 1000, 128>}, {pipeline_mode = #tpu.pipeline_mode<synchronous>, transform_indices = @transform_3, window_bounds = array<i64: 128, 128>}, {pipeline_mode = #tpu.pipeline_mode<synchronous>, transform_indices = @transform_4, window_bounds = array<i64: 1, 128>}, {pipeline_mode = #tpu.pipeline_mode<synchronous>, transform_indices = @transform_5, window_bounds = array<i64: 128, 128>}, {pipeline_mode = #tpu.pipeline_mode<synchronous>, transform_indices = @transform_6, window_bounds = array<i64: 1, 128>}, {pipeline_mode = #tpu.pipeline_mode<synchronous>, transform_indices = @transform_7, window_bounds = array<i64: 128, 128>}, {pipeline_mode = #tpu.pipeline_mode<synchronous>, transform_indices = @transform_8, window_bounds = array<i64: 1, 128>}, {transform_indices = @transform_9, window_bounds = array<i64: 1000, 128>}, {transform_indices = @transform_10, window_bounds = array<i64: 1000, 128>}]} {
    %get3A = arith.constant 0 : index
    %get3A_0 = arith.constant 0 : index
    %get3A_1 = vector.load %arg3[%get3A, %get3A_0] : memref<1000x128xf32, #tpu.memory_space<vmem>>, vector<1000x128xf32>
    %slice3A = vector.extract_strided_slice %get3A_1 {offsets = [0, 0], sizes = [1000, 1], strides = [1, 1]} : vector<1000x128xf32> to vector<1000x1xf32>
    %add3A = arith.constant 1.000000e+00 : f32
    %add3A_2 = vector.broadcast %add3A : f32 to vector<1000x1xf32>
    %add3A_3 = arith.addf %slice3A, %add3A_2 : vector<1000x1xf32>
    %rsqrt3A = math.rsqrt %add3A_3 : vector<1000x1xf32>
    %get3A_4 = arith.constant 0 : index
    %get3A_5 = arith.constant 0 : index
    %get3A_6 = vector.load %arg1[%get3A_4, %get3A_5] : memref<1000x128xf32, #tpu.memory_space<vmem>>, vector<1000x128xf32>
    %get3A_7 = arith.constant 0 : index
    %get3A_8 = arith.constant 0 : index
    %get3A_9 = vector.load %arg2[%get3A_7, %get3A_8] : memref<1000x128xf32, #tpu.memory_space<vmem>>, vector<1000x128xf32>
    %add3A_10 = arith.addf %get3A_6, %get3A_9 : vector<1000x128xf32>
    %mul3A = vector.broadcast %rsqrt3A : vector<1000x1xf32> to vector<1000x128xf32>
    %mul3A_11 = arith.mulf %add3A_10, %mul3A : vector<1000x128xf32>
    %get3A_12 = arith.constant 0 : index
    %get3A_13 = arith.constant 0 : index
    %get3A_14 = vector.load %arg4[%get3A_12, %get3A_13] : memref<128x128xf32, #tpu.memory_space<vmem>>, vector<128x128xf32>
    %dot_general3A = arith.constant dense<0.000000e+00> : vector<1000x128xf32>
    %dot_general3A_15 = tpu.matmul %mul3A_11, %get3A_14, %dot_general3A {dimension_numbers = #tpu.dot_dimension_numbers<[1], [0], [0], [1], [0, 0, 1, 1], [], []>, transpose_lhs_hint = false} : vector<1000x128xf32>, vector<128x128xf32>, vector<1000x128xf32> -> vector<1000x128xf32>
    %get3A_16 = arith.constant 0 : index
    %get3A_17 = arith.constant 0 : index
    %get3A_18 = vector.load %arg5[%get3A_16, %get3A_17] : memref<1x128xf32, #tpu.memory_space<vmem>>, vector<1x128xf32>
    %add3A_19 = vector.broadcast %get3A_18 : vector<1x128xf32> to vector<1000x128xf32>
    %add3A_20 = arith.addf %dot_general3A_15, %add3A_19 : vector<1000x128xf32>
    %swap3A = arith.constant 0 : index
    %swap3A_21 = arith.constant 0 : index
    %swap3A_22 = vector.load %arg10[%swap3A, %swap3A_21] : memref<1000x128xf32, #tpu.memory_space<vmem>>, vector<1000x128xf32>
    tpu.vector_store %arg10[%swap3A, %swap3A_21], %add3A_20 {strides = array<i32>} : memref<1000x128xf32, #tpu.memory_space<vmem>>, vector<1000x128xf32>,
    %max3A = arith.constant 0.000000e+00 : f32
    %max3A_23 = vector.broadcast %max3A : f32 to vector<1000x128xf32>
    %max3A_24 = arith.maximumf %add3A_20, %max3A_23 : vector<1000x128xf32>
    %get3A_25 = arith.constant 0 : index
    %get3A_26 = arith.constant 0 : index
    %get3A_27 = vector.load %arg6[%get3A_25, %get3A_26] : memref<128x128xf32, #tpu.memory_space<vmem>>, vector<128x128xf32>
    %dot_general3A_28 = arith.constant dense<0.000000e+00> : vector<1000x128xf32>
    %dot_general3A_29 = tpu.matmul %max3A_24, %get3A_27, %dot_general3A_28 {dimension_numbers = #tpu.dot_dimension_numbers<[1], [0], [0], [1], [0, 0, 1, 1], [], []>, transpose_lhs_hint = false} : vector<1000x128xf32>, vector<128x128xf32>, vector<1000x128xf32> -> vector<1000x128xf32>
    %get3A_30 = arith.constant 0 : index
    %get3A_31 = arith.constant 0 : index
    %get3A_32 = vector.load %arg7[%get3A_30, %get3A_31] : memref<1x128xf32, #tpu.memory_space<vmem>>, vector<1x128xf32>
    %add3A_33 = vector.broadcast %get3A_32 : vector<1x128xf32> to vector<1000x128xf32>
    %add3A_34 = arith.addf %dot_general3A_29, %add3A_33 : vector<1000x128xf32>
    %get3A_35 = arith.constant 0 : index
    %get3A_36 = arith.constant 0 : index
    %get3A_37 = vector.load %arg8[%get3A_35, %get3A_36] : memref<128x128xf32, #tpu.memory_space<vmem>>, vector<128x128xf32>
    %dot_general3A_38 = arith.constant dense<0.000000e+00> : vector<1000x128xf32>
    %dot_general3A_39 = tpu.matmul %add3A_34, %get3A_37, %dot_general3A_38 {dimension_numbers = #tpu.dot_dimension_numbers<[1], [0], [0], [1], [0, 0, 1, 1], [], []>, transpose_lhs_hint = false} : vector<1000x128xf32>, vector<128x128xf32>, vector<1000x128xf32> -> vector<1000x128xf32>
    %get3A_40 = arith.constant 0 : index
    %get3A_41 = arith.constant 0 : index
    %get3A_42 = vector.load %arg9[%get3A_40, %get3A_41] : memref<1x128xf32, #tpu.memory_space<vmem>>, vector<1x128xf32>
    %add3A_43 = vector.broadcast %get3A_42 : vector<1x128xf32> to vector<1000x128xf32>
    %add3A_44 = arith.addf %dot_general3A_39, %add3A_43 : vector<1000x128xf32>
    %reduce_max3A = arith.constant dense<0xFF800000> : vector<1000xf32>
    %reduce_max3A_45 = vector.multi_reduction <maximumf>, %add3A_44, %reduce_max3A [1] : vector<1000x128xf32> to vector<1000xf32>
    %broadcast_in_dim3A = vector.shape_cast %reduce_max3A_45 : vector<1000xf32> to vector<1000x1xf32>
    %sub3A = vector.broadcast %broadcast_in_dim3A : vector<1000x1xf32> to vector<1000x128xf32>
    %sub3A_46 = arith.subf %add3A_44, %sub3A : vector<1000x128xf32>
    %exp3A = math.exp %sub3A_46 : vector<1000x128xf32>
    %reduce_sum3A = arith.constant dense<0.000000e+00> : vector<1000xf32>
    %reduce_sum3A_47 = vector.multi_reduction <add>, %exp3A, %reduce_sum3A [1] : vector<1000x128xf32> to vector<1000xf32>
    %broadcast_in_dim3A_48 = vector.shape_cast %reduce_sum3A_47 : vector<1000xf32> to vector<1000x1xf32>
    %log3A = math.log %broadcast_in_dim3A_48 : vector<1000x1xf32>
    %add3A_49 = arith.addf %log3A, %broadcast_in_dim3A : vector<1000x1xf32>
    %sub3A_50 = vector.broadcast %add3A_49 : vector<1000x1xf32> to vector<1000x128xf32>
    %sub3A_51 = arith.subf %add3A_44, %sub3A_50 : vector<1000x128xf32>
    %swap3A_52 = arith.constant 0 : index
    %swap3A_53 = arith.constant 0 : index
    %swap3A_54 = vector.load %arg11[%swap3A_52, %swap3A_53] : memref<1000x128xf32, #tpu.memory_space<vmem>>, vector<1000x128xf32>
    tpu.vector_store %arg11[%swap3A_52, %swap3A_53], %sub3A_51 {strides = array<i32>} : memref<1000x128xf32, #tpu.memory_space<vmem>>, vector<1000x128xf32>,
    return
  }
  func.func @transform_0(%arg0: i32) -> (i32, i32) {
    %c0_i32 = arith.constant 0 : i32
    %c0_i32_0 = arith.constant 0 : i32
    return %arg0, %c0_i32 : i32, i32
  }
  func.func @transform_1(%arg0: i32) -> (i32, i32) {
    %c0_i32 = arith.constant 0 : i32
    %c0_i32_0 = arith.constant 0 : i32
    return %arg0, %c0_i32 : i32, i32
  }
  func.func @transform_2(%arg0: i32) -> (i32, i32) {
    %c0_i32 = arith.constant 0 : i32
    %c0_i32_0 = arith.constant 0 : i32
    return %arg0, %c0_i32 : i32, i32
  }
  func.func @transform_3(%arg0: i32) -> (i32, i32) {
    %c0_i32 = arith.constant 0 : i32
    %c0_i32_0 = arith.constant 0 : i32
    %c0_i32_1 = arith.constant 0 : i32
    return %c0_i32, %c0_i32_0 : i32, i32
  }
  func.func @transform_4(%arg0: i32) -> (i32, i32) {
    %c0_i32 = arith.constant 0 : i32
    %c0_i32_0 = arith.constant 0 : i32
    %c0_i32_1 = arith.constant 0 : i32
    return %c0_i32, %c0_i32_0 : i32, i32
  }
  func.func @transform_5(%arg0: i32) -> (i32, i32) {
    %c0_i32 = arith.constant 0 : i32
    %c0_i32_0 = arith.constant 0 : i32
    %c0_i32_1 = arith.constant 0 : i32
    return %c0_i32, %c0_i32_0 : i32, i32
  }
  func.func @transform_6(%arg0: i32) -> (i32, i32) {
    %c0_i32 = arith.constant 0 : i32
    %c0_i32_0 = arith.constant 0 : i32
    %c0_i32_1 = arith.constant 0 : i32
    return %c0_i32, %c0_i32_0 : i32, i32
  }
  func.func @transform_7(%arg0: i32) -> (i32, i32) {
    %c0_i32 = arith.constant 0 : i32
    %c0_i32_0 = arith.constant 0 : i32
    %c0_i32_1 = arith.constant 0 : i32
    return %c0_i32, %c0_i32_0 : i32, i32
  }
  func.func @transform_8(%arg0: i32) -> (i32, i32) {
    %c0_i32 = arith.constant 0 : i32
    %c0_i32_0 = arith.constant 0 : i32
    %c0_i32_1 = arith.constant 0 : i32
    return %c0_i32, %c0_i32_0 : i32, i32
  }
  func.func @transform_9(%arg0: i32) -> (i32, i32) {
    %c0_i32 = arith.constant 0 : i32
    %c0_i32_0 = arith.constant 0 : i32
    return %arg0, %c0_i32 : i32, i32
  }
  func.func @transform_10(%arg0: i32) -> (i32, i32) {
    %c0_i32 = arith.constant 0 : i32
    %c0_i32_0 = arith.constant 0 : i32
    return %arg0, %c0_i32 : i32, i32
  }
}

</mosaic_0001>

<sc_bundles>
// kernel: kernel.11.cloned.1.call-start
scs
__scs_entry_jumppad:
0x0: {  	(pc) =	sbr.rel $0x88, $3  }
0x1: {  	(tag) =	ssettag $0x0;
	lr =	simm.s32 $0x1  }
0x2: {  	[smem:$0x3F97] =	sst lr;
	_ =	strace $0xD0000000  }
0x3: {  	_ = 	snop  }
0x4: {  	_ = 	snop  }
0x5: {  	_ = 	snop  }
0x6: {  	_ = 	snop  }
0x7: {  	_ = 	snop  }
__scs_overlays_trampoline_lowered:
0x8: {  	[smem:$0x3FA6] =	sst s0  }
0x9: {  	[smem:$0x3FA7] =	sst s1  }
0xa: {  	[smem:$0x3FA8] =	sst s2  }
0xb: {  	[smem:$0x3FA9] =	sst s3  }
0xc: {  	[smem:$0x3FAA] =	sst s4  }
0xd: {  	[smem:$0x3FAB] =	sst s5  }
0xe: {  	[smem:$0x3FAC] =	sst s6  }
0xf: {  	[smem:$0x3FAD] =	sst s7  }
0x10: {  	[smem:$0x3FAE] =	sst s8  }
0x11: {  	[smem:$0x3FAF] =	sst s9;
	s0 =	simm.s32 @!p0 $0x0  }
0x12: {  	s1 =	sld [smem:$0x3F95];
	s0 =	simm.s32 @p0 $0x1  }
0x13: {  	[smem:$0x3FB0] =	sst s0;
	s0 =	simm.s32 @!p1 $0x0  }
0x14: {  	s2 =	sld [smem:$0x3F94];
	s0 =	simm.s32 @p1 $0x1  }
0x15: {  	[smem:$0x3FB1] =	sst s0;
	s0 =	simm.s32 @!p2 $0x0  }
0x16: {  	s3 =	sld [smem:$0x3FDB];
	s0 =	simm.s32 @p2 $0x1  }
0x17: {  	s4 =	simm.s32 $0x1BF5;
	[smem:$0x3FB3] =	sst s0  }
0x18: {  	s0 =	sld [smem:$0x3F96];
	_ =	swait.ge [sflag:s4], $0x0  }
0x19: {  	s7 =	sld [smem:$0x3F97]  }
0x1a: {  	s8 =	sadd.s32 $0xFFFFE003, lr  }
0x1b: {  	s9 =	sadd.s32 $0xFFFFFEF7, lr;
	s5 =	simm.s32 $0xFFFFFFFF;
	p2 =	slt.u32 s8, $0xFFFFF086  }
0x1c: {  	p1 =	slt.u32 s9, $0xF7A;
	s5 =	simm.s32 @!p2 $0x0  }
0x1d: {  	s5 =	simm.s32 @p1 $0x1;
	p0 =	seq.s32 s7, s2  }
0x1e: {  	s7 =	smul.u32 @!p0 $0xF7A, s2;
	p2 =	seq.s32 @!p0 s5, $0x0  }
0x1f: {  	s9 =	smul.u32 $0xF7A, s1;
	s8 =	simm.s32 @!p0 $0x1BF5;
	p2 =	por !p2, p0  }
0x20: {  	[sflag:s8] =	ssyncset.s32 @!p0 $0xFFFFF086;
	s6 =	sadd.s32 @!p0 s3, s7;
	s7 =	simm.s32 @!p0 $0x108  }
0x21: {  	s3 =	sadd.s32 s3, s9;
	s6 =	sadd.s32 @!p0 $0x88, s6;
	s7 =	simm.s32 @p2 $0x1082  }
0x22: {  	[simem:s7], [sflag:s8] =	dma.local @!p0 [hbm:s6], $0xF7A  }
0x23: {  	s9 =	sor.u32 $0xD0000000, s2;
	s6 =	simm.s32 $0x108;
	_ =	swait.ge @!p0 [sflag:s8], $0x0  }
0x24: {  	s3 =	sadd.s32 $0x88, s3;
	s6 =	simm.s32 @!p1 $0x1082;
	[sflag:s4] =	ssyncset.s32 $0xFFFFF086  }
0x25: {  	[simem:s6], [sflag:s4] =	dma.local [hbm:s3], $0xF7A  }
0x26: {  	[smem:$0x3F97] =	sst s1;
	(tag) =	ssettag s2;
	_ =	strace s9  }
0x27: {  	s1 =	sld [smem:$0x3FA7]  }
0x28: {  	s2 =	sld [smem:$0x3FA8]  }
0x29: {  	s4 =	sld [smem:$0x3FAA]  }
0x2a: {  	p0 =	seq.s32 s5, $0x0;
	s5 =	sld [smem:$0x3FAB]  }
0x2b: {  	s6 =	sld [smem:$0x3FAC]  }
0x2c: {  	s7 =	sld [smem:$0x3FAD]  }
0x2d: {  	s3 =	simm.s32 $0x108;
	s8 =	sld [smem:$0x3FAE]  }
0x2e: {  	s3 =	simm.s32 @!p0 $0x1082;
	s9 =	sld [smem:$0x3FAF]  }
0x2f: {  	lr =	sadd.s32 s0, s3;
	s0 =	sld [smem:$0x3FA6]  }
0x30: {  	s3 =	sld [smem:$0x3FA9]  }
0x31: {  	[smem:$0x3FB2] =	sst s10  }
0x32: {  	s10 =	sld [smem:$0x3FB0];
	_ =	sdelay $0x3  }
0x33: {  	p0 =	seq.s32 s10, $0x1;
	s10 =	sld [smem:$0x3FB2];
	_ =	sdelay $0x3  }
0x34: {  	[smem:$0x3FB2] =	sst s10  }
0x35: {  	s10 =	sld [smem:$0x3FB1];
	_ =	sdelay $0x3  }
0x36: {  	p1 =	seq.s32 s10, $0x1;
	s10 =	sld [smem:$0x3FB2];
	_ =	sdelay $0x3  }
0x37: {  	[smem:$0x3FB2] =	sst s10  }
0x38: {  	s10 =	sld [smem:$0x3FB3]  }
0x39: {  	_ = 	snop;
	(pc) =	sbr.ind lr, $3  }
0x3a: {  	_ = 	snop  }
0x3b: {  	_ = 	snop  }
0x3c: {  	p2 =	seq.s32 s10, $0x1;
	s10 =	sld [smem:$0x3FB2]  }
0x3d: {  	_ =	shalt  }
0x3e: {  	_ =	shalt  }
0x3f: {  	_ =	shalt  }
0x40: {  	_ =	shalt  }
0x41: {  	_ =	shalt  }
0x42: {  	_ =	shalt  }
0x43: {  	_ =	shalt  }
0x44: {  	_ =	shalt  }
0x45: {  	_ =	shalt  }
0x46: {  	_ =	shalt  }
0x47: {  	_ =	shalt  }
0x48: {  	_ =	shalt  }
0x49: {  	_ =	shalt  }
0x4a: {  	_ =	shalt  }
0x4b: {  	_ =	shalt  }
0x4c: {  	_ =	shalt  }
0x4d: {  	_ =	shalt  }
0x4e: {  	_ =	shalt  }
0x4f: {  	_ =	shalt  }
0x50: {  	_ =	shalt  }
0x51: {  	_ =	shalt  }
0x52: {  	_ =	shalt  }
0x53: {  	_ =	shalt  }
0x54: {  	_ =	shalt  }
0x55: {  	_ =	shalt  }
0x56: {  	_ =	shalt  }
0x57: {  	_ =	shalt  }
0x58: {  	_ =	shalt  }
0x59: {  	_ =	shalt  }
0x5a: {  	_ =	shalt  }
0x5b: {  	_ =	shalt  }
0x5c: {  	_ =	shalt  }
0x5d: {  	_ =	shalt  }
0x5e: {  	_ =	shalt  }
0x5f: {  	_ =	shalt  }
0x60: {  	_ =	shalt  }
0x61: {  	_ =	shalt  }
0x62: {  	_ =	shalt  }
0x63: {  	_ =	shalt  }
0x64: {  	_ =	shalt  }
0x65: {  	_ =	shalt  }
0x66: {  	_ =	shalt  }
0x67: {  	_ =	shalt  }
0x68: {  	_ =	shalt  }
0x69: {  	_ =	shalt  }
0x6a: {  	_ =	shalt  }
0x6b: {  	_ =	shalt  }
0x6c: {  	_ =	shalt  }
0x6d: {  	_ =	shalt  }
0x6e: {  	_ =	shalt  }
0x6f: {  	_ =	shalt  }
0x70: {  	_ =	shalt  }
0x71: {  	_ =	shalt  }
0x72: {  	_ =	shalt  }
0x73: {  	_ =	shalt  }
0x74: {  	_ =	shalt  }
0x75: {  	_ =	shalt  }
0x76: {  	_ =	shalt  }
0x77: {  	_ =	shalt  }
0x78: {  	_ =	shalt  }
0x79: {  	_ =	shalt  }
0x7a: {  	_ =	shalt  }
0x7b: {  	_ =	shalt  }
0x7c: {  	_ =	shalt  }
0x7d: {  	_ =	shalt  }
0x7e: {  	_ =	shalt  }
0x7f: {  	_ =	shalt  }
0x80: {  	_ =	shalt  }
0x81: {  	_ =	shalt  }
0x82: {  	_ =	shalt  }
0x83: {  	_ =	shalt  }
0x84: {  	_ =	shalt  }
0x85: {  	_ =	shalt  }
0x86: {  	_ =	shalt  }
0x87: {  	_ =	shalt  }
.Lfunc_end0:
.L_simem_size_0:
called_computation.1_lowered:
.L_overlay_start_0:
0x88: {  	s0 =	sld [smem:$0x3FD9]  }
0x89: {  	s1 =	sld [smem:$0x3FFE];
	_ =	sdelay $0x3  }
0x8a: {  	s0 =	sadd.s32 s1, s0  }
0x8b: {  	[smem:$0x3FBE] =	sst s0  }
0x8c: {  	_ = 	snop  }
0x8d: {  	s0 =	sld [smem:$0x3FD0];
	_ =	sdelay $0x2  }
0x8e: {  	s13 =	simm.s32 $0xA;
	s2 =	simm.s32 $0x10  }
0x8f: {  	[smem:s2], [sflag:s13] =	dma.local [hbm:s0], $0x1  }
0x90: {  	_ =	swait.eq [sflag:s13], $0x1  }
0x91: {  	[sflag:s13] =	ssyncset.done $0x0  }
0x92: {  	s14 =	sld [smem:$0x11];
	[sflag:s13] =	ssyncadd.s32 $0xFFFFFFFF  }
0x93: {  	s15 =	sld [smem:$0x12];
	(tm) =	ssettm $0x1  }
0x94: {  	s16 =	sld [smem:$0x3FFB];
	_ =	sdelay $0x3  }
0x95: {  	_ =	strace s16  }
0x96: {  	s2 =	sld [smem:$0x3FFC];
	_ =	sdelay $0x3  }
0x97: {  	_ =	strace s2  }
0x98: {  	s2 =	sld [smem:$0x3FFD];
	_ =	sdelay $0x3  }
0x99: {  	_ =	strace s2  }
0x9a: {  	_ =	strace $0x8FFFFFFF  }
0x9b: {  	s17 =	sld [smem:$0x3FDB];
	_ =	sdelay $0x1  }
0x9c: {  	s3 =	simm.s32 $_scs_section_size  }
0x9d: {  	s4 =	simm.s32 $_size__tile_overlayer_lowered;
	s5 =	simm.s32 $_tile_overlayer_lowered  }
0x9e: {  	s20 =	simm.s32 $0x1BFF;
	s19 =	sshll.u32 s5, $0x1;
	s2 =	sadd.s32 s3, s17  }
0x9f: {  	s6 =	simm.s32 $0x0;
	s18 =	sshll.u32 s4, $0x1;
	s4 =	sadd.s32 s19, s2  }
0xa0: {  	[timem:s6], [sflag:s20] =	dma.local [hbm:s4], s18  }
0xa1: {  	_ =	swait.ge [sflag:s20], s18  }
0xa2: {  	s3 =	ssub.s32 $0x0, s18;
	[sflag:s20] =	ssyncset.done $0x0  }
0xa3: {  	[sflag:s20] =	ssyncadd.s32 s3;
	_ =	sdelay $0x1  }
0xa4: {  	s21 =	simm.s32 $0x1B8B  }
0xa5: {  	_ =	swait.ge [sflag:s21], $0x1  }
0xa6: {  	[sflag:s21] =	ssyncset.done $0x0  }
0xa7: {  	s23 =	simm.s32 $0x1B8E;
	s22 =	sld [smem:$0x3FFE];
	[sflag:s21] =	ssyncadd.s32 $0xFFFFFFFF  }
0xa8: {  	s24 =	simm.s32 $execute0_lowered;
	[smem:$0x3FD2] =	sst s23  }
0xa9: {  	s4 =	sshll.u32 s24, $0x1;
	_ =	strace $0x80000049;
	[dreg:$0x1] =	wrdreg $0xFFFFFFFF  }
0xaa: {  	s25 =	simm.s32 $_size_execute0_lowered;
	s2 =	sadd.s32 s2, s4;
	[dreg:$0x0] =	wrdreg $0x0  }
0xab: {  	s4 =	sshll.u32 s25, $0x1;
	[dreg:$0x2] =	wrdreg s2  }
0xac: {  	[dreg:$0x3] =	wrdreg s4  }
0xad: {  	[dreg:$0x4] =	wrdreg $0xC0  }
0xae: {  	_ =	task [dreg:s6], $0x5FFFF  }
0xaf: {  	[dreg:$0x1] =	wrdreg $0xFFFFFFFF  }
0xb0: {  	[dreg:$0x0] =	wrdreg $0x60  }
0xb1: {  	[dreg:$0x2] =	wrdreg s15  }
0xb2: {  	[dreg:$0x3] =	wrdreg s22  }
0xb3: {  	[dreg:$0x4] =	wrdreg s14  }
0xb4: {  	[dreg:$0x5] =	wrdreg $0xA8000  }
0xb5: {  	[dreg:$0x6] =	wrdreg $0x9  }
0xb6: {  	_ =	task.clear_ibuf [dreg:s6], $0x7FFFF;
	_ =	strace $0x90000049  }
0xb7: {  	s26 =	simm.s32 $0x9;
	_ =	strace $0x8000004B  }
0xb8: {  	_ =	swait.ge [sflag:s26], $0x1  }
0xb9: {  	[sflag:s26] =	ssyncadd.s32 $0xFFFFFFFF  }
0xba: {  	_ =	strace $0x9000004B  }
0xbb: {  	_ =	sfence  }
0xbc: {  	s28 =	sld [smem:$0x0];
	_ =	sdelay $0x1  }
0xbd: {  	s29 =	srdreg.scid  }
0xbe: {  	s30 =	sshll.u32 s29, $0xD;
	s31 =	sshrl.u32 s29, $0x2  }
0xbf: {  	s1 =	sand.u32 $0x1, s29;
	s2 =	sand.u32 $0x4000, s30;
	s0 =	sadd.s32 s31, s28  }
0xc0: {  	s1 =	sor.u32 s2, s1;
	s0 =	sshll.u32 s0, $0x11  }
0xc1: {  	s0 =	sor.u32 s0, s1  }
0xc2: {  	s0 =	sadd.s32 $0x8F2B, s0  }
0xc3: {  	[sflag:s0] =	ssyncadd.remote.s32 $0x1  }
0xc4: {  	_ =	sfence.sel $0xFFFF  }
0xc5: {  	[dreg:$0x0] =	wrdreg $0xFFFFFFFF;
	(pc) =	sbr.abs _section_cstart, $3  }
0xc6: {  	[dreg:$0x1] =	wrdreg $0xFFFFFFFF  }
0xc7: {  	_ =	task.clear_ibuf [dreg:s6], $0x2FFFF;
	_ =	strace $0x9FFFFFFF  }
0xc8: {  	(tm) =	ssettm $0x7FFFFFFF  }
0xc9: {  	_ =	shalt  }
tec
execute0_lowered:
.L_overlay_start_1:
0x0: {  	(tag) =	ssettag $0x1  }
0x1: {  	s4 =	rddreg [dreg:$0x0]  }
0x2: {  	s9 =	rddreg [dreg:$0x1]  }
0x3: {  	s7 =	rddreg [dreg:$0x2]  }
0x4: {  	s2 =	rddreg [dreg:$0x3];
	s1 =	stileid.u32  }
0x5: {  	s0 =	rddreg [dreg:$0x4];
	s10 =	simm.s32 $0x0;
	s3 =	smul.u32 $0x4E000, s1  }
0x6: {  	s13 =	simm.s32 $0x3;
	[smem:$0x7FF] =	sst s10  }
0x7: {  	s8 =	smul.u32 $0x2700, s1;
	s6 =	sadd.s32 $0x17C00, s9;
	s3 =	sshrl.u32 s3, $0x2  }
0x8: {  	s18 =	sshll.u32 s1, $0x6;
	_ =	strace $0x8000004A;
	s5 =	sadd.s32 s3, s2  }
0x9: {  	s11 =	sadd.s32 s6, s8;
	s3 =	sor.u32 $0x1C03, s18;
	s5 =	sshrl.u32 s5, $0x3  }
0xa: {  	[spmem:s5], [sflag:s3] =	dma.local [hbm:s11], $0x2700  }
0xb: {  	p0 =	sne.s32 s1, $0xF;
	_ =	swait.ge [sflag:s13], $0x2700  }
0xc: {  	s12 =	sadd.s32 @!p0 $0x27000, s6;
	s11 =	sadd.s32 $0x138000, s2;
	[sflag:s13] =	ssyncset.done $0x0  }
0xd: {  	s6 =	sshrl.u32 @!p0 s11, $0x3;
	s11 =	simm.s32 @!p0 $0x3;
	[sflag:s13] =	ssyncadd.s32 $0xFFFFD900  }
0xe: {  	[spmem:s6], [sflag:s3] =	dma.local @!p0 [hbm:s12], $0x180  }
0xf: {  	s19 =	smul.u32 $0x5000, s1;
	_ =	swait.ge @!p0 [sflag:s11], $0x180  }
0x10: {  	[sflag:s11] =	ssyncset.done @!p0 $0x0  }
0x11: {  	s21 =	sadd.s32 $0xDC00, s9;
	s22 =	sshrl.u32 s19, $0x3;
	[sflag:s11] =	ssyncadd.s32 @!p0 $0xFFFFFE80  }
0x12: {  	s23 =	simm.s32 $0x1400;
	s20 =	sadd.s32 s21, s22;
	[bflag:$0x0] =	sbarrier.arrive $0xFFFF  }
0x13: {  	[tilespmem:s23], [sflag:$0x3] =	stream.linear.gather [hbm4b:s20+s10], $0x1400, $0x38;
	[tilespmem:$0x1E0C0] =	vst v63  }
0x14: {  	_ =	swait.ge [sflag:s13], $0x1400  }
0x15: {  	s9 =	sadd.s32 $0x3C00, s9;
	[sflag:s13] =	ssyncset.done $0x0  }
0x16: {  	s24 =	sadd.s32 s9, s22;
	[sflag:s13] =	ssyncadd.s32 $0xFFFFEC00  }
0x17: {  	[tilespmem:s10], [sflag:$0x3] =	stream.linear.gather [hbm4b:s24+s10], $0x1400, $0x38;
	[tilespmem:$0x1E0C0] =	vst v63  }
0x18: {  	_ =	swait.ge [sflag:s13], $0x1400  }
0x19: {  	s14 =	simm.s32 $0x80;
	[sflag:s13] =	ssyncset.done $0x0  }
0x1a: {  	s25 =	simm.s32 $0x1400;
	s18 =	simm.s32 $0x2800;
	[sflag:s13] =	ssyncadd.s32 $0xFFFFEC00  }
0x1b: {  	[tilespmem:s18], [sflag:$0x1] =	stream.indirect.gather [hbm4b:s4+s14], $0x80, s25, s14, $0xb8;
	[tilespmem:$0x1E0C0] =	vst v63  }
0x1c: {  	s15 =	simm.s32 $0x6800;
	s26 =	simm.s32 $0x1480;
	s19 =	simm.s32 $0x1  }
0x1d: {  	[tilespmem:s15], [sflag:$0x2] =	stream.indirect.gather [hbm4b:s4+s14], $0x80, s26, s14, $0xb8;
	[tilespmem:$0x1E0C0] =	vst v63  }
0x1e: {  	_ =	swait.ge [sflag:s19], $0x4000  }
0x1f: {  	[sflag:s19] =	ssyncset.done $0x0  }
0x20: {  	s28 =	simm.s32 $0x0;
	[sflag:s19] =	ssyncadd.s32 $0xFFFFC000  }
0x21: {  	[spmem:s2] =	stream.indirect.scatter.add.f32 [tilespmem:s18], [sflag:$0x3], $0x80, s28, s14, $0xb8;
	[tilespmem:$0x1E0C0] =	vst v63  }
0x22: {  	s31 =	simm.s32 $0x80;
	_ =	swait.ge [sflag:s13], $0x4000  }
0x23: {  	s8 =	sadd.s32 s7, s8;
	s7 =	sadd.s32 $0x27000, s7;
	[sflag:s13] =	ssyncset.done $0x0  }
0x24: {  	s29 =	sadd.s32 $0x280, s22;
	s20 =	simm.s32 $0x2;
	[sflag:s13] =	ssyncadd.s32 $0xFFFFC000  }
0x25: {  	s30 =	sadd.s32 $0x500, s22;
	s22 =	sadd.s32 $0x780, s22;
	_ =	swait.ge [sflag:s20], $0x4000  }
0x26: {  	s17 =	sadd.s32 s21, s29;
	s16 =	sadd.s32 s9, s29;
	[sflag:s20] =	ssyncset.done $0x0  }
0x27: {  	s12 =	sadd.s32 s21, s30;
	s11 =	sadd.s32 s9, s30;
	[sflag:s20] =	ssyncadd.s32 $0xFFFFC000  }
0x28: {  	[spmem:s2] =	stream.indirect.scatter.add.f32 [tilespmem:s15], [sflag:$0x3], $0x80, s31, s14, $0xb8;
	[tilespmem:$0x1E0C0] =	vst v63  }
0x29: {  	s9 =	sadd.s32 s9, s22;
	s10 =	sadd.s32 s21, s22;
	_ =	swait.ge [sflag:s13], $0x4000  }
0x2a: {  	s22 =	simm.s32 $0x800;
	s21 =	simm.s32 $0x100;
	[sflag:s13] =	ssyncset.done $0x0  }
.LBB2_1:
0x2b: {  	s23 =	sadd.s32 $0x1400, s21  }
0x2c: {  	[sflag:s13] =	ssyncadd.s32 $0xFFFFC000;
	s24 =	smov.u32 s22;
	s25 =	sadd.s32 $0x400, s22  }
0x2d: {  	[tilespmem:s18], [sflag:$0x1] =	stream.indirect.gather [hbm4b:s4+s14], $0x80, s23, s14, $0xb8;
	[tilespmem:$0x1E0C0] =	vst v63  }
0x2e: {  	p1 =	sne.s32 s22, $0x4C00;
	s22 =	sadd.s32 $0x1480, s21  }
0x2f: {  	[tilespmem:s15], [sflag:$0x2] =	stream.indirect.gather [hbm4b:s4+s14], $0x80, s22, s14, $0xb8;
	[tilespmem:$0x1E0C0] =	vst v63  }
0x30: {  	_ =	swait.ge [sflag:s19], $0x4000  }
0x31: {  	[sflag:s19] =	ssyncset.done $0x0  }
0x32: {  	[sflag:s19] =	ssyncadd.s32 $0xFFFFC000  }
0x33: {  	[spmem:s2] =	stream.indirect.scatter.add.f32 [tilespmem:s18], [sflag:$0x3], $0x80, s21, s14, $0xb8;
	[tilespmem:$0x1E0C0] =	vst v63  }
0x34: {  	_ =	swait.ge [sflag:s13], $0x4000  }
0x35: {  	[sflag:s13] =	ssyncset.done $0x0  }
0x36: {  	[sflag:s13] =	ssyncadd.s32 $0xFFFFC000  }
0x37: {  	_ =	swait.ge [sflag:s20], $0x4000  }
.Ltmp0:
0x38: {  	[sflag:s20] =	ssyncset.done $0x0;
	(pc) =	sbr.rel @p1 .LBB2_1-.Ltmp0, $4  }
0x39: {  	s21 =	sadd.s32 $0x80, s21;
	[sflag:s20] =	ssyncadd.s32 $0xFFFFC000  }
0x3a: {  	[spmem:s2] =	stream.indirect.scatter.add.f32 [tilespmem:s15], [sflag:$0x3], $0x80, s21, s14, $0xb8;
	[tilespmem:$0x1E0C0] =	vst v63  }
0x3b: {  	_ =	swait.ge [sflag:s13], $0x4000  }
0x3c: {  	s22 =	smov.u32 s25;
	s21 =	sshra.s32 s24, $0x2;
	[sflag:s13] =	ssyncset.done $0x0  }
0x3d: {  	s22 =	sadd.s32 $0x1400, s21;
	[sflag:s13] =	ssyncadd.s32 $0xFFFFC000  }
0x3e: {  	[tilespmem:s18], [sflag:$0x1] =	stream.indirect.gather [hbm4b:s4+s14], $0x80, s22, s14, $0xb8;
	[tilespmem:$0x1E0C0] =	vst v63  }
0x3f: {  	s23 =	sadd.s32 $0x1480, s21  }
0x40: {  	[tilespmem:s15], [sflag:$0x2] =	stream.indirect.gather [hbm4b:s4+s14], $0x80, s23, s14, $0xb8;
	[tilespmem:$0x1E0C0] =	vst v63  }
0x41: {  	_ =	swait.ge [sflag:s19], $0x4000  }
0x42: {  	[sflag:s19] =	ssyncset.done $0x0  }
0x43: {  	[sflag:s19] =	ssyncadd.s32 $0xFFFFC000  }
0x44: {  	[spmem:s2] =	stream.indirect.scatter.add.f32 [tilespmem:s18], [sflag:$0x3], $0x80, s21, s14, $0xb8;
	[tilespmem:$0x1E0C0] =	vst v63  }
0x45: {  	_ =	swait.ge [sflag:s13], $0x4000  }
0x46: {  	[sflag:s13] =	ssyncset.done $0x0  }
0x47: {  	[sflag:s13] =	ssyncadd.s32 $0xFFFFC000  }
0x48: {  	_ =	swait.ge [sflag:s20], $0x4000  }
0x49: {  	[sflag:s20] =	ssyncset.done $0x0  }
0x4a: {  	s24 =	sadd.s32 $0x80, s21;
	[sflag:s20] =	ssyncadd.s32 $0xFFFFC000  }
0x4b: {  	[spmem:s2] =	stream.indirect.scatter.add.f32 [tilespmem:s15], [sflag:$0x3], $0x80, s24, s14, $0xb8;
	[tilespmem:$0x1E0C0] =	vst v63  }
0x4c: {  	_ =	swait.ge [sflag:s13], $0x4000  }
0x4d: {  	s25 =	simm.s32 $0x0;
	[sflag:s13] =	ssyncset.done $0x0  }
0x4e: {  	s26 =	simm.s32 $0x1400;
	[sflag:s13] =	ssyncadd.s32 $0xFFFFC000;
	s13 =	simm.s32 $0x3  }
0x4f: {  	[tilespmem:s26], [sflag:$0x3] =	stream.linear.gather [hbm4b:s17+s25], $0x1400, $0x38;
	[tilespmem:$0x1E0C0] =	vst v63  }
0x50: {  	_ =	swait.ge [sflag:s13], $0x1400  }
0x51: {  	[sflag:s13] =	ssyncset.done $0x0  }
0x52: {  	[sflag:s13] =	ssyncadd.s32 $0xFFFFEC00  }
0x53: {  	[tilespmem:s25], [sflag:$0x3] =	stream.linear.gather [hbm4b:s16+s25], $0x1400, $0x38;
	[tilespmem:$0x1E0C0] =	vst v63  }
0x54: {  	_ =	swait.ge [sflag:s13], $0x1400  }
0x55: {  	s28 =	simm.s32 $0x1400;
	[sflag:s13] =	ssyncset.done $0x0  }
0x56: {  	s14 =	simm.s32 $0x80;
	s16 =	simm.s32 $0x2800;
	[sflag:s13] =	ssyncadd.s32 $0xFFFFEC00  }
0x57: {  	[tilespmem:s16], [sflag:$0x1] =	stream.indirect.gather [hbm4b:s4+s14], $0x80, s28, s14, $0xb8;
	[tilespmem:$0x1E0C0] =	vst v63  }
0x58: {  	s29 =	simm.s32 $0x1480;
	s15 =	simm.s32 $0x6800;
	s17 =	simm.s32 $0x1  }
0x59: {  	[tilespmem:s15], [sflag:$0x2] =	stream.indirect.gather [hbm4b:s4+s14], $0x80, s29, s14, $0xb8;
	[tilespmem:$0x1E0C0] =	vst v63  }
0x5a: {  	_ =	swait.ge [sflag:s17], $0x4000  }
0x5b: {  	[sflag:s17] =	ssyncset.done $0x0  }
0x5c: {  	s30 =	simm.s32 $0x0;
	[sflag:s17] =	ssyncadd.s32 $0xFFFFC000  }
0x5d: {  	[spmem:s2] =	stream.indirect.scatter.add.f32 [tilespmem:s16], [sflag:$0x3], $0x80, s30, s14, $0xb8;
	[tilespmem:$0x1E0C0] =	vst v63  }
0x5e: {  	_ =	swait.ge [sflag:s13], $0x4000  }
0x5f: {  	[sflag:s13] =	ssyncset.done $0x0  }
0x60: {  	s18 =	simm.s32 $0x2;
	[sflag:s13] =	ssyncadd.s32 $0xFFFFC000  }
0x61: {  	_ =	swait.ge [sflag:s18], $0x4000  }
0x62: {  	[sflag:s18] =	ssyncset.done $0x0  }
0x63: {  	s31 =	simm.s32 $0x80;
	[sflag:s18] =	ssyncadd.s32 $0xFFFFC000  }
0x64: {  	[spmem:s2] =	stream.indirect.scatter.add.f32 [tilespmem:s15], [sflag:$0x3], $0x80, s31, s14, $0xb8;
	[tilespmem:$0x1E0C0] =	vst v63  }
0x65: {  	_ =	swait.ge [sflag:s13], $0x4000  }
0x66: {  	s19 =	simm.s32 $0x100;
	s20 =	simm.s32 $0x800;
	[sflag:s13] =	ssyncset.done $0x0  }
.LBB2_3:
0x67: {  	s21 =	sadd.s32 $0x1400, s19  }
0x68: {  	[sflag:s13] =	ssyncadd.s32 $0xFFFFC000;
	s22 =	smov.u32 s20;
	s23 =	sadd.s32 $0x400, s20  }
0x69: {  	[tilespmem:s16], [sflag:$0x1] =	stream.indirect.gather [hbm4b:s4+s14], $0x80, s21, s14, $0xb8;
	[tilespmem:$0x1E0C0] =	vst v63  }
0x6a: {  	p1 =	sne.s32 s20, $0x4C00;
	s20 =	sadd.s32 $0x1480, s19  }
0x6b: {  	[tilespmem:s15], [sflag:$0x2] =	stream.indirect.gather [hbm4b:s4+s14], $0x80, s20, s14, $0xb8;
	[tilespmem:$0x1E0C0] =	vst v63  }
0x6c: {  	_ =	swait.ge [sflag:s17], $0x4000  }
0x6d: {  	[sflag:s17] =	ssyncset.done $0x0  }
0x6e: {  	[sflag:s17] =	ssyncadd.s32 $0xFFFFC000  }
0x6f: {  	[spmem:s2] =	stream.indirect.scatter.add.f32 [tilespmem:s16], [sflag:$0x3], $0x80, s19, s14, $0xb8;
	[tilespmem:$0x1E0C0] =	vst v63  }
0x70: {  	_ =	swait.ge [sflag:s13], $0x4000  }
0x71: {  	[sflag:s13] =	ssyncset.done $0x0  }
0x72: {  	[sflag:s13] =	ssyncadd.s32 $0xFFFFC000  }
0x73: {  	_ =	swait.ge [sflag:s18], $0x4000  }
.Ltmp1:
0x74: {  	[sflag:s18] =	ssyncset.done $0x0;
	(pc) =	sbr.rel @p1 .LBB2_3-.Ltmp1, $4  }
0x75: {  	s19 =	sadd.s32 $0x80, s19;
	[sflag:s18] =	ssyncadd.s32 $0xFFFFC000  }
0x76: {  	[spmem:s2] =	stream.indirect.scatter.add.f32 [tilespmem:s15], [sflag:$0x3], $0x80, s19, s14, $0xb8;
	[tilespmem:$0x1E0C0] =	vst v63  }
0x77: {  	_ =	swait.ge [sflag:s13], $0x4000  }
0x78: {  	s20 =	smov.u32 s23;
	s19 =	sshra.s32 s22, $0x2;
	[sflag:s13] =	ssyncset.done $0x0  }
0x79: {  	s20 =	sadd.s32 $0x1400, s19;
	[sflag:s13] =	ssyncadd.s32 $0xFFFFC000  }
0x7a: {  	[tilespmem:s16], [sflag:$0x1] =	stream.indirect.gather [hbm4b:s4+s14], $0x80, s20, s14, $0xb8;
	[tilespmem:$0x1E0C0] =	vst v63  }
0x7b: {  	s23 =	sadd.s32 $0x1480, s19  }
0x7c: {  	[tilespmem:s15], [sflag:$0x2] =	stream.indirect.gather [hbm4b:s4+s14], $0x80, s23, s14, $0xb8;
	[tilespmem:$0x1E0C0] =	vst v63  }
0x7d: {  	_ =	swait.ge [sflag:s17], $0x4000  }
0x7e: {  	[sflag:s17] =	ssyncset.done $0x0  }
0x7f: {  	[sflag:s17] =	ssyncadd.s32 $0xFFFFC000  }
0x80: {  	[spmem:s2] =	stream.indirect.scatter.add.f32 [tilespmem:s16], [sflag:$0x3], $0x80, s19, s14, $0xb8;
	[tilespmem:$0x1E0C0] =	vst v63  }
0x81: {  	_ =	swait.ge [sflag:s13], $0x4000  }
0x82: {  	[sflag:s13] =	ssyncset.done $0x0  }
0x83: {  	[sflag:s13] =	ssyncadd.s32 $0xFFFFC000  }
0x84: {  	_ =	swait.ge [sflag:s18], $0x4000  }
0x85: {  	[sflag:s18] =	ssyncset.done $0x0  }
0x86: {  	s24 =	sadd.s32 $0x80, s19;
	[sflag:s18] =	ssyncadd.s32 $0xFFFFC000  }
0x87: {  	[spmem:s2] =	stream.indirect.scatter.add.f32 [tilespmem:s15], [sflag:$0x3], $0x80, s24, s14, $0xb8;
	[tilespmem:$0x1E0C0] =	vst v63  }
0x88: {  	_ =	swait.ge [sflag:s13], $0x4000  }
0x89: {  	[sflag:s13] =	ssyncset.done $0x0  }
0x8a: {  	s25 =	simm.s32 $0x0;
	s26 =	simm.s32 $0x1400;
	[sflag:s13] =	ssyncadd.s32 $0xFFFFC000  }
0x8b: {  	[tilespmem:s26], [sflag:$0x3] =	stream.linear.gather [hbm4b:s12+s25], $0x1400, $0x38;
	[tilespmem:$0x1E0C0] =	vst v63  }
0x8c: {  	s12 =	simm.s32 $0x3  }
0x8d: {  	_ =	swait.ge [sflag:s12], $0x1400  }
0x8e: {  	[sflag:s12] =	ssyncset.done $0x0  }
0x8f: {  	[sflag:s12] =	ssyncadd.s32 $0xFFFFEC00  }
0x90: {  	[tilespmem:s25], [sflag:$0x3] =	stream.linear.gather [hbm4b:s11+s25], $0x1400, $0x38;
	[tilespmem:$0x1E0C0] =	vst v63  }
0x91: {  	_ =	swait.ge [sflag:s12], $0x1400  }
0x92: {  	s28 =	simm.s32 $0x1400;
	[sflag:s12] =	ssyncset.done $0x0  }
0x93: {  	s14 =	simm.s32 $0x2800;
	s11 =	simm.s32 $0x80;
	[sflag:s12] =	ssyncadd.s32 $0xFFFFEC00  }
0x94: {  	[tilespmem:s14], [sflag:$0x1] =	stream.indirect.gather [hbm4b:s4+s11], $0x80, s28, s11, $0xb8;
	[tilespmem:$0x1E0C0] =	vst v63  }
0x95: {  	s29 =	simm.s32 $0x1480;
	s15 =	simm.s32 $0x1;
	s13 =	simm.s32 $0x6800  }
0x96: {  	[tilespmem:s13], [sflag:$0x2] =	stream.indirect.gather [hbm4b:s4+s11], $0x80, s29, s11, $0xb8;
	[tilespmem:$0x1E0C0] =	vst v63  }
0x97: {  	_ =	swait.ge [sflag:s15], $0x4000  }
0x98: {  	[sflag:s15] =	ssyncset.done $0x0  }
0x99: {  	s30 =	simm.s32 $0x0;
	[sflag:s15] =	ssyncadd.s32 $0xFFFFC000  }
0x9a: {  	[spmem:s2] =	stream.indirect.scatter.add.f32 [tilespmem:s14], [sflag:$0x3], $0x80, s30, s11, $0xb8;
	[tilespmem:$0x1E0C0] =	vst v63  }
0x9b: {  	_ =	swait.ge [sflag:s12], $0x4000  }
0x9c: {  	[sflag:s12] =	ssyncset.done $0x0  }
0x9d: {  	s16 =	simm.s32 $0x2;
	[sflag:s12] =	ssyncadd.s32 $0xFFFFC000  }
0x9e: {  	_ =	swait.ge [sflag:s16], $0x4000  }
0x9f: {  	[sflag:s16] =	ssyncset.done $0x0  }
0xa0: {  	s31 =	simm.s32 $0x80;
	[sflag:s16] =	ssyncadd.s32 $0xFFFFC000  }
0xa1: {  	[spmem:s2] =	stream.indirect.scatter.add.f32 [tilespmem:s13], [sflag:$0x3], $0x80, s31, s11, $0xb8;
	[tilespmem:$0x1E0C0] =	vst v63  }
0xa2: {  	_ =	swait.ge [sflag:s12], $0x4000  }
0xa3: {  	s17 =	simm.s32 $0x100;
	s18 =	simm.s32 $0x800;
	[sflag:s12] =	ssyncset.done $0x0  }
.LBB2_5:
0xa4: {  	s19 =	sadd.s32 $0x1400, s17  }
0xa5: {  	[sflag:s12] =	ssyncadd.s32 $0xFFFFC000;
	s20 =	smov.u32 s18;
	s21 =	sadd.s32 $0x400, s18  }
0xa6: {  	[tilespmem:s14], [sflag:$0x1] =	stream.indirect.gather [hbm4b:s4+s11], $0x80, s19, s11, $0xb8;
	[tilespmem:$0x1E0C0] =	vst v63  }
0xa7: {  	p1 =	sne.s32 s18, $0x4C00;
	s18 =	sadd.s32 $0x1480, s17  }
0xa8: {  	[tilespmem:s13], [sflag:$0x2] =	stream.indirect.gather [hbm4b:s4+s11], $0x80, s18, s11, $0xb8;
	[tilespmem:$0x1E0C0] =	vst v63  }
0xa9: {  	_ =	swait.ge [sflag:s15], $0x4000  }
0xaa: {  	[sflag:s15] =	ssyncset.done $0x0  }
0xab: {  	[sflag:s15] =	ssyncadd.s32 $0xFFFFC000  }
0xac: {  	[spmem:s2] =	stream.indirect.scatter.add.f32 [tilespmem:s14], [sflag:$0x3], $0x80, s17, s11, $0xb8;
	[tilespmem:$0x1E0C0] =	vst v63  }
0xad: {  	_ =	swait.ge [sflag:s12], $0x4000  }
0xae: {  	[sflag:s12] =	ssyncset.done $0x0  }
0xaf: {  	[sflag:s12] =	ssyncadd.s32 $0xFFFFC000  }
0xb0: {  	_ =	swait.ge [sflag:s16], $0x4000  }
.Ltmp2:
0xb1: {  	[sflag:s16] =	ssyncset.done $0x0;
	(pc) =	sbr.rel @p1 .LBB2_5-.Ltmp2, $4  }
0xb2: {  	s17 =	sadd.s32 $0x80, s17;
	[sflag:s16] =	ssyncadd.s32 $0xFFFFC000  }
0xb3: {  	[spmem:s2] =	stream.indirect.scatter.add.f32 [tilespmem:s13], [sflag:$0x3], $0x80, s17, s11, $0xb8;
	[tilespmem:$0x1E0C0] =	vst v63  }
0xb4: {  	_ =	swait.ge [sflag:s12], $0x4000  }
0xb5: {  	s18 =	smov.u32 s21;
	s17 =	sshra.s32 s20, $0x2;
	[sflag:s12] =	ssyncset.done $0x0  }
0xb6: {  	s18 =	sadd.s32 $0x1400, s17;
	[sflag:s12] =	ssyncadd.s32 $0xFFFFC000  }
0xb7: {  	[tilespmem:s14], [sflag:$0x1] =	stream.indirect.gather [hbm4b:s4+s11], $0x80, s18, s11, $0xb8;
	[tilespmem:$0x1E0C0] =	vst v63  }
0xb8: {  	s23 =	sadd.s32 $0x1480, s17  }
0xb9: {  	[tilespmem:s13], [sflag:$0x2] =	stream.indirect.gather [hbm4b:s4+s11], $0x80, s23, s11, $0xb8;
	[tilespmem:$0x1E0C0] =	vst v63  }
0xba: {  	_ =	swait.ge [sflag:s15], $0x4000  }
0xbb: {  	[sflag:s15] =	ssyncset.done $0x0  }
0xbc: {  	[sflag:s15] =	ssyncadd.s32 $0xFFFFC000  }
0xbd: {  	[spmem:s2] =	stream.indirect.scatter.add.f32 [tilespmem:s14], [sflag:$0x3], $0x80, s17, s11, $0xb8;
	[tilespmem:$0x1E0C0] =	vst v63  }
0xbe: {  	_ =	swait.ge [sflag:s12], $0x4000  }
0xbf: {  	[sflag:s12] =	ssyncset.done $0x0  }
0xc0: {  	[sflag:s12] =	ssyncadd.s32 $0xFFFFC000  }
0xc1: {  	_ =	swait.ge [sflag:s16], $0x4000  }
0xc2: {  	[sflag:s16] =	ssyncset.done $0x0  }
0xc3: {  	s24 =	sadd.s32 $0x80, s17;
	[sflag:s16] =	ssyncadd.s32 $0xFFFFC000  }
0xc4: {  	[spmem:s2] =	stream.indirect.scatter.add.f32 [tilespmem:s13], [sflag:$0x3], $0x80, s24, s11, $0xb8;
	[tilespmem:$0x1E0C0] =	vst v63  }
0xc5: {  	_ =	swait.ge [sflag:s12], $0x4000  }
0xc6: {  	[sflag:s12] =	ssyncset.done $0x0  }
0xc7: {  	s25 =	simm.s32 $0x0;
	s26 =	simm.s32 $0x1400;
	[sflag:s12] =	ssyncadd.s32 $0xFFFFC000  }
0xc8: {  	[tilespmem:s26], [sflag:$0x3] =	stream.linear.gather [hbm4b:s10+s25], $0x1400, $0x38;
	[tilespmem:$0x1E0C0] =	vst v63  }
0xc9: {  	s10 =	simm.s32 $0x3  }
0xca: {  	_ =	swait.ge [sflag:s10], $0x1400  }
0xcb: {  	[sflag:s10] =	ssyncset.done $0x0  }
0xcc: {  	[sflag:s10] =	ssyncadd.s32 $0xFFFFEC00  }
0xcd: {  	[tilespmem:s25], [sflag:$0x3] =	stream.linear.gather [hbm4b:s9+s25], $0x1400, $0x38;
	[tilespmem:$0x1E0C0] =	vst v63  }
0xce: {  	_ =	swait.ge [sflag:s10], $0x1400  }
0xcf: {  	s28 =	simm.s32 $0x1400;
	[sflag:s10] =	ssyncset.done $0x0  }
0xd0: {  	s12 =	simm.s32 $0x2800;
	s9 =	simm.s32 $0x80;
	[sflag:s10] =	ssyncadd.s32 $0xFFFFEC00  }
0xd1: {  	[tilespmem:s12], [sflag:$0x1] =	stream.indirect.gather [hbm4b:s4+s9], $0x80, s28, s9, $0xb8;
	[tilespmem:$0x1E0C0] =	vst v63  }
0xd2: {  	s29 =	simm.s32 $0x1480;
	s11 =	simm.s32 $0x6800;
	s13 =	simm.s32 $0x1  }
0xd3: {  	[tilespmem:s11], [sflag:$0x2] =	stream.indirect.gather [hbm4b:s4+s9], $0x80, s29, s9, $0xb8;
	[tilespmem:$0x1E0C0] =	vst v63  }
0xd4: {  	_ =	swait.ge [sflag:s13], $0x4000  }
0xd5: {  	[sflag:s13] =	ssyncset.done $0x0  }
0xd6: {  	s30 =	simm.s32 $0x0;
	[sflag:s13] =	ssyncadd.s32 $0xFFFFC000  }
0xd7: {  	[spmem:s2] =	stream.indirect.scatter.add.f32 [tilespmem:s12], [sflag:$0x3], $0x80, s30, s9, $0xb8;
	[tilespmem:$0x1E0C0] =	vst v63  }
0xd8: {  	_ =	swait.ge [sflag:s10], $0x4000  }
0xd9: {  	[sflag:s10] =	ssyncset.done $0x0  }
0xda: {  	s14 =	simm.s32 $0x2;
	[sflag:s10] =	ssyncadd.s32 $0xFFFFC000  }
0xdb: {  	_ =	swait.ge [sflag:s14], $0x4000  }
0xdc: {  	[sflag:s14] =	ssyncset.done $0x0  }
0xdd: {  	s31 =	simm.s32 $0x80;
	[sflag:s14] =	ssyncadd.s32 $0xFFFFC000  }
0xde: {  	[spmem:s2] =	stream.indirect.scatter.add.f32 [tilespmem:s11], [sflag:$0x3], $0x80, s31, s9, $0xb8;
	[tilespmem:$0x1E0C0] =	vst v63  }
0xdf: {  	_ =	swait.ge [sflag:s10], $0x4000  }
0xe0: {  	s15 =	simm.s32 $0x100;
	s16 =	simm.s32 $0x800;
	[sflag:s10] =	ssyncset.done $0x0  }
.LBB2_7:
0xe1: {  	s17 =	sadd.s32 $0x1400, s15  }
0xe2: {  	[sflag:s10] =	ssyncadd.s32 $0xFFFFC000;
	s18 =	smov.u32 s16;
	s19 =	sadd.s32 $0x400, s16  }
0xe3: {  	[tilespmem:s12], [sflag:$0x1] =	stream.indirect.gather [hbm4b:s4+s9], $0x80, s17, s9, $0xb8;
	[tilespmem:$0x1E0C0] =	vst v63  }
0xe4: {  	p1 =	sne.s32 s16, $0x4C00;
	s16 =	sadd.s32 $0x1480, s15  }
0xe5: {  	[tilespmem:s11], [sflag:$0x2] =	stream.indirect.gather [hbm4b:s4+s9], $0x80, s16, s9, $0xb8;
	[tilespmem:$0x1E0C0] =	vst v63  }
0xe6: {  	_ =	swait.ge [sflag:s13], $0x4000  }
0xe7: {  	[sflag:s13] =	ssyncset.done $0x0  }
0xe8: {  	[sflag:s13] =	ssyncadd.s32 $0xFFFFC000  }
0xe9: {  	[spmem:s2] =	stream.indirect.scatter.add.f32 [tilespmem:s12], [sflag:$0x3], $0x80, s15, s9, $0xb8;
	[tilespmem:$0x1E0C0] =	vst v63  }
0xea: {  	_ =	swait.ge [sflag:s10], $0x4000  }
0xeb: {  	[sflag:s10] =	ssyncset.done $0x0  }
0xec: {  	[sflag:s10] =	ssyncadd.s32 $0xFFFFC000  }
0xed: {  	_ =	swait.ge [sflag:s14], $0x4000  }
.Ltmp3:
0xee: {  	[sflag:s14] =	ssyncset.done $0x0;
	(pc) =	sbr.rel @p1 .LBB2_7-.Ltmp3, $4  }
0xef: {  	s15 =	sadd.s32 $0x80, s15;
	[sflag:s14] =	ssyncadd.s32 $0xFFFFC000  }
0xf0: {  	[spmem:s2] =	stream.indirect.scatter.add.f32 [tilespmem:s11], [sflag:$0x3], $0x80, s15, s9, $0xb8;
	[tilespmem:$0x1E0C0] =	vst v63  }
0xf1: {  	_ =	swait.ge [sflag:s10], $0x4000  }
0xf2: {  	s16 =	smov.u32 s19;
	s15 =	sshra.s32 s18, $0x2;
	[sflag:s10] =	ssyncset.done $0x0  }
0xf3: {  	s16 =	sadd.s32 $0x1400, s15;
	[sflag:s10] =	ssyncadd.s32 $0xFFFFC000  }
0xf4: {  	[tilespmem:s12], [sflag:$0x1] =	stream.indirect.gather [hbm4b:s4+s9], $0x80, s16, s9, $0xb8;
	[tilespmem:$0x1E0C0] =	vst v63  }
0xf5: {  	s29 =	sadd.s32 $0x1480, s15  }
0xf6: {  	[tilespmem:s11], [sflag:$0x2] =	stream.indirect.gather [hbm4b:s4+s9], $0x80, s29, s9, $0xb8;
	[tilespmem:$0x1E0C0] =	vst v63  }
0xf7: {  	_ =	swait.ge [sflag:s13], $0x4000  }
0xf8: {  	[sflag:s13] =	ssyncset.done $0x0  }
0xf9: {  	[sflag:s13] =	ssyncadd.s32 $0xFFFFC000  }
0xfa: {  	[spmem:s2] =	stream.indirect.scatter.add.f32 [tilespmem:s12], [sflag:$0x3], $0x80, s15, s9, $0xb8;
	[tilespmem:$0x1E0C0] =	vst v63  }
0xfb: {  	_ =	swait.ge [sflag:s10], $0x4000  }
0xfc: {  	[sflag:s10] =	ssyncset.done $0x0  }
0xfd: {  	[sflag:s10] =	ssyncadd.s32 $0xFFFFC000  }
0xfe: {  	_ =	swait.ge [sflag:s14], $0x4000  }
0xff: {  	[sflag:s14] =	ssyncset.done $0x0  }
0x100: {  	s30 =	sadd.s32 $0x80, s15;
	[sflag:s14] =	ssyncadd.s32 $0xFFFFC000  }
0x101: {  	[spmem:s2] =	stream.indirect.scatter.add.f32 [tilespmem:s11], [sflag:$0x3], $0x80, s30, s9, $0xb8;
	[tilespmem:$0x1E0C0] =	vst v63  }
0x102: {  	_ =	swait.ge [sflag:s10], $0x4000  }
0x103: {  	[sflag:s10] =	ssyncset.done $0x0  }
0x104: {  	[sflag:s10] =	ssyncadd.s32 $0xFFFFC000  }
0x105: {  	s31 =	simm.s32 $0x3;
	[bflag:$0x0] =	sbarrier.arrive $0xFFFF  }
0x106: {  	[hbm:s8], [sflag:s3] =	dma.local [spmem:s5], $0x2700  }
0x107: {  	_ =	swait.ge [sflag:s31], $0x2700  }
0x108: {  	[sflag:s31] =	ssyncset.done $0x0  }
0x109: {  	s2 =	simm.s32 @!p0 $0x3;
	[sflag:s31] =	ssyncadd.s32 $0xFFFFD900  }
0x10a: {  	[hbm:s7], [sflag:s3] =	dma.local @!p0 [spmem:s6], $0x100  }
0x10b: {  	_ =	swait.ge @!p0 [sflag:s2], $0x100  }
0x10c: {  	[sflag:s2] =	ssyncset.done @!p0 $0x0  }
0x10d: {  	[sflag:s2] =	ssyncadd.s32 @!p0 $0xFFFFFF00  }
0x10e: {  	_ =	sfence.sel $0x180000  }
0x10f: {  	[bflag:$0x0] =	sbarrier.arrive $0xFFFF  }
0x110: {  	p0 =	sne.s32 s1, $0x0;
	_ =	strace $0x9000004A  }
0x111: {  	s0 =	sadd.s32 @!p0 $0x100000, s0;
	[bflag:$0x2] =	sbarrier.arrive $0xFFFF  }
0x112: {  	[sflag:s0] =	ssyncadd.tile.s32 @!p0 $0x1;
	_ =	shalt  }
.Lfunc_end2:
_tile_overlayer_lowered:
.L_overlay_start_2:
0x113: {  	(tag) =	ssettag $0x2  }
0x114: {  	s0 =	rddreg [dreg:$0x0];
	s2 =	stileid.u32  }
0x115: {  	s1 =	rddreg [dreg:$0x1];
	p0 =	sne.s32 s2, $0x0  }
0x116: {  	s3 =	rddreg [dreg:$0x2];
	[bflag:$0x3] =	sbarrier.arrive $0xFFFF;
	s2 =	simm.s32 @!p0 $0x1C03  }
0x117: {  	[timem:s3], [sflag:s2] =	dma.local @!p0 [hbm:s0], s1  }
0x118: {  	s0 =	simm.s32 @!p0 $0x3  }
0x119: {  	_ =	swait.ge @!p0 [sflag:s0], s1  }
0x11a: {  	s1 =	ssub.s32 @!p0 $0x0, s1;
	[sflag:s0] =	ssyncset.done @!p0 $0x0  }
0x11b: {  	[sflag:s0] =	ssyncadd.s32 @!p0 s1  }
0x11c: {  	[bflag:$0x3] =	sbarrier.arrive $0xFFFF  }
0x11d: {  	_ =	shalt  }

// kernel: kernel.14.cloned.1.call-start
scs
__scs_entry_jumppad:
0x0: {  	(pc) =	sbr.rel $0x88, $3  }
0x1: {  	(tag) =	ssettag $0x0;
	lr =	simm.s32 $0x1  }
0x2: {  	[smem:$0x3F97] =	sst lr;
	_ =	strace $0xD0000000  }
0x3: {  	_ = 	snop  }
0x4: {  	_ = 	snop  }
0x5: {  	_ = 	snop  }
0x6: {  	_ = 	snop  }
0x7: {  	_ = 	snop  }
__scs_overlays_trampoline_lowered:
0x8: {  	[smem:$0x3FA6] =	sst s0  }
0x9: {  	[smem:$0x3FA7] =	sst s1  }
0xa: {  	[smem:$0x3FA8] =	sst s2  }
0xb: {  	[smem:$0x3FA9] =	sst s3  }
0xc: {  	[smem:$0x3FAA] =	sst s4  }
0xd: {  	[smem:$0x3FAB] =	sst s5  }
0xe: {  	[smem:$0x3FAC] =	sst s6  }
0xf: {  	[smem:$0x3FAD] =	sst s7  }
0x10: {  	[smem:$0x3FAE] =	sst s8  }
0x11: {  	[smem:$0x3FAF] =	sst s9;
	s0 =	simm.s32 @!p0 $0x0  }
0x12: {  	s1 =	sld [smem:$0x3F95];
	s0 =	simm.s32 @p0 $0x1  }
0x13: {  	[smem:$0x3FB0] =	sst s0;
	s0 =	simm.s32 @!p1 $0x0  }
0x14: {  	s2 =	sld [smem:$0x3F94];
	s0 =	simm.s32 @p1 $0x1  }
0x15: {  	[smem:$0x3FB1] =	sst s0;
	s0 =	simm.s32 @!p2 $0x0  }
0x16: {  	s3 =	sld [smem:$0x3FDB];
	s0 =	simm.s32 @p2 $0x1  }
0x17: {  	s4 =	simm.s32 $0x1BF5;
	[smem:$0x3FB3] =	sst s0  }
0x18: {  	s0 =	sld [smem:$0x3F96];
	_ =	swait.ge [sflag:s4], $0x0  }
0x19: {  	s7 =	sld [smem:$0x3F97]  }
0x1a: {  	s8 =	sadd.s32 $0xFFFFE003, lr  }
0x1b: {  	s9 =	sadd.s32 $0xFFFFFEF7, lr;
	s5 =	simm.s32 $0xFFFFFFFF;
	p2 =	slt.u32 s8, $0xFFFFF086  }
0x1c: {  	p1 =	slt.u32 s9, $0xF7A;
	s5 =	simm.s32 @!p2 $0x0  }
0x1d: {  	s5 =	simm.s32 @p1 $0x1;
	p0 =	seq.s32 s7, s2  }
0x1e: {  	s7 =	smul.u32 @!p0 $0xF7A, s2;
	p2 =	seq.s32 @!p0 s5, $0x0  }
0x1f: {  	s9 =	smul.u32 $0xF7A, s1;
	s8 =	simm.s32 @!p0 $0x1BF5;
	p2 =	por !p2, p0  }
0x20: {  	[sflag:s8] =	ssyncset.s32 @!p0 $0xFFFFF086;
	s6 =	sadd.s32 @!p0 s3, s7;
	s7 =	simm.s32 @!p0 $0x108  }
0x21: {  	s3 =	sadd.s32 s3, s9;
	s6 =	sadd.s32 @!p0 $0x88, s6;
	s7 =	simm.s32 @p2 $0x1082  }
0x22: {  	[simem:s7], [sflag:s8] =	dma.local @!p0 [hbm:s6], $0xF7A  }
0x23: {  	s9 =	sor.u32 $0xD0000000, s2;
	s6 =	simm.s32 $0x108;
	_ =	swait.ge @!p0 [sflag:s8], $0x0  }
0x24: {  	s3 =	sadd.s32 $0x88, s3;
	s6 =	simm.s32 @!p1 $0x1082;
	[sflag:s4] =	ssyncset.s32 $0xFFFFF086  }
0x25: {  	[simem:s6], [sflag:s4] =	dma.local [hbm:s3], $0xF7A  }
0x26: {  	[smem:$0x3F97] =	sst s1;
	(tag) =	ssettag s2;
	_ =	strace s9  }
0x27: {  	s1 =	sld [smem:$0x3FA7]  }
0x28: {  	s2 =	sld [smem:$0x3FA8]  }
0x29: {  	s4 =	sld [smem:$0x3FAA]  }
0x2a: {  	p0 =	seq.s32 s5, $0x0;
	s5 =	sld [smem:$0x3FAB]  }
0x2b: {  	s6 =	sld [smem:$0x3FAC]  }
0x2c: {  	s7 =	sld [smem:$0x3FAD]  }
0x2d: {  	s3 =	simm.s32 $0x108;
	s8 =	sld [smem:$0x3FAE]  }
0x2e: {  	s3 =	simm.s32 @!p0 $0x1082;
	s9 =	sld [smem:$0x3FAF]  }
0x2f: {  	lr =	sadd.s32 s0, s3;
	s0 =	sld [smem:$0x3FA6]  }
0x30: {  	s3 =	sld [smem:$0x3FA9]  }
0x31: {  	[smem:$0x3FB2] =	sst s10  }
0x32: {  	s10 =	sld [smem:$0x3FB0];
	_ =	sdelay $0x3  }
0x33: {  	p0 =	seq.s32 s10, $0x1;
	s10 =	sld [smem:$0x3FB2];
	_ =	sdelay $0x3  }
0x34: {  	[smem:$0x3FB2] =	sst s10  }
0x35: {  	s10 =	sld [smem:$0x3FB1];
	_ =	sdelay $0x3  }
0x36: {  	p1 =	seq.s32 s10, $0x1;
	s10 =	sld [smem:$0x3FB2];
	_ =	sdelay $0x3  }
0x37: {  	[smem:$0x3FB2] =	sst s10  }
0x38: {  	s10 =	sld [smem:$0x3FB3]  }
0x39: {  	_ = 	snop;
	(pc) =	sbr.ind lr, $3  }
0x3a: {  	_ = 	snop  }
0x3b: {  	_ = 	snop  }
0x3c: {  	p2 =	seq.s32 s10, $0x1;
	s10 =	sld [smem:$0x3FB2]  }
0x3d: {  	_ =	shalt  }
0x3e: {  	_ =	shalt  }
0x3f: {  	_ =	shalt  }
0x40: {  	_ =	shalt  }
0x41: {  	_ =	shalt  }
0x42: {  	_ =	shalt  }
0x43: {  	_ =	shalt  }
0x44: {  	_ =	shalt  }
0x45: {  	_ =	shalt  }
0x46: {  	_ =	shalt  }
0x47: {  	_ =	shalt  }
0x48: {  	_ =	shalt  }
0x49: {  	_ =	shalt  }
0x4a: {  	_ =	shalt  }
0x4b: {  	_ =	shalt  }
0x4c: {  	_ =	shalt  }
0x4d: {  	_ =	shalt  }
0x4e: {  	_ =	shalt  }
0x4f: {  	_ =	shalt  }
0x50: {  	_ =	shalt  }
0x51: {  	_ =	shalt  }
0x52: {  	_ =	shalt  }
0x53: {  	_ =	shalt  }
0x54: {  	_ =	shalt  }
0x55: {  	_ =	shalt  }
0x56: {  	_ =	shalt  }
0x57: {  	_ =	shalt  }
0x58: {  	_ =	shalt  }
0x59: {  	_ =	shalt  }
0x5a: {  	_ =	shalt  }
0x5b: {  	_ =	shalt  }
0x5c: {  	_ =	shalt  }
0x5d: {  	_ =	shalt  }
0x5e: {  	_ =	shalt  }
0x5f: {  	_ =	shalt  }
0x60: {  	_ =	shalt  }
0x61: {  	_ =	shalt  }
0x62: {  	_ =	shalt  }
0x63: {  	_ =	shalt  }
0x64: {  	_ =	shalt  }
0x65: {  	_ =	shalt  }
0x66: {  	_ =	shalt  }
0x67: {  	_ =	shalt  }
0x68: {  	_ =	shalt  }
0x69: {  	_ =	shalt  }
0x6a: {  	_ =	shalt  }
0x6b: {  	_ =	shalt  }
0x6c: {  	_ =	shalt  }
0x6d: {  	_ =	shalt  }
0x6e: {  	_ =	shalt  }
0x6f: {  	_ =	shalt  }
0x70: {  	_ =	shalt  }
0x71: {  	_ =	shalt  }
0x72: {  	_ =	shalt  }
0x73: {  	_ =	shalt  }
0x74: {  	_ =	shalt  }
0x75: {  	_ =	shalt  }
0x76: {  	_ =	shalt  }
0x77: {  	_ =	shalt  }
0x78: {  	_ =	shalt  }
0x79: {  	_ =	shalt  }
0x7a: {  	_ =	shalt  }
0x7b: {  	_ =	shalt  }
0x7c: {  	_ =	shalt  }
0x7d: {  	_ =	shalt  }
0x7e: {  	_ =	shalt  }
0x7f: {  	_ =	shalt  }
0x80: {  	_ =	shalt  }
0x81: {  	_ =	shalt  }
0x82: {  	_ =	shalt  }
0x83: {  	_ =	shalt  }
0x84: {  	_ =	shalt  }
0x85: {  	_ =	shalt  }
0x86: {  	_ =	shalt  }
0x87: {  	_ =	shalt  }
.Lfunc_end0:
.L_simem_size_0:
called_computation.2_lowered:
.L_overlay_start_0:
0x88: {  	s0 =	sld [smem:$0x3FD9]  }
0x89: {  	s1 =	sld [smem:$0x3FFE];
	_ =	sdelay $0x3  }
0x8a: {  	s0 =	sadd.s32 s1, s0  }
0x8b: {  	[smem:$0x3FBE] =	sst s0  }
0x8c: {  	_ = 	snop  }
0x8d: {  	s0 =	sld [smem:$0x3FD0];
	_ =	sdelay $0x2  }
0x8e: {  	s13 =	simm.s32 $0xA;
	s2 =	simm.s32 $0x10  }
0x8f: {  	[smem:s2], [sflag:s13] =	dma.local [hbm:s0], $0x1  }
0x90: {  	_ =	swait.eq [sflag:s13], $0x1  }
0x91: {  	[sflag:s13] =	ssyncset.done $0x0  }
0x92: {  	s14 =	sld [smem:$0x11];
	[sflag:s13] =	ssyncadd.s32 $0xFFFFFFFF  }
0x93: {  	s15 =	sld [smem:$0x12];
	(tm) =	ssettm $0x1  }
0x94: {  	s16 =	sld [smem:$0x3FFB];
	_ =	sdelay $0x3  }
0x95: {  	_ =	strace s16  }
0x96: {  	s2 =	sld [smem:$0x3FFC];
	_ =	sdelay $0x3  }
0x97: {  	_ =	strace s2  }
0x98: {  	s2 =	sld [smem:$0x3FFD];
	_ =	sdelay $0x3  }
0x99: {  	_ =	strace s2  }
0x9a: {  	_ =	strace $0x8FFFFFFF  }
0x9b: {  	s17 =	sld [smem:$0x3FDB];
	_ =	sdelay $0x1  }
0x9c: {  	s3 =	simm.s32 $_scs_section_size  }
0x9d: {  	s4 =	simm.s32 $_size__tile_overlayer_lowered;
	s5 =	simm.s32 $_tile_overlayer_lowered  }
0x9e: {  	s20 =	simm.s32 $0x1BFF;
	s19 =	sshll.u32 s5, $0x1;
	s2 =	sadd.s32 s3, s17  }
0x9f: {  	s6 =	simm.s32 $0x0;
	s18 =	sshll.u32 s4, $0x1;
	s4 =	sadd.s32 s19, s2  }
0xa0: {  	[timem:s6], [sflag:s20] =	dma.local [hbm:s4], s18  }
0xa1: {  	_ =	swait.ge [sflag:s20], s18  }
0xa2: {  	s3 =	ssub.s32 $0x0, s18;
	[sflag:s20] =	ssyncset.done $0x0  }
0xa3: {  	[sflag:s20] =	ssyncadd.s32 s3;
	_ =	sdelay $0x1  }
0xa4: {  	s21 =	simm.s32 $0x1B8B  }
0xa5: {  	_ =	swait.ge [sflag:s21], $0x1  }
0xa6: {  	[sflag:s21] =	ssyncset.done $0x0  }
0xa7: {  	s23 =	simm.s32 $0x1B8E;
	s22 =	sld [smem:$0x3FFE];
	[sflag:s21] =	ssyncadd.s32 $0xFFFFFFFF  }
0xa8: {  	s24 =	simm.s32 $execute0_lowered;
	[smem:$0x3FD2] =	sst s23  }
0xa9: {  	s4 =	sshll.u32 s24, $0x1;
	_ =	strace $0x8000004C;
	[dreg:$0x1] =	wrdreg $0xFFFFFFFF  }
0xaa: {  	s25 =	simm.s32 $_size_execute0_lowered;
	s2 =	sadd.s32 s2, s4;
	[dreg:$0x0] =	wrdreg $0x0  }
0xab: {  	s4 =	sshll.u32 s25, $0x1;
	[dreg:$0x2] =	wrdreg s2  }
0xac: {  	[dreg:$0x3] =	wrdreg s4  }
0xad: {  	[dreg:$0x4] =	wrdreg $0xC0  }
0xae: {  	_ =	task [dreg:s6], $0x5FFFF  }
0xaf: {  	[dreg:$0x1] =	wrdreg $0xFFFFFFFF  }
0xb0: {  	[dreg:$0x0] =	wrdreg $0x60  }
0xb1: {  	[dreg:$0x2] =	wrdreg s15  }
0xb2: {  	[dreg:$0x3] =	wrdreg s22  }
0xb3: {  	[dreg:$0x4] =	wrdreg s14  }
0xb4: {  	[dreg:$0x5] =	wrdreg $0xA8000  }
0xb5: {  	[dreg:$0x6] =	wrdreg $0x9  }
0xb6: {  	_ =	task.clear_ibuf [dreg:s6], $0x7FFFF;
	_ =	strace $0x9000004C  }
0xb7: {  	s26 =	simm.s32 $0x9;
	_ =	strace $0x8000004E  }
0xb8: {  	_ =	swait.ge [sflag:s26], $0x1  }
0xb9: {  	[sflag:s26] =	ssyncadd.s32 $0xFFFFFFFF  }
0xba: {  	_ =	strace $0x9000004E  }
0xbb: {  	_ =	sfence  }
0xbc: {  	s28 =	sld [smem:$0x0];
	_ =	sdelay $0x1  }
0xbd: {  	s29 =	srdreg.scid  }
0xbe: {  	s30 =	sshll.u32 s29, $0xD;
	s31 =	sshrl.u32 s29, $0x2  }
0xbf: {  	s1 =	sand.u32 $0x1, s29;
	s2 =	sand.u32 $0x4000, s30;
	s0 =	sadd.s32 s31, s28  }
0xc0: {  	s1 =	sor.u32 s2, s1;
	s0 =	sshll.u32 s0, $0x11  }
0xc1: {  	s0 =	sor.u32 s0, s1  }
0xc2: {  	s0 =	sadd.s32 $0x8F2B, s0  }
0xc3: {  	[sflag:s0] =	ssyncadd.remote.s32 $0x1  }
0xc4: {  	_ =	sfence.sel $0xFFFF  }
0xc5: {  	[dreg:$0x0] =	wrdreg $0xFFFFFFFF;
	(pc) =	sbr.abs _section_cstart, $3  }
0xc6: {  	[dreg:$0x1] =	wrdreg $0xFFFFFFFF  }
0xc7: {  	_ =	task.clear_ibuf [dreg:s6], $0x2FFFF;
	_ =	strace $0x9FFFFFFF  }
0xc8: {  	(tm) =	ssettm $0x7FFFFFFF  }
0xc9: {  	_ =	shalt  }
tec
execute0_lowered:
.L_overlay_start_1:
0x0: {  	(tag) =	ssettag $0x1  }
0x1: {  	s4 =	rddreg [dreg:$0x0]  }
0x2: {  	s9 =	rddreg [dreg:$0x1]  }
0x3: {  	s7 =	rddreg [dreg:$0x2]  }
0x4: {  	s2 =	rddreg [dreg:$0x3];
	s1 =	stileid.u32  }
0x5: {  	s0 =	rddreg [dreg:$0x4];
	s10 =	simm.s32 $0x0;
	s3 =	smul.u32 $0x4E000, s1  }
0x6: {  	s13 =	simm.s32 $0x3;
	[smem:$0x7FF] =	sst s10  }
0x7: {  	s8 =	smul.u32 $0x2700, s1;
	s6 =	sadd.s32 $0x17C00, s9;
	s3 =	sshrl.u32 s3, $0x2  }
0x8: {  	s18 =	sshll.u32 s1, $0x6;
	_ =	strace $0x8000004D;
	s5 =	sadd.s32 s3, s2  }
0x9: {  	s11 =	sadd.s32 s6, s8;
	s3 =	sor.u32 $0x1C03, s18;
	s5 =	sshrl.u32 s5, $0x3  }
0xa: {  	[spmem:s5], [sflag:s3] =	dma.local [hbm:s11], $0x2700  }
0xb: {  	p0 =	sne.s32 s1, $0xF;
	_ =	swait.ge [sflag:s13], $0x2700  }
0xc: {  	s12 =	sadd.s32 @!p0 $0x27000, s6;
	s11 =	sadd.s32 $0x138000, s2;
	[sflag:s13] =	ssyncset.done $0x0  }
0xd: {  	s6 =	sshrl.u32 @!p0 s11, $0x3;
	s11 =	simm.s32 @!p0 $0x3;
	[sflag:s13] =	ssyncadd.s32 $0xFFFFD900  }
0xe: {  	[spmem:s6], [sflag:s3] =	dma.local @!p0 [hbm:s12], $0x180  }
0xf: {  	s19 =	smul.u32 $0x5000, s1;
	_ =	swait.ge @!p0 [sflag:s11], $0x180  }
0x10: {  	[sflag:s11] =	ssyncset.done @!p0 $0x0  }
0x11: {  	s21 =	sadd.s32 $0xDC00, s9;
	s22 =	sshrl.u32 s19, $0x3;
	[sflag:s11] =	ssyncadd.s32 @!p0 $0xFFFFFE80  }
0x12: {  	s23 =	simm.s32 $0x1400;
	s20 =	sadd.s32 s21, s22;
	[bflag:$0x0] =	sbarrier.arrive $0xFFFF  }
0x13: {  	[tilespmem:s23], [sflag:$0x3] =	stream.linear.gather [hbm4b:s20+s10], $0x1400, $0x38;
	[tilespmem:$0x1E0C0] =	vst v63  }
0x14: {  	_ =	swait.ge [sflag:s13], $0x1400  }
0x15: {  	s9 =	sadd.s32 $0x3C00, s9;
	[sflag:s13] =	ssyncset.done $0x0  }
0x16: {  	s24 =	sadd.s32 s9, s22;
	[sflag:s13] =	ssyncadd.s32 $0xFFFFEC00  }
0x17: {  	[tilespmem:s10], [sflag:$0x3] =	stream.linear.gather [hbm4b:s24+s10], $0x1400, $0x38;
	[tilespmem:$0x1E0C0] =	vst v63  }
0x18: {  	_ =	swait.ge [sflag:s13], $0x1400  }
0x19: {  	s14 =	simm.s32 $0x80;
	[sflag:s13] =	ssyncset.done $0x0  }
0x1a: {  	s25 =	simm.s32 $0x1400;
	s18 =	simm.s32 $0x2800;
	[sflag:s13] =	ssyncadd.s32 $0xFFFFEC00  }
0x1b: {  	[tilespmem:s18], [sflag:$0x1] =	stream.indirect.gather [hbm4b:s4+s14], $0x80, s25, s14, $0xb8;
	[tilespmem:$0x1E0C0] =	vst v63  }
0x1c: {  	s15 =	simm.s32 $0x6800;
	s26 =	simm.s32 $0x1480;
	s19 =	simm.s32 $0x1  }
0x1d: {  	[tilespmem:s15], [sflag:$0x2] =	stream.indirect.gather [hbm4b:s4+s14], $0x80, s26, s14, $0xb8;
	[tilespmem:$0x1E0C0] =	vst v63  }
0x1e: {  	_ =	swait.ge [sflag:s19], $0x4000  }
0x1f: {  	[sflag:s19] =	ssyncset.done $0x0  }
0x20: {  	s28 =	simm.s32 $0x0;
	[sflag:s19] =	ssyncadd.s32 $0xFFFFC000  }
0x21: {  	[spmem:s2] =	stream.indirect.scatter.add.f32 [tilespmem:s18], [sflag:$0x3], $0x80, s28, s14, $0xb8;
	[tilespmem:$0x1E0C0] =	vst v63  }
0x22: {  	s31 =	simm.s32 $0x80;
	_ =	swait.ge [sflag:s13], $0x4000  }
0x23: {  	s8 =	sadd.s32 s7, s8;
	s7 =	sadd.s32 $0x27000, s7;
	[sflag:s13] =	ssyncset.done $0x0  }
0x24: {  	s29 =	sadd.s32 $0x280, s22;
	s20 =	simm.s32 $0x2;
	[sflag:s13] =	ssyncadd.s32 $0xFFFFC000  }
0x25: {  	s30 =	sadd.s32 $0x500, s22;
	s22 =	sadd.s32 $0x780, s22;
	_ =	swait.ge [sflag:s20], $0x4000  }
0x26: {  	s17 =	sadd.s32 s21, s29;
	s16 =	sadd.s32 s9, s29;
	[sflag:s20] =	ssyncset.done $0x0  }
0x27: {  	s12 =	sadd.s32 s21, s30;
	s11 =	sadd.s32 s9, s30;
	[sflag:s20] =	ssyncadd.s32 $0xFFFFC000  }
0x28: {  	[spmem:s2] =	stream.indirect.scatter.add.f32 [tilespmem:s15], [sflag:$0x3], $0x80, s31, s14, $0xb8;
	[tilespmem:$0x1E0C0] =	vst v63  }
0x29: {  	s9 =	sadd.s32 s9, s22;
	s10 =	sadd.s32 s21, s22;
	_ =	swait.ge [sflag:s13], $0x4000  }
0x2a: {  	s22 =	simm.s32 $0x800;
	s21 =	simm.s32 $0x100;
	[sflag:s13] =	ssyncset.done $0x0  }
.LBB2_1:
0x2b: {  	s23 =	sadd.s32 $0x1400, s21  }
0x2c: {  	[sflag:s13] =	ssyncadd.s32 $0xFFFFC000;
	s24 =	smov.u32 s22;
	s25 =	sadd.s32 $0x400, s22  }
0x2d: {  	[tilespmem:s18], [sflag:$0x1] =	stream.indirect.gather [hbm4b:s4+s14], $0x80, s23, s14, $0xb8;
	[tilespmem:$0x1E0C0] =	vst v63  }
0x2e: {  	p1 =	sne.s32 s22, $0x4C00;
	s22 =	sadd.s32 $0x1480, s21  }
0x2f: {  	[tilespmem:s15], [sflag:$0x2] =	stream.indirect.gather [hbm4b:s4+s14], $0x80, s22, s14, $0xb8;
	[tilespmem:$0x1E0C0] =	vst v63  }
0x30: {  	_ =	swait.ge [sflag:s19], $0x4000  }
0x31: {  	[sflag:s19] =	ssyncset.done $0x0  }
0x32: {  	[sflag:s19] =	ssyncadd.s32 $0xFFFFC000  }
0x33: {  	[spmem:s2] =	stream.indirect.scatter.add.f32 [tilespmem:s18], [sflag:$0x3], $0x80, s21, s14, $0xb8;
	[tilespmem:$0x1E0C0] =	vst v63  }
0x34: {  	_ =	swait.ge [sflag:s13], $0x4000  }
0x35: {  	[sflag:s13] =	ssyncset.done $0x0  }
0x36: {  	[sflag:s13] =	ssyncadd.s32 $0xFFFFC000  }
0x37: {  	_ =	swait.ge [sflag:s20], $0x4000  }
.Ltmp0:
0x38: {  	[sflag:s20] =	ssyncset.done $0x0;
	(pc) =	sbr.rel @p1 .LBB2_1-.Ltmp0, $4  }
0x39: {  	s21 =	sadd.s32 $0x80, s21;
	[sflag:s20] =	ssyncadd.s32 $0xFFFFC000  }
0x3a: {  	[spmem:s2] =	stream.indirect.scatter.add.f32 [tilespmem:s15], [sflag:$0x3], $0x80, s21, s14, $0xb8;
	[tilespmem:$0x1E0C0] =	vst v63  }
0x3b: {  	_ =	swait.ge [sflag:s13], $0x4000  }
0x3c: {  	s22 =	smov.u32 s25;
	s21 =	sshra.s32 s24, $0x2;
	[sflag:s13] =	ssyncset.done $0x0  }
0x3d: {  	s22 =	sadd.s32 $0x1400, s21;
	[sflag:s13] =	ssyncadd.s32 $0xFFFFC000  }
0x3e: {  	[tilespmem:s18], [sflag:$0x1] =	stream.indirect.gather [hbm4b:s4+s14], $0x80, s22, s14, $0xb8;
	[tilespmem:$0x1E0C0] =	vst v63  }
0x3f: {  	s23 =	sadd.s32 $0x1480, s21  }
0x40: {  	[tilespmem:s15], [sflag:$0x2] =	stream.indirect.gather [hbm4b:s4+s14], $0x80, s23, s14, $0xb8;
	[tilespmem:$0x1E0C0] =	vst v63  }
0x41: {  	_ =	swait.ge [sflag:s19], $0x4000  }
0x42: {  	[sflag:s19] =	ssyncset.done $0x0  }
0x43: {  	[sflag:s19] =	ssyncadd.s32 $0xFFFFC000  }
0x44: {  	[spmem:s2] =	stream.indirect.scatter.add.f32 [tilespmem:s18], [sflag:$0x3], $0x80, s21, s14, $0xb8;
	[tilespmem:$0x1E0C0] =	vst v63  }
0x45: {  	_ =	swait.ge [sflag:s13], $0x4000  }
0x46: {  	[sflag:s13] =	ssyncset.done $0x0  }
0x47: {  	[sflag:s13] =	ssyncadd.s32 $0xFFFFC000  }
0x48: {  	_ =	swait.ge [sflag:s20], $0x4000  }
0x49: {  	[sflag:s20] =	ssyncset.done $0x0  }
0x4a: {  	s24 =	sadd.s32 $0x80, s21;
	[sflag:s20] =	ssyncadd.s32 $0xFFFFC000  }
0x4b: {  	[spmem:s2] =	stream.indirect.scatter.add.f32 [tilespmem:s15], [sflag:$0x3], $0x80, s24, s14, $0xb8;
	[tilespmem:$0x1E0C0] =	vst v63  }
0x4c: {  	_ =	swait.ge [sflag:s13], $0x4000  }
0x4d: {  	s25 =	simm.s32 $0x0;
	[sflag:s13] =	ssyncset.done $0x0  }
0x4e: {  	s26 =	simm.s32 $0x1400;
	[sflag:s13] =	ssyncadd.s32 $0xFFFFC000;
	s13 =	simm.s32 $0x3  }
0x4f: {  	[tilespmem:s26], [sflag:$0x3] =	stream.linear.gather [hbm4b:s17+s25], $0x1400, $0x38;
	[tilespmem:$0x1E0C0] =	vst v63  }
0x50: {  	_ =	swait.ge [sflag:s13], $0x1400  }
0x51: {  	[sflag:s13] =	ssyncset.done $0x0  }
0x52: {  	[sflag:s13] =	ssyncadd.s32 $0xFFFFEC00  }
0x53: {  	[tilespmem:s25], [sflag:$0x3] =	stream.linear.gather [hbm4b:s16+s25], $0x1400, $0x38;
	[tilespmem:$0x1E0C0] =	vst v63  }
0x54: {  	_ =	swait.ge [sflag:s13], $0x1400  }
0x55: {  	s28 =	simm.s32 $0x1400;
	[sflag:s13] =	ssyncset.done $0x0  }
0x56: {  	s14 =	simm.s32 $0x80;
	s16 =	simm.s32 $0x2800;
	[sflag:s13] =	ssyncadd.s32 $0xFFFFEC00  }
0x57: {  	[tilespmem:s16], [sflag:$0x1] =	stream.indirect.gather [hbm4b:s4+s14], $0x80, s28, s14, $0xb8;
	[tilespmem:$0x1E0C0] =	vst v63  }
0x58: {  	s29 =	simm.s32 $0x1480;
	s15 =	simm.s32 $0x6800;
	s17 =	simm.s32 $0x1  }
0x59: {  	[tilespmem:s15], [sflag:$0x2] =	stream.indirect.gather [hbm4b:s4+s14], $0x80, s29, s14, $0xb8;
	[tilespmem:$0x1E0C0] =	vst v63  }
0x5a: {  	_ =	swait.ge [sflag:s17], $0x4000  }
0x5b: {  	[sflag:s17] =	ssyncset.done $0x0  }
0x5c: {  	s30 =	simm.s32 $0x0;
	[sflag:s17] =	ssyncadd.s32 $0xFFFFC000  }
0x5d: {  	[spmem:s2] =	stream.indirect.scatter.add.f32 [tilespmem:s16], [sflag:$0x3], $0x80, s30, s14, $0xb8;
	[tilespmem:$0x1E0C0] =	vst v63  }
0x5e: {  	_ =	swait.ge [sflag:s13], $0x4000  }
0x5f: {  	[sflag:s13] =	ssyncset.done $0x0  }
0x60: {  	s18 =	simm.s32 $0x2;
	[sflag:s13] =	ssyncadd.s32 $0xFFFFC000  }
0x61: {  	_ =	swait.ge [sflag:s18], $0x4000  }
0x62: {  	[sflag:s18] =	ssyncset.done $0x0  }
0x63: {  	s31 =	simm.s32 $0x80;
	[sflag:s18] =	ssyncadd.s32 $0xFFFFC000  }
0x64: {  	[spmem:s2] =	stream.indirect.scatter.add.f32 [tilespmem:s15], [sflag:$0x3], $0x80, s31, s14, $0xb8;
	[tilespmem:$0x1E0C0] =	vst v63  }
0x65: {  	_ =	swait.ge [sflag:s13], $0x4000  }
0x66: {  	s19 =	simm.s32 $0x100;
	s20 =	simm.s32 $0x800;
	[sflag:s13] =	ssyncset.done $0x0  }
.LBB2_3:
0x67: {  	s21 =	sadd.s32 $0x1400, s19  }
0x68: {  	[sflag:s13] =	ssyncadd.s32 $0xFFFFC000;
	s22 =	smov.u32 s20;
	s23 =	sadd.s32 $0x400, s20  }
0x69: {  	[tilespmem:s16], [sflag:$0x1] =	stream.indirect.gather [hbm4b:s4+s14], $0x80, s21, s14, $0xb8;
	[tilespmem:$0x1E0C0] =	vst v63  }
0x6a: {  	p1 =	sne.s32 s20, $0x4C00;
	s20 =	sadd.s32 $0x1480, s19  }
0x6b: {  	[tilespmem:s15], [sflag:$0x2] =	stream.indirect.gather [hbm4b:s4+s14], $0x80, s20, s14, $0xb8;
	[tilespmem:$0x1E0C0] =	vst v63  }
0x6c: {  	_ =	swait.ge [sflag:s17], $0x4000  }
0x6d: {  	[sflag:s17] =	ssyncset.done $0x0  }
0x6e: {  	[sflag:s17] =	ssyncadd.s32 $0xFFFFC000  }
0x6f: {  	[spmem:s2] =	stream.indirect.scatter.add.f32 [tilespmem:s16], [sflag:$0x3], $0x80, s19, s14, $0xb8;
	[tilespmem:$0x1E0C0] =	vst v63  }
0x70: {  	_ =	swait.ge [sflag:s13], $0x4000  }
0x71: {  	[sflag:s13] =	ssyncset.done $0x0  }
0x72: {  	[sflag:s13] =	ssyncadd.s32 $0xFFFFC000  }
0x73: {  	_ =	swait.ge [sflag:s18], $0x4000  }
.Ltmp1:
0x74: {  	[sflag:s18] =	ssyncset.done $0x0;
	(pc) =	sbr.rel @p1 .LBB2_3-.Ltmp1, $4  }
0x75: {  	s19 =	sadd.s32 $0x80, s19;
	[sflag:s18] =	ssyncadd.s32 $0xFFFFC000  }
0x76: {  	[spmem:s2] =	stream.indirect.scatter.add.f32 [tilespmem:s15], [sflag:$0x3], $0x80, s19, s14, $0xb8;
	[tilespmem:$0x1E0C0] =	vst v63  }
0x77: {  	_ =	swait.ge [sflag:s13], $0x4000  }
0x78: {  	s20 =	smov.u32 s23;
	s19 =	sshra.s32 s22, $0x2;
	[sflag:s13] =	ssyncset.done $0x0  }
0x79: {  	s20 =	sadd.s32 $0x1400, s19;
	[sflag:s13] =	ssyncadd.s32 $0xFFFFC000  }
0x7a: {  	[tilespmem:s16], [sflag:$0x1] =	stream.indirect.gather [hbm4b:s4+s14], $0x80, s20, s14, $0xb8;
	[tilespmem:$0x1E0C0] =	vst v63  }
0x7b: {  	s23 =	sadd.s32 $0x1480, s19  }
0x7c: {  	[tilespmem:s15], [sflag:$0x2] =	stream.indirect.gather [hbm4b:s4+s14], $0x80, s23, s14, $0xb8;
	[tilespmem:$0x1E0C0] =	vst v63  }
0x7d: {  	_ =	swait.ge [sflag:s17], $0x4000  }
0x7e: {  	[sflag:s17] =	ssyncset.done $0x0  }
0x7f: {  	[sflag:s17] =	ssyncadd.s32 $0xFFFFC000  }
0x80: {  	[spmem:s2] =	stream.indirect.scatter.add.f32 [tilespmem:s16], [sflag:$0x3], $0x80, s19, s14, $0xb8;
	[tilespmem:$0x1E0C0] =	vst v63  }
0x81: {  	_ =	swait.ge [sflag:s13], $0x4000  }
0x82: {  	[sflag:s13] =	ssyncset.done $0x0  }
0x83: {  	[sflag:s13] =	ssyncadd.s32 $0xFFFFC000  }
0x84: {  	_ =	swait.ge [sflag:s18], $0x4000  }
0x85: {  	[sflag:s18] =	ssyncset.done $0x0  }
0x86: {  	s24 =	sadd.s32 $0x80, s19;
	[sflag:s18] =	ssyncadd.s32 $0xFFFFC000  }
0x87: {  	[spmem:s2] =	stream.indirect.scatter.add.f32 [tilespmem:s15], [sflag:$0x3], $0x80, s24, s14, $0xb8;
	[tilespmem:$0x1E0C0] =	vst v63  }
0x88: {  	_ =	swait.ge [sflag:s13], $0x4000  }
0x89: {  	[sflag:s13] =	ssyncset.done $0x0  }
0x8a: {  	s25 =	simm.s32 $0x0;
	s26 =	simm.s32 $0x1400;
	[sflag:s13] =	ssyncadd.s32 $0xFFFFC000  }
0x8b: {  	[tilespmem:s26], [sflag:$0x3] =	stream.linear.gather [hbm4b:s12+s25], $0x1400, $0x38;
	[tilespmem:$0x1E0C0] =	vst v63  }
0x8c: {  	s12 =	simm.s32 $0x3  }
0x8d: {  	_ =	swait.ge [sflag:s12], $0x1400  }
0x8e: {  	[sflag:s12] =	ssyncset.done $0x0  }
0x8f: {  	[sflag:s12] =	ssyncadd.s32 $0xFFFFEC00  }
0x90: {  	[tilespmem:s25], [sflag:$0x3] =	stream.linear.gather [hbm4b:s11+s25], $0x1400, $0x38;
	[tilespmem:$0x1E0C0] =	vst v63  }
0x91: {  	_ =	swait.ge [sflag:s12], $0x1400  }
0x92: {  	s28 =	simm.s32 $0x1400;
	[sflag:s12] =	ssyncset.done $0x0  }
0x93: {  	s14 =	simm.s32 $0x2800;
	s11 =	simm.s32 $0x80;
	[sflag:s12] =	ssyncadd.s32 $0xFFFFEC00  }
0x94: {  	[tilespmem:s14], [sflag:$0x1] =	stream.indirect.gather [hbm4b:s4+s11], $0x80, s28, s11, $0xb8;
	[tilespmem:$0x1E0C0] =	vst v63  }
0x95: {  	s29 =	simm.s32 $0x1480;
	s15 =	simm.s32 $0x1;
	s13 =	simm.s32 $0x6800  }
0x96: {  	[tilespmem:s13], [sflag:$0x2] =	stream.indirect.gather [hbm4b:s4+s11], $0x80, s29, s11, $0xb8;
	[tilespmem:$0x1E0C0] =	vst v63  }
0x97: {  	_ =	swait.ge [sflag:s15], $0x4000  }
0x98: {  	[sflag:s15] =	ssyncset.done $0x0  }
0x99: {  	s30 =	simm.s32 $0x0;
	[sflag:s15] =	ssyncadd.s32 $0xFFFFC000  }
0x9a: {  	[spmem:s2] =	stream.indirect.scatter.add.f32 [tilespmem:s14], [sflag:$0x3], $0x80, s30, s11, $0xb8;
	[tilespmem:$0x1E0C0] =	vst v63  }
0x9b: {  	_ =	swait.ge [sflag:s12], $0x4000  }
0x9c: {  	[sflag:s12] =	ssyncset.done $0x0  }
0x9d: {  	s16 =	simm.s32 $0x2;
	[sflag:s12] =	ssyncadd.s32 $0xFFFFC000  }
0x9e: {  	_ =	swait.ge [sflag:s16], $0x4000  }
0x9f: {  	[sflag:s16] =	ssyncset.done $0x0  }
0xa0: {  	s31 =	simm.s32 $0x80;
	[sflag:s16] =	ssyncadd.s32 $0xFFFFC000  }
0xa1: {  	[spmem:s2] =	stream.indirect.scatter.add.f32 [tilespmem:s13], [sflag:$0x3], $0x80, s31, s11, $0xb8;
	[tilespmem:$0x1E0C0] =	vst v63  }
0xa2: {  	_ =	swait.ge [sflag:s12], $0x4000  }
0xa3: {  	s17 =	simm.s32 $0x100;
	s18 =	simm.s32 $0x800;
	[sflag:s12] =	ssyncset.done $0x0  }
.LBB2_5:
0xa4: {  	s19 =	sadd.s32 $0x1400, s17  }
0xa5: {  	[sflag:s12] =	ssyncadd.s32 $0xFFFFC000;
	s20 =	smov.u32 s18;
	s21 =	sadd.s32 $0x400, s18  }
0xa6: {  	[tilespmem:s14], [sflag:$0x1] =	stream.indirect.gather [hbm4b:s4+s11], $0x80, s19, s11, $0xb8;
	[tilespmem:$0x1E0C0] =	vst v63  }
0xa7: {  	p1 =	sne.s32 s18, $0x4C00;
	s18 =	sadd.s32 $0x1480, s17  }
0xa8: {  	[tilespmem:s13], [sflag:$0x2] =	stream.indirect.gather [hbm4b:s4+s11], $0x80, s18, s11, $0xb8;
	[tilespmem:$0x1E0C0] =	vst v63  }
0xa9: {  	_ =	swait.ge [sflag:s15], $0x4000  }
0xaa: {  	[sflag:s15] =	ssyncset.done $0x0  }
0xab: {  	[sflag:s15] =	ssyncadd.s32 $0xFFFFC000  }
0xac: {  	[spmem:s2] =	stream.indirect.scatter.add.f32 [tilespmem:s14], [sflag:$0x3], $0x80, s17, s11, $0xb8;
	[tilespmem:$0x1E0C0] =	vst v63  }
0xad: {  	_ =	swait.ge [sflag:s12], $0x4000  }
0xae: {  	[sflag:s12] =	ssyncset.done $0x0  }
0xaf: {  	[sflag:s12] =	ssyncadd.s32 $0xFFFFC000  }
0xb0: {  	_ =	swait.ge [sflag:s16], $0x4000  }
.Ltmp2:
0xb1: {  	[sflag:s16] =	ssyncset.done $0x0;
	(pc) =	sbr.rel @p1 .LBB2_5-.Ltmp2, $4  }
0xb2: {  	s17 =	sadd.s32 $0x80, s17;
	[sflag:s16] =	ssyncadd.s32 $0xFFFFC000  }
0xb3: {  	[spmem:s2] =	stream.indirect.scatter.add.f32 [tilespmem:s13], [sflag:$0x3], $0x80, s17, s11, $0xb8;
	[tilespmem:$0x1E0C0] =	vst v63  }
0xb4: {  	_ =	swait.ge [sflag:s12], $0x4000  }
0xb5: {  	s18 =	smov.u32 s21;
	s17 =	sshra.s32 s20, $0x2;
	[sflag:s12] =	ssyncset.done $0x0  }
0xb6: {  	s18 =	sadd.s32 $0x1400, s17;
	[sflag:s12] =	ssyncadd.s32 $0xFFFFC000  }
0xb7: {  	[tilespmem:s14], [sflag:$0x1] =	stream.indirect.gather [hbm4b:s4+s11], $0x80, s18, s11, $0xb8;
	[tilespmem:$0x1E0C0] =	vst v63  }
0xb8: {  	s23 =	sadd.s32 $0x1480, s17  }
0xb9: {  	[tilespmem:s13], [sflag:$0x2] =	stream.indirect.gather [hbm4b:s4+s11], $0x80, s23, s11, $0xb8;
	[tilespmem:$0x1E0C0] =	vst v63  }
0xba: {  	_ =	swait.ge [sflag:s15], $0x4000  }
0xbb: {  	[sflag:s15] =	ssyncset.done $0x0  }
0xbc: {  	[sflag:s15] =	ssyncadd.s32 $0xFFFFC000  }
0xbd: {  	[spmem:s2] =	stream.indirect.scatter.add.f32 [tilespmem:s14], [sflag:$0x3], $0x80, s17, s11, $0xb8;
	[tilespmem:$0x1E0C0] =	vst v63  }
0xbe: {  	_ =	swait.ge [sflag:s12], $0x4000  }
0xbf: {  	[sflag:s12] =	ssyncset.done $0x0  }
0xc0: {  	[sflag:s12] =	ssyncadd.s32 $0xFFFFC000  }
0xc1: {  	_ =	swait.ge [sflag:s16], $0x4000  }
0xc2: {  	[sflag:s16] =	ssyncset.done $0x0  }
0xc3: {  	s24 =	sadd.s32 $0x80, s17;
	[sflag:s16] =	ssyncadd.s32 $0xFFFFC000  }
0xc4: {  	[spmem:s2] =	stream.indirect.scatter.add.f32 [tilespmem:s13], [sflag:$0x3], $0x80, s24, s11, $0xb8;
	[tilespmem:$0x1E0C0] =	vst v63  }
0xc5: {  	_ =	swait.ge [sflag:s12], $0x4000  }
0xc6: {  	[sflag:s12] =	ssyncset.done $0x0  }
0xc7: {  	s25 =	simm.s32 $0x0;
	s26 =	simm.s32 $0x1400;
	[sflag:s12] =	ssyncadd.s32 $0xFFFFC000  }
0xc8: {  	[tilespmem:s26], [sflag:$0x3] =	stream.linear.gather [hbm4b:s10+s25], $0x1400, $0x38;
	[tilespmem:$0x1E0C0] =	vst v63  }
0xc9: {  	s10 =	simm.s32 $0x3  }
0xca: {  	_ =	swait.ge [sflag:s10], $0x1400  }
0xcb: {  	[sflag:s10] =	ssyncset.done $0x0  }
0xcc: {  	[sflag:s10] =	ssyncadd.s32 $0xFFFFEC00  }
0xcd: {  	[tilespmem:s25], [sflag:$0x3] =	stream.linear.gather [hbm4b:s9+s25], $0x1400, $0x38;
	[tilespmem:$0x1E0C0] =	vst v63  }
0xce: {  	_ =	swait.ge [sflag:s10], $0x1400  }
0xcf: {  	s28 =	simm.s32 $0x1400;
	[sflag:s10] =	ssyncset.done $0x0  }
0xd0: {  	s12 =	simm.s32 $0x2800;
	s9 =	simm.s32 $0x80;
	[sflag:s10] =	ssyncadd.s32 $0xFFFFEC00  }
0xd1: {  	[tilespmem:s12], [sflag:$0x1] =	stream.indirect.gather [hbm4b:s4+s9], $0x80, s28, s9, $0xb8;
	[tilespmem:$0x1E0C0] =	vst v63  }
0xd2: {  	s29 =	simm.s32 $0x1480;
	s11 =	simm.s32 $0x6800;
	s13 =	simm.s32 $0x1  }
0xd3: {  	[tilespmem:s11], [sflag:$0x2] =	stream.indirect.gather [hbm4b:s4+s9], $0x80, s29, s9, $0xb8;
	[tilespmem:$0x1E0C0] =	vst v63  }
0xd4: {  	_ =	swait.ge [sflag:s13], $0x4000  }
0xd5: {  	[sflag:s13] =	ssyncset.done $0x0  }
0xd6: {  	s30 =	simm.s32 $0x0;
	[sflag:s13] =	ssyncadd.s32 $0xFFFFC000  }
0xd7: {  	[spmem:s2] =	stream.indirect.scatter.add.f32 [tilespmem:s12], [sflag:$0x3], $0x80, s30, s9, $0xb8;
	[tilespmem:$0x1E0C0] =	vst v63  }
0xd8: {  	_ =	swait.ge [sflag:s10], $0x4000  }
0xd9: {  	[sflag:s10] =	ssyncset.done $0x0  }
0xda: {  	s14 =	simm.s32 $0x2;
	[sflag:s10] =	ssyncadd.s32 $0xFFFFC000  }
0xdb: {  	_ =	swait.ge [sflag:s14], $0x4000  }
0xdc: {  	[sflag:s14] =	ssyncset.done $0x0  }
0xdd: {  	s31 =	simm.s32 $0x80;
	[sflag:s14] =	ssyncadd.s32 $0xFFFFC000  }
0xde: {  	[spmem:s2] =	stream.indirect.scatter.add.f32 [tilespmem:s11], [sflag:$0x3], $0x80, s31, s9, $0xb8;
	[tilespmem:$0x1E0C0] =	vst v63  }
0xdf: {  	_ =	swait.ge [sflag:s10], $0x4000  }
0xe0: {  	s15 =	simm.s32 $0x100;
	s16 =	simm.s32 $0x800;
	[sflag:s10] =	ssyncset.done $0x0  }
.LBB2_7:
0xe1: {  	s17 =	sadd.s32 $0x1400, s15  }
0xe2: {  	[sflag:s10] =	ssyncadd.s32 $0xFFFFC000;
	s18 =	smov.u32 s16;
	s19 =	sadd.s32 $0x400, s16  }
0xe3: {  	[tilespmem:s12], [sflag:$0x1] =	stream.indirect.gather [hbm4b:s4+s9], $0x80, s17, s9, $0xb8;
	[tilespmem:$0x1E0C0] =	vst v63  }
0xe4: {  	p1 =	sne.s32 s16, $0x4C00;
	s16 =	sadd.s32 $0x1480, s15  }
0xe5: {  	[tilespmem:s11], [sflag:$0x2] =	stream.indirect.gather [hbm4b:s4+s9], $0x80, s16, s9, $0xb8;
	[tilespmem:$0x1E0C0] =	vst v63  }
0xe6: {  	_ =	swait.ge [sflag:s13], $0x4000  }
0xe7: {  	[sflag:s13] =	ssyncset.done $0x0  }
0xe8: {  	[sflag:s13] =	ssyncadd.s32 $0xFFFFC000  }
0xe9: {  	[spmem:s2] =	stream.indirect.scatter.add.f32 [tilespmem:s12], [sflag:$0x3], $0x80, s15, s9, $0xb8;
	[tilespmem:$0x1E0C0] =	vst v63  }
0xea: {  	_ =	swait.ge [sflag:s10], $0x4000  }
0xeb: {  	[sflag:s10] =	ssyncset.done $0x0  }
0xec: {  	[sflag:s10] =	ssyncadd.s32 $0xFFFFC000  }
0xed: {  	_ =	swait.ge [sflag:s14], $0x4000  }
.Ltmp3:
0xee: {  	[sflag:s14] =	ssyncset.done $0x0;
	(pc) =	sbr.rel @p1 .LBB2_7-.Ltmp3, $4  }
0xef: {  	s15 =	sadd.s32 $0x80, s15;
	[sflag:s14] =	ssyncadd.s32 $0xFFFFC000  }
0xf0: {  	[spmem:s2] =	stream.indirect.scatter.add.f32 [tilespmem:s11], [sflag:$0x3], $0x80, s15, s9, $0xb8;
	[tilespmem:$0x1E0C0] =	vst v63  }
0xf1: {  	_ =	swait.ge [sflag:s10], $0x4000  }
0xf2: {  	s16 =	smov.u32 s19;
	s15 =	sshra.s32 s18, $0x2;
	[sflag:s10] =	ssyncset.done $0x0  }
0xf3: {  	s16 =	sadd.s32 $0x1400, s15;
	[sflag:s10] =	ssyncadd.s32 $0xFFFFC000  }
0xf4: {  	[tilespmem:s12], [sflag:$0x1] =	stream.indirect.gather [hbm4b:s4+s9], $0x80, s16, s9, $0xb8;
	[tilespmem:$0x1E0C0] =	vst v63  }
0xf5: {  	s29 =	sadd.s32 $0x1480, s15  }
0xf6: {  	[tilespmem:s11], [sflag:$0x2] =	stream.indirect.gather [hbm4b:s4+s9], $0x80, s29, s9, $0xb8;
	[tilespmem:$0x1E0C0] =	vst v63  }
0xf7: {  	_ =	swait.ge [sflag:s13], $0x4000  }
0xf8: {  	[sflag:s13] =	ssyncset.done $0x0  }
0xf9: {  	[sflag:s13] =	ssyncadd.s32 $0xFFFFC000  }
0xfa: {  	[spmem:s2] =	stream.indirect.scatter.add.f32 [tilespmem:s12], [sflag:$0x3], $0x80, s15, s9, $0xb8;
	[tilespmem:$0x1E0C0] =	vst v63  }
0xfb: {  	_ =	swait.ge [sflag:s10], $0x4000  }
0xfc: {  	[sflag:s10] =	ssyncset.done $0x0  }
0xfd: {  	[sflag:s10] =	ssyncadd.s32 $0xFFFFC000  }
0xfe: {  	_ =	swait.ge [sflag:s14], $0x4000  }
0xff: {  	[sflag:s14] =	ssyncset.done $0x0  }
0x100: {  	s30 =	sadd.s32 $0x80, s15;
	[sflag:s14] =	ssyncadd.s32 $0xFFFFC000  }
0x101: {  	[spmem:s2] =	stream.indirect.scatter.add.f32 [tilespmem:s11], [sflag:$0x3], $0x80, s30, s9, $0xb8;
	[tilespmem:$0x1E0C0] =	vst v63  }
0x102: {  	_ =	swait.ge [sflag:s10], $0x4000  }
0x103: {  	[sflag:s10] =	ssyncset.done $0x0  }
0x104: {  	[sflag:s10] =	ssyncadd.s32 $0xFFFFC000  }
0x105: {  	s31 =	simm.s32 $0x3;
	[bflag:$0x0] =	sbarrier.arrive $0xFFFF  }
0x106: {  	[hbm:s8], [sflag:s3] =	dma.local [spmem:s5], $0x2700  }
0x107: {  	_ =	swait.ge [sflag:s31], $0x2700  }
0x108: {  	[sflag:s31] =	ssyncset.done $0x0  }
0x109: {  	s2 =	simm.s32 @!p0 $0x3;
	[sflag:s31] =	ssyncadd.s32 $0xFFFFD900  }
0x10a: {  	[hbm:s7], [sflag:s3] =	dma.local @!p0 [spmem:s6], $0x100  }
0x10b: {  	_ =	swait.ge @!p0 [sflag:s2], $0x100  }
0x10c: {  	[sflag:s2] =	ssyncset.done @!p0 $0x0  }
0x10d: {  	[sflag:s2] =	ssyncadd.s32 @!p0 $0xFFFFFF00  }
0x10e: {  	_ =	sfence.sel $0x180000  }
0x10f: {  	[bflag:$0x0] =	sbarrier.arrive $0xFFFF  }
0x110: {  	p0 =	sne.s32 s1, $0x0;
	_ =	strace $0x9000004D  }
0x111: {  	s0 =	sadd.s32 @!p0 $0x100000, s0;
	[bflag:$0x2] =	sbarrier.arrive $0xFFFF  }
0x112: {  	[sflag:s0] =	ssyncadd.tile.s32 @!p0 $0x1;
	_ =	shalt  }
.Lfunc_end2:
_tile_overlayer_lowered:
.L_overlay_start_2:
0x113: {  	(tag) =	ssettag $0x2  }
0x114: {  	s0 =	rddreg [dreg:$0x0];
	s2 =	stileid.u32  }
0x115: {  	s1 =	rddreg [dreg:$0x1];
	p0 =	sne.s32 s2, $0x0  }
0x116: {  	s3 =	rddreg [dreg:$0x2];
	[bflag:$0x3] =	sbarrier.arrive $0xFFFF;
	s2 =	simm.s32 @!p0 $0x1C03  }
0x117: {  	[timem:s3], [sflag:s2] =	dma.local @!p0 [hbm:s0], s1  }
0x118: {  	s0 =	simm.s32 @!p0 $0x3  }
0x119: {  	_ =	swait.ge @!p0 [sflag:s0], s1  }
0x11a: {  	s1 =	ssub.s32 @!p0 $0x0, s1;
	[sflag:s0] =	ssyncset.done @!p0 $0x0  }
0x11b: {  	[sflag:s0] =	ssyncadd.s32 @!p0 s1  }
0x11c: {  	[bflag:$0x3] =	sbarrier.arrive $0xFFFF  }
0x11d: {  	_ =	shalt  }

// kernel: kernel.8.cloned.1.call-start
scs
__scs_entry_jumppad:
0x0: {  	(pc) =	sbr.rel $0x88, $3  }
0x1: {  	(tag) =	ssettag $0x0;
	lr =	simm.s32 $0x1  }
0x2: {  	[smem:$0x3F97] =	sst lr;
	_ =	strace $0xD0000000  }
0x3: {  	_ = 	snop  }
0x4: {  	_ = 	snop  }
0x5: {  	_ = 	snop  }
0x6: {  	_ = 	snop  }
0x7: {  	_ = 	snop  }
__scs_overlays_trampoline_lowered:
0x8: {  	[smem:$0x3FA6] =	sst s0  }
0x9: {  	[smem:$0x3FA7] =	sst s1  }
0xa: {  	[smem:$0x3FA8] =	sst s2  }
0xb: {  	[smem:$0x3FA9] =	sst s3  }
0xc: {  	[smem:$0x3FAA] =	sst s4  }
0xd: {  	[smem:$0x3FAB] =	sst s5  }
0xe: {  	[smem:$0x3FAC] =	sst s6  }
0xf: {  	[smem:$0x3FAD] =	sst s7  }
0x10: {  	[smem:$0x3FAE] =	sst s8  }
0x11: {  	[smem:$0x3FAF] =	sst s9;
	s0 =	simm.s32 @!p0 $0x0  }
0x12: {  	s1 =	sld [smem:$0x3F95];
	s0 =	simm.s32 @p0 $0x1  }
0x13: {  	[smem:$0x3FB0] =	sst s0;
	s0 =	simm.s32 @!p1 $0x0  }
0x14: {  	s2 =	sld [smem:$0x3F94];
	s0 =	simm.s32 @p1 $0x1  }
0x15: {  	[smem:$0x3FB1] =	sst s0;
	s0 =	simm.s32 @!p2 $0x0  }
0x16: {  	s3 =	sld [smem:$0x3FDB];
	s0 =	simm.s32 @p2 $0x1  }
0x17: {  	s4 =	simm.s32 $0x1BF5;
	[smem:$0x3FB3] =	sst s0  }
0x18: {  	s0 =	sld [smem:$0x3F96];
	_ =	swait.ge [sflag:s4], $0x0  }
0x19: {  	s7 =	sld [smem:$0x3F97]  }
0x1a: {  	s8 =	sadd.s32 $0xFFFFE003, lr  }
0x1b: {  	s9 =	sadd.s32 $0xFFFFFEF7, lr;
	s5 =	simm.s32 $0xFFFFFFFF;
	p2 =	slt.u32 s8, $0xFFFFF086  }
0x1c: {  	p1 =	slt.u32 s9, $0xF7A;
	s5 =	simm.s32 @!p2 $0x0  }
0x1d: {  	s5 =	simm.s32 @p1 $0x1;
	p0 =	seq.s32 s7, s2  }
0x1e: {  	s7 =	smul.u32 @!p0 $0xF7A, s2;
	p2 =	seq.s32 @!p0 s5, $0x0  }
0x1f: {  	s9 =	smul.u32 $0xF7A, s1;
	s8 =	simm.s32 @!p0 $0x1BF5;
	p2 =	por !p2, p0  }
0x20: {  	[sflag:s8] =	ssyncset.s32 @!p0 $0xFFFFF086;
	s6 =	sadd.s32 @!p0 s3, s7;
	s7 =	simm.s32 @!p0 $0x108  }
0x21: {  	s3 =	sadd.s32 s3, s9;
	s6 =	sadd.s32 @!p0 $0x88, s6;
	s7 =	simm.s32 @p2 $0x1082  }
0x22: {  	[simem:s7], [sflag:s8] =	dma.local @!p0 [hbm:s6], $0xF7A  }
0x23: {  	s9 =	sor.u32 $0xD0000000, s2;
	s6 =	simm.s32 $0x108;
	_ =	swait.ge @!p0 [sflag:s8], $0x0  }
0x24: {  	s3 =	sadd.s32 $0x88, s3;
	s6 =	simm.s32 @!p1 $0x1082;
	[sflag:s4] =	ssyncset.s32 $0xFFFFF086  }
0x25: {  	[simem:s6], [sflag:s4] =	dma.local [hbm:s3], $0xF7A  }
0x26: {  	[smem:$0x3F97] =	sst s1;
	(tag) =	ssettag s2;
	_ =	strace s9  }
0x27: {  	s1 =	sld [smem:$0x3FA7]  }
0x28: {  	s2 =	sld [smem:$0x3FA8]  }
0x29: {  	s4 =	sld [smem:$0x3FAA]  }
0x2a: {  	p0 =	seq.s32 s5, $0x0;
	s5 =	sld [smem:$0x3FAB]  }
0x2b: {  	s6 =	sld [smem:$0x3FAC]  }
0x2c: {  	s7 =	sld [smem:$0x3FAD]  }
0x2d: {  	s3 =	simm.s32 $0x108;
	s8 =	sld [smem:$0x3FAE]  }
0x2e: {  	s3 =	simm.s32 @!p0 $0x1082;
	s9 =	sld [smem:$0x3FAF]  }
0x2f: {  	lr =	sadd.s32 s0, s3;
	s0 =	sld [smem:$0x3FA6]  }
0x30: {  	s3 =	sld [smem:$0x3FA9]  }
0x31: {  	[smem:$0x3FB2] =	sst s10  }
0x32: {  	s10 =	sld [smem:$0x3FB0];
	_ =	sdelay $0x3  }
0x33: {  	p0 =	seq.s32 s10, $0x1;
	s10 =	sld [smem:$0x3FB2];
	_ =	sdelay $0x3  }
0x34: {  	[smem:$0x3FB2] =	sst s10  }
0x35: {  	s10 =	sld [smem:$0x3FB1];
	_ =	sdelay $0x3  }
0x36: {  	p1 =	seq.s32 s10, $0x1;
	s10 =	sld [smem:$0x3FB2];
	_ =	sdelay $0x3  }
0x37: {  	[smem:$0x3FB2] =	sst s10  }
0x38: {  	s10 =	sld [smem:$0x3FB3]  }
0x39: {  	_ = 	snop;
	(pc) =	sbr.ind lr, $3  }
0x3a: {  	_ = 	snop  }
0x3b: {  	_ = 	snop  }
0x3c: {  	p2 =	seq.s32 s10, $0x1;
	s10 =	sld [smem:$0x3FB2]  }
0x3d: {  	_ =	shalt  }
0x3e: {  	_ =	shalt  }
0x3f: {  	_ =	shalt  }
0x40: {  	_ =	shalt  }
0x41: {  	_ =	shalt  }
0x42: {  	_ =	shalt  }
0x43: {  	_ =	shalt  }
0x44: {  	_ =	shalt  }
0x45: {  	_ =	shalt  }
0x46: {  	_ =	shalt  }
0x47: {  	_ =	shalt  }
0x48: {  	_ =	shalt  }
0x49: {  	_ =	shalt  }
0x4a: {  	_ =	shalt  }
0x4b: {  	_ =	shalt  }
0x4c: {  	_ =	shalt  }
0x4d: {  	_ =	shalt  }
0x4e: {  	_ =	shalt  }
0x4f: {  	_ =	shalt  }
0x50: {  	_ =	shalt  }
0x51: {  	_ =	shalt  }
0x52: {  	_ =	shalt  }
0x53: {  	_ =	shalt  }
0x54: {  	_ =	shalt  }
0x55: {  	_ =	shalt  }
0x56: {  	_ =	shalt  }
0x57: {  	_ =	shalt  }
0x58: {  	_ =	shalt  }
0x59: {  	_ =	shalt  }
0x5a: {  	_ =	shalt  }
0x5b: {  	_ =	shalt  }
0x5c: {  	_ =	shalt  }
0x5d: {  	_ =	shalt  }
0x5e: {  	_ =	shalt  }
0x5f: {  	_ =	shalt  }
0x60: {  	_ =	shalt  }
0x61: {  	_ =	shalt  }
0x62: {  	_ =	shalt  }
0x63: {  	_ =	shalt  }
0x64: {  	_ =	shalt  }
0x65: {  	_ =	shalt  }
0x66: {  	_ =	shalt  }
0x67: {  	_ =	shalt  }
0x68: {  	_ =	shalt  }
0x69: {  	_ =	shalt  }
0x6a: {  	_ =	shalt  }
0x6b: {  	_ =	shalt  }
0x6c: {  	_ =	shalt  }
0x6d: {  	_ =	shalt  }
0x6e: {  	_ =	shalt  }
0x6f: {  	_ =	shalt  }
0x70: {  	_ =	shalt  }
0x71: {  	_ =	shalt  }
0x72: {  	_ =	shalt  }
0x73: {  	_ =	shalt  }
0x74: {  	_ =	shalt  }
0x75: {  	_ =	shalt  }
0x76: {  	_ =	shalt  }
0x77: {  	_ =	shalt  }
0x78: {  	_ =	shalt  }
0x79: {  	_ =	shalt  }
0x7a: {  	_ =	shalt  }
0x7b: {  	_ =	shalt  }
0x7c: {  	_ =	shalt  }
0x7d: {  	_ =	shalt  }
0x7e: {  	_ =	shalt  }
0x7f: {  	_ =	shalt  }
0x80: {  	_ =	shalt  }
0x81: {  	_ =	shalt  }
0x82: {  	_ =	shalt  }
0x83: {  	_ =	shalt  }
0x84: {  	_ =	shalt  }
0x85: {  	_ =	shalt  }
0x86: {  	_ =	shalt  }
0x87: {  	_ =	shalt  }
.Lfunc_end0:
.L_simem_size_0:
called_computation_lowered:
.L_overlay_start_0:
0x88: {  	s0 =	sld [smem:$0x3FD9]  }
0x89: {  	s1 =	sld [smem:$0x3FFE];
	_ =	sdelay $0x3  }
0x8a: {  	s0 =	sadd.s32 s1, s0  }
0x8b: {  	[smem:$0x3FBE] =	sst s0  }
0x8c: {  	_ = 	snop  }
0x8d: {  	s0 =	sld [smem:$0x3FD0];
	_ =	sdelay $0x2  }
0x8e: {  	s13 =	simm.s32 $0xA;
	s2 =	simm.s32 $0x10  }
0x8f: {  	[smem:s2], [sflag:s13] =	dma.local [hbm:s0], $0x1  }
0x90: {  	_ =	swait.eq [sflag:s13], $0x1  }
0x91: {  	[sflag:s13] =	ssyncset.done $0x0  }
0x92: {  	[sflag:s13] =	ssyncadd.s32 $0xFFFFFFFF  }
0x93: {  	s14 =	sld [smem:$0x12];
	(tm) =	ssettm $0x1  }
0x94: {  	s15 =	sld [smem:$0x3FFB];
	_ =	sdelay $0x3  }
0x95: {  	_ =	strace s15  }
0x96: {  	s1 =	sld [smem:$0x3FFC];
	_ =	sdelay $0x3  }
0x97: {  	_ =	strace s1  }
0x98: {  	s1 =	sld [smem:$0x3FFD];
	_ =	sdelay $0x3  }
0x99: {  	_ =	strace s1  }
0x9a: {  	_ =	strace $0x8FFFFFFF  }
0x9b: {  	s16 =	sld [smem:$0x3FDB];
	_ =	sdelay $0x1  }
0x9c: {  	s17 =	simm.s32 $_scs_section_size  }
0x9d: {  	s3 =	simm.s32 $_size__tile_overlayer_lowered;
	s4 =	simm.s32 $_tile_overlayer_lowered  }
0x9e: {  	s20 =	simm.s32 $0x1BFF;
	s19 =	sshll.u32 s4, $0x1;
	s1 =	sadd.s32 s17, s16  }
0x9f: {  	s5 =	simm.s32 $0x0;
	s18 =	sshll.u32 s3, $0x1;
	s3 =	sadd.s32 s19, s1  }
0xa0: {  	[timem:s5], [sflag:s20] =	dma.local [hbm:s3], s18  }
0xa1: {  	_ =	swait.ge [sflag:s20], s18  }
0xa2: {  	s2 =	ssub.s32 $0x0, s18;
	[sflag:s20] =	ssyncset.done $0x0  }
0xa3: {  	[sflag:s20] =	ssyncadd.s32 s2;
	_ =	sdelay $0x1  }
0xa4: {  	s21 =	simm.s32 $0x1B8B  }
0xa5: {  	_ =	swait.ge [sflag:s21], $0x1  }
0xa6: {  	[sflag:s21] =	ssyncset.done $0x0  }
0xa7: {  	s23 =	simm.s32 $0x1B8E;
	s22 =	sld [smem:$0x3FFE];
	[sflag:s21] =	ssyncadd.s32 $0xFFFFFFFF  }
0xa8: {  	s24 =	simm.s32 $execute0_lowered;
	[smem:$0x3FD2] =	sst s23  }
0xa9: {  	s3 =	sshll.u32 s24, $0x1;
	_ =	strace $0x80000046;
	[dreg:$0x1] =	wrdreg $0xFFFFFFFF  }
0xaa: {  	s25 =	simm.s32 $_size_execute0_lowered;
	s1 =	sadd.s32 s1, s3;
	[dreg:$0x0] =	wrdreg $0x0  }
0xab: {  	s3 =	sshll.u32 s25, $0x1;
	[dreg:$0x2] =	wrdreg s1  }
0xac: {  	[dreg:$0x3] =	wrdreg s3  }
0xad: {  	[dreg:$0x4] =	wrdreg $0xC0  }
0xae: {  	_ =	task [dreg:s5], $0x5FFFF  }
0xaf: {  	[dreg:$0x1] =	wrdreg $0xFFFFFFFF  }
0xb0: {  	[dreg:$0x0] =	wrdreg $0x60  }
0xb1: {  	[dreg:$0x2] =	wrdreg s22  }
0xb2: {  	[dreg:$0x3] =	wrdreg s14  }
0xb3: {  	[dreg:$0x4] =	wrdreg $0x54000  }
0xb4: {  	[dreg:$0x5] =	wrdreg $0x9  }
0xb5: {  	_ =	task.clear_ibuf [dreg:s5], $0x6FFFF;
	_ =	strace $0x90000046  }
0xb6: {  	s26 =	simm.s32 $0x9;
	_ =	strace $0x80000048  }
0xb7: {  	_ =	swait.ge [sflag:s26], $0x1  }
0xb8: {  	[sflag:s26] =	ssyncadd.s32 $0xFFFFFFFF  }
0xb9: {  	_ =	strace $0x90000048  }
0xba: {  	_ =	sfence  }
0xbb: {  	s28 =	sld [smem:$0x0];
	_ =	sdelay $0x1  }
0xbc: {  	s29 =	srdreg.scid  }
0xbd: {  	s30 =	sshll.u32 s29, $0xD;
	s31 =	sshrl.u32 s29, $0x2  }
0xbe: {  	s2 =	sand.u32 $0x4000, s30;
	s1 =	sand.u32 $0x1, s29;
	s0 =	sadd.s32 s31, s28  }
0xbf: {  	s1 =	sor.u32 s2, s1;
	s0 =	sshll.u32 s0, $0x11  }
0xc0: {  	s0 =	sor.u32 s0, s1  }
0xc1: {  	s0 =	sadd.s32 $0x8F2B, s0  }
0xc2: {  	[sflag:s0] =	ssyncadd.remote.s32 $0x1  }
0xc3: {  	_ =	sfence.sel $0xFFFF  }
0xc4: {  	[dreg:$0x0] =	wrdreg $0xFFFFFFFF;
	(pc) =	sbr.abs _section_cstart, $3  }
0xc5: {  	[dreg:$0x1] =	wrdreg $0xFFFFFFFF  }
0xc6: {  	_ =	task.clear_ibuf [dreg:s5], $0x2FFFF;
	_ =	strace $0x9FFFFFFF  }
0xc7: {  	(tm) =	ssettm $0x7FFFFFFF  }
tec
execute0_lowered:
.L_overlay_start_1:
0x0: {  	(tag) =	ssettag $0x1  }
0x1: {  	s2 =	rddreg [dreg:$0x0]  }
0x2: {  	s6 =	rddreg [dreg:$0x1]  }
0x3: {  	s3 =	rddreg [dreg:$0x2]  }
0x4: {  	s0 =	rddreg [dreg:$0x3]  }
0x5: {  	s4 =	simm.s32 $0x0;
	s1 =	stileid.u32;
	s10 =	simm.s32 $0x200  }
0x6: {  	[smem:$0x7FF] =	sst s4;
	s7 =	smul.u32 $0x2700, s1;
	s5 =	sadd.s32 $0x17C00, s2  }
0x7: {  	s8 =	sadd.s32 $0x3C00, s2;
	s31 =	sshll.u32 s1, $0x6;
	s4 =	simm.s32 $0x0  }
0x8: {  	v0 =	vimm.f32 $1.000000000e+00;
	_ =	strace $0x80000047;
	s2 =	sor.u32 $0x1C03, s31;
	s9 =	sadd.s32 s5, s7  }
.LBB2_1:
0x9: {  	p0 =	sne.s32 s10, $0xFE00;
	[tilespmem:s4+$0x1470] =	vst v0  }
0xa: {  	[tilespmem:s4+$0x1400] =	vst v0  }
0xb: {  	[tilespmem:s4+$0x1410] =	vst v0  }
.Ltmp0:
0xc: {  	[tilespmem:s4+$0x1420] =	vst v0;
	(pc) =	sbr.rel @p0 .LBB2_1-.Ltmp0, $4  }
0xd: {  	[tilespmem:s4+$0x1430] =	vst v0  }
0xe: {  	[tilespmem:s4+$0x1440] =	vst v0  }
0xf: {  	[tilespmem:s4+$0x1450] =	vst v0  }
0x10: {  	[tilespmem:s4+$0x1460] =	vst v0;
	s4 =	sshra.s32 s10, $0x2;
	s10 =	sadd.s32 $0x200, s10  }
0x11: {  	[tilespmem:s4+$0x1470] =	vst v0  }
0x12: {  	[tilespmem:s4+$0x1400] =	vst v0  }
0x13: {  	[tilespmem:s4+$0x1410] =	vst v0  }
0x14: {  	[tilespmem:s4+$0x1420] =	vst v0;
	s10 =	smul.u32 $0x4E000, s1  }
0x15: {  	[tilespmem:s4+$0x1430] =	vst v0  }
0x16: {  	[tilespmem:s4+$0x1440] =	vst v0;
	s10 =	sshrl.u32 s10, $0x2  }
0x17: {  	[tilespmem:s4+$0x1450] =	vst v0;
	s10 =	sadd.s32 s10, s3  }
0x18: {  	[tilespmem:s4+$0x1460] =	vst v0;
	s26 =	simm.s32 $0x3;
	s4 =	sshrl.u32 s10, $0x3  }
0x19: {  	[spmem:s4], [sflag:s2] =	dma.local [hbm:s9], $0x2700  }
0x1a: {  	p0 =	sne.s32 s1, $0xF;
	_ =	swait.ge [sflag:s26], $0x2700  }
0x1b: {  	s11 =	sadd.s32 @!p0 $0x27000, s5;
	s10 =	sadd.s32 $0x138000, s3;
	[sflag:s26] =	ssyncset.done $0x0  }
0x1c: {  	s5 =	sshrl.u32 @!p0 s10, $0x3;
	s10 =	simm.s32 @!p0 $0x3;
	[sflag:s26] =	ssyncadd.s32 $0xFFFFD900  }
0x1d: {  	[spmem:s5], [sflag:s2] =	dma.local @!p0 [hbm:s11], $0x180  }
0x1e: {  	s28 =	smul.u32 $0x5000, s1;
	_ =	swait.ge @!p0 [sflag:s10], $0x180  }
0x1f: {  	[sflag:s10] =	ssyncset.done @!p0 $0x0  }
0x20: {  	s11 =	sshrl.u32 s28, $0x3;
	[sflag:s10] =	ssyncadd.s32 @!p0 $0xFFFFFE80  }
0x21: {  	s29 =	simm.s32 $0x0;
	s8 =	sadd.s32 s8, s11;
	[bflag:$0x0] =	sbarrier.arrive $0xFFFF  }
0x22: {  	[tilespmem:s29], [sflag:$0x3] =	stream.linear.gather [hbm4b:s8+s29], $0x1400, $0x38;
	[tilespmem:$0x18CC0] =	vst v63  }
0x23: {  	_ =	swait.ge [sflag:s26], $0x1400  }
0x24: {  	s12 =	simm.s32 $0x1400;
	[sflag:s26] =	ssyncset.done $0x0  }
0x25: {  	s30 =	simm.s32 $0x0;
	s11 =	simm.s32 $0x80;
	[sflag:s26] =	ssyncadd.s32 $0xFFFFEC00  }
0x26: {  	[spmem:s3] =	stream.indirect.scatter.add.f32 [tilespmem:s12], [sflag:$0x1], $0x80, s30, s11, $0xb8;
	[tilespmem:$0x18CC0] =	vst v63  }
0x27: {  	s13 =	simm.s32 $0x1;
	s31 =	simm.s32 $0x80  }
0x28: {  	[spmem:s3] =	stream.indirect.scatter.add.f32 [tilespmem:s12], [sflag:$0x2], $0x80, s31, s11, $0xb8;
	[tilespmem:$0x18CC0] =	vst v63  }
0x29: {  	_ =	swait.ge [sflag:s13], $0x4000  }
0x2a: {  	s14 =	simm.s32 $0x2;
	s7 =	sadd.s32 s6, s7;
	[sflag:s13] =	ssyncset.done $0x0  }
0x2b: {  	s6 =	sadd.s32 $0x27000, s6;
	s15 =	simm.s32 $0x400;
	[sflag:s13] =	ssyncadd.s32 $0xFFFFC000  }
0x2c: {  	s16 =	simm.s32 $0x800;
	s9 =	sadd.s32 $0x500, s8;
	_ =	swait.ge [sflag:s14], $0x4000  }
0x2d: {  	s10 =	sadd.s32 $0x280, s8;
	s8 =	sadd.s32 $0x780, s8;
	[sflag:s14] =	ssyncset.done $0x0  }
.LBB2_3:
0x2e: {  	s17 =	sshra.s32 s15, $0x2  }
0x2f: {  	[sflag:s14] =	ssyncadd.s32 $0xFFFFC000;
	s15 =	smov.u32 s16;
	s18 =	sadd.s32 $0x400, s16  }
0x30: {  	[spmem:s3] =	stream.indirect.scatter.add.f32 [tilespmem:s12], [sflag:$0x1], $0x80, s17, s11, $0xb8;
	[tilespmem:$0x18CC0] =	vst v63  }
0x31: {  	p1 =	sne.s32 s16, $0x4C00;
	s16 =	sadd.s32 $0x80, s17  }
0x32: {  	[spmem:s3] =	stream.indirect.scatter.add.f32 [tilespmem:s12], [sflag:$0x2], $0x80, s16, s11, $0xb8;
	[tilespmem:$0x18CC0] =	vst v63  }
.Ltmp1:
0x33: {  	_ =	swait.ge [sflag:s13], $0x4000;
	(pc) =	sbr.rel @p1 .LBB2_3-.Ltmp1, $4  }
0x34: {  	[sflag:s13] =	ssyncset.done $0x0  }
0x35: {  	[sflag:s13] =	ssyncadd.s32 $0xFFFFC000  }
0x36: {  	_ =	swait.ge [sflag:s14], $0x4000  }
0x37: {  	s16 =	smov.u32 s18;
	[sflag:s14] =	ssyncset.done $0x0  }
0x38: {  	s15 =	sshra.s32 s15, $0x2;
	[sflag:s14] =	ssyncadd.s32 $0xFFFFC000  }
0x39: {  	[spmem:s3] =	stream.indirect.scatter.add.f32 [tilespmem:s12], [sflag:$0x1], $0x80, s15, s11, $0xb8;
	[tilespmem:$0x18CC0] =	vst v63  }
0x3a: {  	s15 =	sadd.s32 $0x80, s15  }
0x3b: {  	[spmem:s3] =	stream.indirect.scatter.add.f32 [tilespmem:s12], [sflag:$0x2], $0x80, s15, s11, $0xb8;
	[tilespmem:$0x18CC0] =	vst v63  }
0x3c: {  	_ =	swait.ge [sflag:s13], $0x4000  }
0x3d: {  	[sflag:s13] =	ssyncset.done $0x0  }
0x3e: {  	[sflag:s13] =	ssyncadd.s32 $0xFFFFC000  }
0x3f: {  	_ =	swait.ge [sflag:s14], $0x4000  }
0x40: {  	[sflag:s14] =	ssyncset.done $0x0  }
0x41: {  	s28 =	simm.s32 $0x0;
	s29 =	simm.s32 $0x3;
	[sflag:s14] =	ssyncadd.s32 $0xFFFFC000  }
0x42: {  	[tilespmem:s28], [sflag:$0x3] =	stream.linear.gather [hbm4b:s10+s28], $0x1400, $0x38;
	[tilespmem:$0x18CC0] =	vst v63  }
0x43: {  	_ =	swait.ge [sflag:s29], $0x1400  }
0x44: {  	s30 =	simm.s32 $0x0;
	[sflag:s29] =	ssyncset.done $0x0  }
0x45: {  	s11 =	simm.s32 $0x1400;
	s10 =	simm.s32 $0x80;
	[sflag:s29] =	ssyncadd.s32 $0xFFFFEC00  }
0x46: {  	[spmem:s3] =	stream.indirect.scatter.add.f32 [tilespmem:s11], [sflag:$0x1], $0x80, s30, s10, $0xb8;
	[tilespmem:$0x18CC0] =	vst v63  }
0x47: {  	s31 =	simm.s32 $0x80;
	s12 =	simm.s32 $0x1  }
0x48: {  	[spmem:s3] =	stream.indirect.scatter.add.f32 [tilespmem:s11], [sflag:$0x2], $0x80, s31, s10, $0xb8;
	[tilespmem:$0x18CC0] =	vst v63  }
0x49: {  	_ =	swait.ge [sflag:s12], $0x4000  }
0x4a: {  	[sflag:s12] =	ssyncset.done $0x0  }
0x4b: {  	s13 =	simm.s32 $0x2;
	[sflag:s12] =	ssyncadd.s32 $0xFFFFC000  }
0x4c: {  	_ =	swait.ge [sflag:s13], $0x4000  }
0x4d: {  	s15 =	simm.s32 $0x800;
	s14 =	simm.s32 $0x400;
	[sflag:s13] =	ssyncset.done $0x0  }
.LBB2_5:
0x4e: {  	s16 =	sshra.s32 s14, $0x2  }
0x4f: {  	[sflag:s13] =	ssyncadd.s32 $0xFFFFC000;
	s14 =	smov.u32 s15;
	s17 =	sadd.s32 $0x400, s15  }
0x50: {  	[spmem:s3] =	stream.indirect.scatter.add.f32 [tilespmem:s11], [sflag:$0x1], $0x80, s16, s10, $0xb8;
	[tilespmem:$0x18CC0] =	vst v63  }
0x51: {  	p1 =	sne.s32 s15, $0x4C00;
	s15 =	sadd.s32 $0x80, s16  }
0x52: {  	[spmem:s3] =	stream.indirect.scatter.add.f32 [tilespmem:s11], [sflag:$0x2], $0x80, s15, s10, $0xb8;
	[tilespmem:$0x18CC0] =	vst v63  }
.Ltmp2:
0x53: {  	_ =	swait.ge [sflag:s12], $0x4000;
	(pc) =	sbr.rel @p1 .LBB2_5-.Ltmp2, $4  }
0x54: {  	[sflag:s12] =	ssyncset.done $0x0  }
0x55: {  	[sflag:s12] =	ssyncadd.s32 $0xFFFFC000  }
0x56: {  	_ =	swait.ge [sflag:s13], $0x4000  }
0x57: {  	s15 =	smov.u32 s17;
	[sflag:s13] =	ssyncset.done $0x0  }
0x58: {  	s14 =	sshra.s32 s14, $0x2;
	[sflag:s13] =	ssyncadd.s32 $0xFFFFC000  }
0x59: {  	[spmem:s3] =	stream.indirect.scatter.add.f32 [tilespmem:s11], [sflag:$0x1], $0x80, s14, s10, $0xb8;
	[tilespmem:$0x18CC0] =	vst v63  }
0x5a: {  	s14 =	sadd.s32 $0x80, s14  }
0x5b: {  	[spmem:s3] =	stream.indirect.scatter.add.f32 [tilespmem:s11], [sflag:$0x2], $0x80, s14, s10, $0xb8;
	[tilespmem:$0x18CC0] =	vst v63  }
0x5c: {  	_ =	swait.ge [sflag:s12], $0x4000  }
0x5d: {  	[sflag:s12] =	ssyncset.done $0x0  }
0x5e: {  	[sflag:s12] =	ssyncadd.s32 $0xFFFFC000  }
0x5f: {  	_ =	swait.ge [sflag:s13], $0x4000  }
0x60: {  	[sflag:s13] =	ssyncset.done $0x0  }
0x61: {  	s28 =	simm.s32 $0x0;
	s29 =	simm.s32 $0x3;
	[sflag:s13] =	ssyncadd.s32 $0xFFFFC000  }
0x62: {  	[tilespmem:s28], [sflag:$0x3] =	stream.linear.gather [hbm4b:s9+s28], $0x1400, $0x38;
	[tilespmem:$0x18CC0] =	vst v63  }
0x63: {  	_ =	swait.ge [sflag:s29], $0x1400  }
0x64: {  	s30 =	simm.s32 $0x0;
	[sflag:s29] =	ssyncset.done $0x0  }
0x65: {  	s10 =	simm.s32 $0x1400;
	s9 =	simm.s32 $0x80;
	[sflag:s29] =	ssyncadd.s32 $0xFFFFEC00  }
0x66: {  	[spmem:s3] =	stream.indirect.scatter.add.f32 [tilespmem:s10], [sflag:$0x1], $0x80, s30, s9, $0xb8;
	[tilespmem:$0x18CC0] =	vst v63  }
0x67: {  	s31 =	simm.s32 $0x80;
	s11 =	simm.s32 $0x1  }
0x68: {  	[spmem:s3] =	stream.indirect.scatter.add.f32 [tilespmem:s10], [sflag:$0x2], $0x80, s31, s9, $0xb8;
	[tilespmem:$0x18CC0] =	vst v63  }
0x69: {  	_ =	swait.ge [sflag:s11], $0x4000  }
0x6a: {  	[sflag:s11] =	ssyncset.done $0x0  }
0x6b: {  	s12 =	simm.s32 $0x2;
	[sflag:s11] =	ssyncadd.s32 $0xFFFFC000  }
0x6c: {  	_ =	swait.ge [sflag:s12], $0x4000  }
0x6d: {  	s14 =	simm.s32 $0x800;
	s13 =	simm.s32 $0x400;
	[sflag:s12] =	ssyncset.done $0x0  }
.LBB2_7:
0x6e: {  	s15 =	sshra.s32 s13, $0x2  }
0x6f: {  	[sflag:s12] =	ssyncadd.s32 $0xFFFFC000;
	s13 =	smov.u32 s14;
	s16 =	sadd.s32 $0x400, s14  }
0x70: {  	[spmem:s3] =	stream.indirect.scatter.add.f32 [tilespmem:s10], [sflag:$0x1], $0x80, s15, s9, $0xb8;
	[tilespmem:$0x18CC0] =	vst v63  }
0x71: {  	p1 =	sne.s32 s14, $0x4C00;
	s14 =	sadd.s32 $0x80, s15  }
0x72: {  	[spmem:s3] =	stream.indirect.scatter.add.f32 [tilespmem:s10], [sflag:$0x2], $0x80, s14, s9, $0xb8;
	[tilespmem:$0x18CC0] =	vst v63  }
.Ltmp3:
0x73: {  	_ =	swait.ge [sflag:s11], $0x4000;
	(pc) =	sbr.rel @p1 .LBB2_7-.Ltmp3, $4  }
0x74: {  	[sflag:s11] =	ssyncset.done $0x0  }
0x75: {  	[sflag:s11] =	ssyncadd.s32 $0xFFFFC000  }
0x76: {  	_ =	swait.ge [sflag:s12], $0x4000  }
0x77: {  	s14 =	smov.u32 s16;
	[sflag:s12] =	ssyncset.done $0x0  }
0x78: {  	s13 =	sshra.s32 s13, $0x2;
	[sflag:s12] =	ssyncadd.s32 $0xFFFFC000  }
0x79: {  	[spmem:s3] =	stream.indirect.scatter.add.f32 [tilespmem:s10], [sflag:$0x1], $0x80, s13, s9, $0xb8;
	[tilespmem:$0x18CC0] =	vst v63  }
0x7a: {  	s13 =	sadd.s32 $0x80, s13  }
0x7b: {  	[spmem:s3] =	stream.indirect.scatter.add.f32 [tilespmem:s10], [sflag:$0x2], $0x80, s13, s9, $0xb8;
	[tilespmem:$0x18CC0] =	vst v63  }
0x7c: {  	_ =	swait.ge [sflag:s11], $0x4000  }
0x7d: {  	[sflag:s11] =	ssyncset.done $0x0  }
0x7e: {  	[sflag:s11] =	ssyncadd.s32 $0xFFFFC000  }
0x7f: {  	_ =	swait.ge [sflag:s12], $0x4000  }
0x80: {  	[sflag:s12] =	ssyncset.done $0x0  }
0x81: {  	s28 =	simm.s32 $0x0;
	s29 =	simm.s32 $0x3;
	[sflag:s12] =	ssyncadd.s32 $0xFFFFC000  }
0x82: {  	[tilespmem:s28], [sflag:$0x3] =	stream.linear.gather [hbm4b:s8+s28], $0x1400, $0x38;
	[tilespmem:$0x18CC0] =	vst v63  }
0x83: {  	_ =	swait.ge [sflag:s29], $0x1400  }
0x84: {  	s30 =	simm.s32 $0x0;
	[sflag:s29] =	ssyncset.done $0x0  }
0x85: {  	s9 =	simm.s32 $0x1400;
	s8 =	simm.s32 $0x80;
	[sflag:s29] =	ssyncadd.s32 $0xFFFFEC00  }
0x86: {  	[spmem:s3] =	stream.indirect.scatter.add.f32 [tilespmem:s9], [sflag:$0x1], $0x80, s30, s8, $0xb8;
	[tilespmem:$0x18CC0] =	vst v63  }
0x87: {  	s31 =	simm.s32 $0x80;
	s10 =	simm.s32 $0x1  }
0x88: {  	[spmem:s3] =	stream.indirect.scatter.add.f32 [tilespmem:s9], [sflag:$0x2], $0x80, s31, s8, $0xb8;
	[tilespmem:$0x18CC0] =	vst v63  }
0x89: {  	_ =	swait.ge [sflag:s10], $0x4000  }
0x8a: {  	[sflag:s10] =	ssyncset.done $0x0  }
0x8b: {  	s11 =	simm.s32 $0x2;
	[sflag:s10] =	ssyncadd.s32 $0xFFFFC000  }
0x8c: {  	_ =	swait.ge [sflag:s11], $0x4000  }
0x8d: {  	s13 =	simm.s32 $0x800;
	s12 =	simm.s32 $0x400;
	[sflag:s11] =	ssyncset.done $0x0  }
.LBB2_9:
0x8e: {  	s14 =	sshra.s32 s12, $0x2  }
0x8f: {  	[sflag:s11] =	ssyncadd.s32 $0xFFFFC000;
	s12 =	smov.u32 s13;
	s15 =	sadd.s32 $0x400, s13  }
0x90: {  	[spmem:s3] =	stream.indirect.scatter.add.f32 [tilespmem:s9], [sflag:$0x1], $0x80, s14, s8, $0xb8;
	[tilespmem:$0x18CC0] =	vst v63  }
0x91: {  	p1 =	sne.s32 s13, $0x4C00;
	s13 =	sadd.s32 $0x80, s14  }
0x92: {  	[spmem:s3] =	stream.indirect.scatter.add.f32 [tilespmem:s9], [sflag:$0x2], $0x80, s13, s8, $0xb8;
	[tilespmem:$0x18CC0] =	vst v63  }
.Ltmp4:
0x93: {  	_ =	swait.ge [sflag:s10], $0x4000;
	(pc) =	sbr.rel @p1 .LBB2_9-.Ltmp4, $4  }
0x94: {  	[sflag:s10] =	ssyncset.done $0x0  }
0x95: {  	[sflag:s10] =	ssyncadd.s32 $0xFFFFC000  }
0x96: {  	_ =	swait.ge [sflag:s11], $0x4000  }
0x97: {  	s13 =	smov.u32 s15;
	[sflag:s11] =	ssyncset.done $0x0  }
0x98: {  	s12 =	sshra.s32 s12, $0x2;
	[sflag:s11] =	ssyncadd.s32 $0xFFFFC000  }
0x99: {  	[spmem:s3] =	stream.indirect.scatter.add.f32 [tilespmem:s9], [sflag:$0x1], $0x80, s12, s8, $0xb8;
	[tilespmem:$0x18CC0] =	vst v63  }
0x9a: {  	s12 =	sadd.s32 $0x80, s12  }
0x9b: {  	[spmem:s3] =	stream.indirect.scatter.add.f32 [tilespmem:s9], [sflag:$0x2], $0x80, s12, s8, $0xb8;
	[tilespmem:$0x18CC0] =	vst v63  }
0x9c: {  	_ =	swait.ge [sflag:s10], $0x4000  }
0x9d: {  	[sflag:s10] =	ssyncset.done $0x0  }
0x9e: {  	[sflag:s10] =	ssyncadd.s32 $0xFFFFC000  }
0x9f: {  	_ =	swait.ge [sflag:s11], $0x4000  }
0xa0: {  	[sflag:s11] =	ssyncset.done $0x0  }
0xa1: {  	[sflag:s11] =	ssyncadd.s32 $0xFFFFC000  }
0xa2: {  	s31 =	simm.s32 $0x3;
	[bflag:$0x0] =	sbarrier.arrive $0xFFFF  }
0xa3: {  	[hbm:s7], [sflag:s2] =	dma.local [spmem:s4], $0x2700  }
0xa4: {  	_ =	swait.ge [sflag:s31], $0x2700  }
0xa5: {  	[sflag:s31] =	ssyncset.done $0x0  }
0xa6: {  	[sflag:s31] =	ssyncadd.s32 $0xFFFFD900  }
0xa7: {  	[hbm:s6], [sflag:s2] =	dma.local @!p0 [spmem:s5], $0x100  }
0xa8: {  	s2 =	simm.s32 @!p0 $0x3  }
0xa9: {  	_ =	swait.ge @!p0 [sflag:s2], $0x100  }
0xaa: {  	[sflag:s2] =	ssyncset.done @!p0 $0x0  }
0xab: {  	[sflag:s2] =	ssyncadd.s32 @!p0 $0xFFFFFF00  }
0xac: {  	_ =	sfence.sel $0x180000  }
0xad: {  	[bflag:$0x0] =	sbarrier.arrive $0xFFFF  }
0xae: {  	p0 =	sne.s32 s1, $0x0;
	_ =	strace $0x90000047  }
0xaf: {  	s0 =	sadd.s32 @!p0 $0x100000, s0;
	[bflag:$0x2] =	sbarrier.arrive $0xFFFF  }
0xb0: {  	[sflag:s0] =	ssyncadd.tile.s32 @!p0 $0x1;
	_ =	shalt  }
.Lfunc_end2:
_tile_overlayer_lowered:
.L_overlay_start_2:
0xb1: {  	(tag) =	ssettag $0x2  }
0xb2: {  	s0 =	rddreg [dreg:$0x0];
	s2 =	stileid.u32  }
0xb3: {  	s1 =	rddreg [dreg:$0x1];
	p0 =	sne.s32 s2, $0x0  }
0xb4: {  	s3 =	rddreg [dreg:$0x2];
	[bflag:$0x3] =	sbarrier.arrive $0xFFFF;
	s2 =	simm.s32 @!p0 $0x1C03  }
0xb5: {  	[timem:s3], [sflag:s2] =	dma.local @!p0 [hbm:s0], s1  }
0xb6: {  	s0 =	simm.s32 @!p0 $0x3  }
0xb7: {  	_ =	swait.ge @!p0 [sflag:s0], s1  }
0xb8: {  	s1 =	ssub.s32 @!p0 $0x0, s1;
	[sflag:s0] =	ssyncset.done @!p0 $0x0  }
0xb9: {  	[sflag:s0] =	ssyncadd.s32 @!p0 s1  }
0xba: {  	[bflag:$0x3] =	sbarrier.arrive $0xFFFF  }
0xbb: {  	_ =	shalt  }

</sc_bundles>
